<compile_context>
chip_gen: v7x
topology: tpu7x:2x2x1
jax: 0.10.2.dev20260603
libtpu: 0.0.44.dev20260713+nightly
codegen_flags: <defaults>
</compile_context>

<pallas_src>
import functools

import jax
import jax.numpy as jnp
from jax import lax
from jax.experimental import pallas as pl
from jax.experimental.pallas import tpu as pltpu
from jax.experimental.pallas import tpu_sc as plsc

NC = 2
NS = 16
NW = NC * NS
LANES = 16
EMBED = 128
CHUNK = 128
NBUF = 2


def _sc_partials(x2, score_flat, table, bpw, cpw):
    n_vregs = EMBED // LANES
    mesh = plsc.VectorSubcoreMesh(
        core_axis_name="c", subcore_axis_name="s",
        num_cores=NC, num_subcores=NS)

    @functools.partial(
        pl.kernel,
        out_type=jax.ShapeDtypeStruct((NW, EMBED), jnp.float32),
        mesh=mesh,
        scratch_types=(
            [pltpu.VMEM((cpw, CHUNK), jnp.int32),
             pltpu.VMEM((bpw,), jnp.float32)]
            + [pltpu.VMEM((CHUNK, EMBED), jnp.float32)
               for _ in range(NBUF)]
            + [pltpu.VMEM((EMBED,), jnp.float32)]
            + [pltpu.SemaphoreType.DMA for _ in range(NBUF)]
        ),
    )
    def body(x_hbm, s_hbm, table_hbm, out_hbm, idx_v, score_v, *scratch):
        bufs = scratch[:NBUF]
        part_v = scratch[NBUF]
        sems = scratch[NBUF + 1:]
        wid = lax.axis_index("s") * NC + lax.axis_index("c")
        pltpu.sync_copy(x_hbm.at[pl.ds(wid * cpw, cpw)], idx_v)

        def fire(g, b):
            return pltpu.async_copy(
                table_hbm.at[idx_v.at[g]], bufs[b], sems[b])

        fire(0, 0)
        fire(1, 1)
        pltpu.sync_copy(s_hbm.at[pl.ds(wid * bpw, bpw)], score_v)
        acc0 = tuple(jnp.zeros((LANES,), jnp.float32) for _ in range(n_vregs))

        def pair_body(p, acc):
            for half in range(2):
                g = 2 * p + half
                b = half
                pltpu.make_async_copy(
                    table_hbm.at[idx_v.at[g]], bufs[b], sems[b]).wait()
                rows_v = bufs[b]

                def grp_body(k, a, g=g, rows_v=rows_v):
                    svec = score_v[pl.ds(g * CHUNK + k * LANES, LANES)]
                    for l in range(LANES):
                        sv = jnp.full((LANES,), svec[l])
                        r = k * LANES + l
                        a = tuple(
                            a[j] + rows_v[r, pl.ds(j * LANES, LANES)] * sv
                            for j in range(n_vregs))
                    return a

                acc = plsc.parallel_loop(
                    0, CHUNK // LANES, unroll=1, carry=acc)(grp_body)

                @pl.when(g + 2 < cpw)
                def _(g=g, b=b):
                    fire(g + 2, b)
            return acc

        acc = lax.fori_loop(0, cpw // 2, pair_body, acc0)

        for j in range(n_vregs):
            part_v[pl.ds(j * LANES, LANES)] = acc[j]
        pltpu.sync_copy(part_v, out_hbm.at[wid])

    return body(x2, score_flat, table)


def _tc_finish(partials, W, b2, batch):

    def body(p_ref, w_ref, b_ref, o_ref):
        m = jnp.sum(p_ref[...], axis=0, keepdims=True) * (1.0 / batch)
        val = jnp.sum(m * w_ref[...]).reshape(1, 1) + b_ref[...]
        o_ref[...] = jax.nn.sigmoid(val)

    return pl.pallas_call(
        body,
        out_shape=jax.ShapeDtypeStruct((1, 1), jnp.float32),
    )(partials, W, b2)


def kernel(x, score, table, W, b):
    batch = x.shape[0]
    bpw = batch // NW
    cpw = bpw // CHUNK
    x2 = x.astype(jnp.int32).reshape(NW * cpw, CHUNK)
    score_flat = score.reshape(batch)
    partials = _sc_partials(x2, score_flat, table, bpw, cpw)
    out = _tc_finish(partials, W, b.reshape(1, 1), batch)
    return out.reshape(1)

# --- scband reference (transcript-rebuilt; emitter-appended) ---
"""Pipeline reference for scband-model-42348377538577 (READ-ONLY COPY).

The authoritative reference and input builder live on the scoring server;
editing this copy changes nothing except your own understanding.
"""

import jax, jax.numpy as jnp
import numpy as np

N_TOKENS = 100000
EMBED_DIM = 128
OUT_DIM = 1
BATCH = 16384


def setup_inputs(seed: int = 0) -> dict:
    key = jax.random.key(seed)
    k1, k2, k3, k4, k5 = jax.random.split(key, 5)
    x = jax.random.randint(k1, (BATCH,), 0, N_TOKENS, dtype=jnp.int64 if jax.config.jax_enable_x64 else jnp.int32)
    score = jax.random.uniform(k2, (BATCH, 1), dtype=jnp.float32)
    table = jax.random.normal(k3, (N_TOKENS, EMBED_DIM), dtype=jnp.float32)
    W = jax.random.normal(k4, (OUT_DIM, EMBED_DIM), dtype=jnp.float32) * (1.0 / np.sqrt(EMBED_DIM))
    b = jax.random.normal(k5, (OUT_DIM,), dtype=jnp.float32) * 0.01
    return {"x": x, "score": score, "table": table, "W": W, "b": b}


def reference(x, score, table, W, b):
    # embeddings = self.embedding(x) * score  -> gather then scale
    embeddings = jnp.take(table, x, axis=0) * score  # [BATCH, EMBED_DIM]
    # torch.mean(embeddings, 0)
    mean_emb = jnp.mean(embeddings, axis=0)  # [EMBED_DIM]
    # linear
    out = mean_emb @ W.T + b  # [OUT_DIM]
    # dropout treated as identity (eval mode / deterministic reference)
    # F.sigmoid(out).double() -> sigmoid; kept float32 (jax x64 off by default)
    return jax.nn.sigmoid(out)

if __name__ == "__main__":
    import jax
    _d = setup_inputs()
    print(jax.jit(kernel)(*tuple(_d.values())))

</pallas_src>

<mosaic_0001>
#map = affine_map<(d0, d1) -> (0, 0)>
#map1 = affine_map<(d0, d1) -> (0)>
module attributes {stable_mosaic.version = 14 : i64} {
  func.func @body(%arg0: i32, %arg1: i32, %arg2: memref<128x128xi32, #tpu.memory_space<hbm>>, %arg3: memref<16384xf32, #tpu.memory_space<hbm>>, %arg4: memref<100000x128xf32, #tpu.memory_space<hbm>>, %arg5: memref<32x128xf32, #tpu.memory_space<hbm>>, %arg6: memref<4x128xi32, #tpu.memory_space<vmem>>, %arg7: memref<512xf32, #tpu.memory_space<vmem>>, %arg8: memref<128x128xf32, #tpu.memory_space<vmem>>, %arg9: memref<128x128xf32, #tpu.memory_space<vmem>>, %arg10: memref<128xf32, #tpu.memory_space<vmem>>, %arg11: memref<!tpu.dma_semaphore, #tpu.memory_space<semaphore_mem>>, %arg12: memref<!tpu.dma_semaphore, #tpu.memory_space<semaphore_mem>>) attributes {dimension_semantics = [#tpu.dimension_semantics<core_parallel>, #tpu.dimension_semantics<subcore_parallel>], iteration_bounds = array<i64: 2, 16>, scalar_prefetch = 0 : i64, scratch_operands = 7 : i64, tpu.core_type = #tpu.core_type<sc_vector_subcore>, window_params = [{transform_indices = #map}, {transform_indices = #map1}, {transform_indices = #map}, {transform_indices = #map}]} {
    %mul3A = arith.constant 2 : i32
    %mul3A_0 = arith.muli %arg1, %mul3A : i32
    %add3A = arith.addi %mul3A_0, %arg0 : i32
    %mul3A_1 = arith.constant 4 : i32
    %mul3A_2 = arith.muli %add3A, %mul3A_1 : i32
    "tpu.region"() ({
      %run_scoped3A = tpu.sem_alloc : memref<!tpu.dma_semaphore, #tpu.memory_space<semaphore_mem>>
      %dma_start3A_69 = arith.constant 0 : i32
      %dma_start3A_70 = tpu.memref_slice %arg2[%mul3A_2, %dma_start3A_69] : memref<128x128xi32, #tpu.memory_space<hbm>> -> memref<4x128xi32, #tpu.memory_space<hbm>>
      %dma_start3A_71 = arith.constant 0 : i32
      %dma_start3A_72 = tpu.memref_slice %arg2[%mul3A_2, %dma_start3A_71] : memref<128x128xi32, #tpu.memory_space<hbm>> -> memref<4x128xi32, #tpu.memory_space<hbm>>
      tpu.enqueue_dma source(%dma_start3A_72 : memref<4x128xi32, #tpu.memory_space<hbm>>) target(%arg6 : memref<4x128xi32, #tpu.memory_space<vmem>>) target_semaphore(%run_scoped3A : memref<!tpu.dma_semaphore, #tpu.memory_space<semaphore_mem>>)
      %dma_wait3A = arith.constant 0 : i32
      %dma_wait3A_73 = tpu.memref_slice %arg2[%mul3A_2, %dma_wait3A] : memref<128x128xi32, #tpu.memory_space<hbm>> -> memref<4x128xi32, #tpu.memory_space<hbm>>
      %dma_wait3A_74 = arith.constant 0 : i32
      %dma_wait3A_75 = tpu.memref_slice %arg2[%mul3A_2, %dma_wait3A_74] : memref<128x128xi32, #tpu.memory_space<hbm>> -> memref<4x128xi32, #tpu.memory_space<hbm>>
      tpu.wait_dma2 semaphore(%run_scoped3A : memref<!tpu.dma_semaphore, #tpu.memory_space<semaphore_mem>>) src(%dma_wait3A_75 : memref<4x128xi32, #tpu.memory_space<hbm>>) dst(%arg6 : memref<4x128xi32, #tpu.memory_space<vmem>>)
      tpu.yield
    }) : () -> ()
    %dma_start3A = arith.constant 0 : i32
    %dma_start3A_3 = arith.constant 0 : i32
    %dma_start3A_4 = tpu.memref_slice %arg6[%dma_start3A, %dma_start3A_3] : memref<4x128xi32, #tpu.memory_space<vmem>> -> memref<1x128xi32, #tpu.memory_space<vmem>>
    %dma_start3A_5 = tpu.memref_squeeze %dma_start3A_4 : memref<1x128xi32, #tpu.memory_space<vmem>> -> memref<128xi32, #tpu.memory_space<vmem>>
    %dma_start3A_6 = arith.constant 0 : i32
    %dma_start3A_7 = arith.constant 0 : i32
    %dma_start3A_8 = tpu.memref_slice %arg4[%dma_start3A_6, %dma_start3A_7] : memref<100000x128xf32, #tpu.memory_space<hbm>> -> memref<100000x128xf32, #tpu.memory_space<hbm>>
    tpu.enqueue_indirect_dma source(%dma_start3A_8 : memref<100000x128xf32, #tpu.memory_space<hbm>>) target(%arg8 : memref<128x128xf32, #tpu.memory_space<vmem>>) offsets(%dma_start3A_5 : memref<128xi32, #tpu.memory_space<vmem>>) semaphore(%arg11 : memref<!tpu.dma_semaphore, #tpu.memory_space<semaphore_mem>>)
    %dma_start3A_9 = arith.constant 1 : i32
    %dma_start3A_10 = arith.constant 0 : i32
    %dma_start3A_11 = tpu.memref_slice %arg6[%dma_start3A_9, %dma_start3A_10] : memref<4x128xi32, #tpu.memory_space<vmem>> -> memref<1x128xi32, #tpu.memory_space<vmem>>
    %dma_start3A_12 = tpu.memref_squeeze %dma_start3A_11 : memref<1x128xi32, #tpu.memory_space<vmem>> -> memref<128xi32, #tpu.memory_space<vmem>>
    %dma_start3A_13 = arith.constant 0 : i32
    %dma_start3A_14 = arith.constant 0 : i32
    %dma_start3A_15 = tpu.memref_slice %arg4[%dma_start3A_13, %dma_start3A_14] : memref<100000x128xf32, #tpu.memory_space<hbm>> -> memref<100000x128xf32, #tpu.memory_space<hbm>>
    tpu.enqueue_indirect_dma source(%dma_start3A_15 : memref<100000x128xf32, #tpu.memory_space<hbm>>) target(%arg9 : memref<128x128xf32, #tpu.memory_space<vmem>>) offsets(%dma_start3A_12 : memref<128xi32, #tpu.memory_space<vmem>>) semaphore(%arg12 : memref<!tpu.dma_semaphore, #tpu.memory_space<semaphore_mem>>)
    %mul3A_16 = arith.constant 512 : i32
    %mul3A_17 = arith.muli %add3A, %mul3A_16 : i32
    "tpu.region"() ({
      %run_scoped3A = tpu.sem_alloc : memref<!tpu.dma_semaphore, #tpu.memory_space<semaphore_mem>>
      %dma_start3A_69 = tpu.memref_slice %arg3[%mul3A_17] : memref<16384xf32, #tpu.memory_space<hbm>> -> memref<512xf32, #tpu.memory_space<hbm>>
      %dma_start3A_70 = tpu.memref_slice %arg3[%mul3A_17] : memref<16384xf32, #tpu.memory_space<hbm>> -> memref<512xf32, #tpu.memory_space<hbm>>
      tpu.enqueue_dma source(%dma_start3A_70 : memref<512xf32, #tpu.memory_space<hbm>>) target(%arg7 : memref<512xf32, #tpu.memory_space<vmem>>) target_semaphore(%run_scoped3A : memref<!tpu.dma_semaphore, #tpu.memory_space<semaphore_mem>>)
      %dma_wait3A = tpu.memref_slice %arg3[%mul3A_17] : memref<16384xf32, #tpu.memory_space<hbm>> -> memref<512xf32, #tpu.memory_space<hbm>>
      %dma_wait3A_71 = tpu.memref_slice %arg3[%mul3A_17] : memref<16384xf32, #tpu.memory_space<hbm>> -> memref<512xf32, #tpu.memory_space<hbm>>
      tpu.wait_dma2 semaphore(%run_scoped3A : memref<!tpu.dma_semaphore, #tpu.memory_space<semaphore_mem>>) src(%dma_wait3A_71 : memref<512xf32, #tpu.memory_space<hbm>>) dst(%arg7 : memref<512xf32, #tpu.memory_space<vmem>>)
      tpu.yield
    }) : () -> ()
    %broadcast_in_dim3A = arith.constant 0.000000e+00 : f32
    %broadcast_in_dim3A_18 = vector.broadcast %broadcast_in_dim3A : f32 to vector<16xf32>
    %broadcast_in_dim3A_19 = arith.constant 0.000000e+00 : f32
    %broadcast_in_dim3A_20 = vector.broadcast %broadcast_in_dim3A_19 : f32 to vector<16xf32>
    %broadcast_in_dim3A_21 = arith.constant 0.000000e+00 : f32
    %broadcast_in_dim3A_22 = vector.broadcast %broadcast_in_dim3A_21 : f32 to vector<16xf32>
    %broadcast_in_dim3A_23 = arith.constant 0.000000e+00 : f32
    %broadcast_in_dim3A_24 = vector.broadcast %broadcast_in_dim3A_23 : f32 to vector<16xf32>
    %broadcast_in_dim3A_25 = arith.constant 0.000000e+00 : f32
    %broadcast_in_dim3A_26 = vector.broadcast %broadcast_in_dim3A_25 : f32 to vector<16xf32>
    %broadcast_in_dim3A_27 = arith.constant 0.000000e+00 : f32
    %broadcast_in_dim3A_28 = vector.broadcast %broadcast_in_dim3A_27 : f32 to vector<16xf32>
    %broadcast_in_dim3A_29 = arith.constant 0.000000e+00 : f32
    %broadcast_in_dim3A_30 = vector.broadcast %broadcast_in_dim3A_29 : f32 to vector<16xf32>
    %broadcast_in_dim3A_31 = arith.constant 0.000000e+00 : f32
    %broadcast_in_dim3A_32 = vector.broadcast %broadcast_in_dim3A_31 : f32 to vector<16xf32>
    %scan3A = arith.constant 0 : i32
    %scan3A_33 = arith.constant 2 : i32
    %scan3A_34 = arith.addi %scan3A, %scan3A_33 : i32
    %scan3A_35 = arith.constant 1 : i32
    %scan3A_36:8 = scf.for %scan3A_69 = %scan3A to %scan3A_34 step %scan3A_35 iter_args(%scan3A_70 = %broadcast_in_dim3A_18, %scan3A_71 = %broadcast_in_dim3A_20, %scan3A_72 = %broadcast_in_dim3A_22, %scan3A_73 = %broadcast_in_dim3A_24, %scan3A_74 = %broadcast_in_dim3A_26, %scan3A_75 = %broadcast_in_dim3A_28, %scan3A_76 = %broadcast_in_dim3A_30, %scan3A_77 = %broadcast_in_dim3A_32) -> (vector<16xf32>, vector<16xf32>, vector<16xf32>, vector<16xf32>, vector<16xf32>, vector<16xf32>, vector<16xf32>, vector<16xf32>)  : i32 {
      %mul3A_78 = arith.constant 2 : i32
      %mul3A_79 = arith.muli %mul3A_78, %scan3A_69 : i32
      %add3A_80 = arith.constant 0 : i32
      %add3A_81 = arith.addi %mul3A_79, %add3A_80 : i32
      %dma_wait3A = arith.constant 0 : i32
      %dma_wait3A_82 = tpu.memref_slice %arg6[%add3A_81, %dma_wait3A] : memref<4x128xi32, #tpu.memory_space<vmem>> -> memref<1x128xi32, #tpu.memory_space<vmem>>
      %dma_wait3A_83 = tpu.memref_squeeze %dma_wait3A_82 : memref<1x128xi32, #tpu.memory_space<vmem>> -> memref<128xi32, #tpu.memory_space<vmem>>
      %dma_wait3A_84 = arith.constant 0 : i32
      %dma_wait3A_85 = arith.constant 0 : i32
      %dma_wait3A_86 = tpu.memref_slice %arg4[%dma_wait3A_84, %dma_wait3A_85] : memref<100000x128xf32, #tpu.memory_space<hbm>> -> memref<100000x128xf32, #tpu.memory_space<hbm>>
      tpu.wait_indirect_dma semaphore(%arg11 : memref<!tpu.dma_semaphore, #tpu.memory_space<semaphore_mem>>) src(%dma_wait3A_86 : memref<100000x128xf32, #tpu.memory_space<hbm>>) dst(%arg8 : memref<128x128xf32, #tpu.memory_space<vmem>>)
      %parallel_loop3A = arith.constant 0 : i32
      %parallel_loop3A_87 = arith.constant 8 : i32
      %parallel_loop3A_88 = arith.constant 1 : i32
      %parallel_loop3A_89:8 = scf.for %parallel_loop3A_115 = %parallel_loop3A to %parallel_loop3A_87 step %parallel_loop3A_88 iter_args(%parallel_loop3A_116 = %scan3A_70, %parallel_loop3A_117 = %scan3A_71, %parallel_loop3A_118 = %scan3A_72, %parallel_loop3A_119 = %scan3A_73, %parallel_loop3A_120 = %scan3A_74, %parallel_loop3A_121 = %scan3A_75, %parallel_loop3A_122 = %scan3A_76, %parallel_loop3A_123 = %scan3A_77) -> (vector<16xf32>, vector<16xf32>, vector<16xf32>, vector<16xf32>, vector<16xf32>, vector<16xf32>, vector<16xf32>, vector<16xf32>)  : i32 {
        %parallel_loop3A_124 = arith.constant 128 : i32
        %parallel_loop3A_125 = arith.muli %add3A_81, %parallel_loop3A_124 : i32
        %parallel_loop3A_126 = arith.constant 16 : i32
        %parallel_loop3A_127 = arith.muli %parallel_loop3A_115, %parallel_loop3A_126 : i32
        %parallel_loop3A_128 = arith.addi %parallel_loop3A_125, %parallel_loop3A_127 : i32
        %parallel_loop3A_129 = arith.index_cast %parallel_loop3A_128 : i32 to index
        %parallel_loop3A_130 = tpu.vector_load %arg7[%parallel_loop3A_129] {strides = array<i32>} : memref<512xf32, #tpu.memory_space<vmem>>, vector<16xf32>,
        %parallel_loop3A_131 = vector.shape_cast %parallel_loop3A_130 : vector<16xf32> to vector<16xf32>
        %parallel_loop3A_132 = vector.extract_strided_slice %parallel_loop3A_131 {offsets = [0], sizes = [1], strides = [1]} : vector<16xf32> to vector<1xf32>
        %parallel_loop3A_133 = vector.extract %parallel_loop3A_132[0] : f32 from vector<1xf32>
        %parallel_loop3A_134 = vector.broadcast %parallel_loop3A_133 : f32 to vector<16xf32>
        %parallel_loop3A_135 = arith.constant 16 : i32
        %parallel_loop3A_136 = arith.muli %parallel_loop3A_115, %parallel_loop3A_135 : i32
        %parallel_loop3A_137 = arith.constant 0 : i32
        %parallel_loop3A_138 = arith.addi %parallel_loop3A_136, %parallel_loop3A_137 : i32
        %parallel_loop3A_139 = arith.index_cast %parallel_loop3A_138 : i32 to index
        %parallel_loop3A_140 = arith.constant 0 : index
        %parallel_loop3A_141 = tpu.vector_load %arg8[%parallel_loop3A_139, %parallel_loop3A_140] {strides = array<i32>} : memref<128x128xf32, #tpu.memory_space<vmem>>, vector<1x16xf32>,
        %parallel_loop3A_142 = vector.shape_cast %parallel_loop3A_141 : vector<1x16xf32> to vector<16xf32>
        %parallel_loop3A_143 = arith.mulf %parallel_loop3A_142, %parallel_loop3A_134 : vector<16xf32>
        %parallel_loop3A_144 = arith.addf %parallel_loop3A_116, %parallel_loop3A_143 : vector<16xf32>
        %parallel_loop3A_145 = arith.index_cast %parallel_loop3A_138 : i32 to index
        %parallel_loop3A_146 = arith.constant 16 : index
        %parallel_loop3A_147 = tpu.vector_load %arg8[%parallel_loop3A_145, %parallel_loop3A_146] {strides = array<i32>} : memref<128x128xf32, #tpu.memory_space<vmem>>, vector<1x16xf32>,
        %parallel_loop3A_148 = vector.shape_cast %parallel_loop3A_147 : vector<1x16xf32> to vector<16xf32>
        %parallel_loop3A_149 = arith.mulf %parallel_loop3A_148, %parallel_loop3A_134 : vector<16xf32>
        %parallel_loop3A_150 = arith.addf %parallel_loop3A_117, %parallel_loop3A_149 : vector<16xf32>
        %parallel_loop3A_151 = arith.index_cast %parallel_loop3A_138 : i32 to index
        %parallel_loop3A_152 = arith.constant 32 : index
        %parallel_loop3A_153 = tpu.vector_load %arg8[%parallel_loop3A_151, %parallel_loop3A_152] {strides = array<i32>} : memref<128x128xf32, #tpu.memory_space<vmem>>, vector<1x16xf32>,
        %parallel_loop3A_154 = vector.shape_cast %parallel_loop3A_153 : vector<1x16xf32> to vector<16xf32>
        %parallel_loop3A_155 = arith.mulf %parallel_loop3A_154, %parallel_loop3A_134 : vector<16xf32>
        %parallel_loop3A_156 = arith.addf %parallel_loop3A_118, %parallel_loop3A_155 : vector<16xf32>
        %parallel_loop3A_157 = arith.index_cast %parallel_loop3A_138 : i32 to index
        %parallel_loop3A_158 = arith.constant 48 : index
        %parallel_loop3A_159 = tpu.vector_load %arg8[%parallel_loop3A_157, %parallel_loop3A_158] {strides = array<i32>} : memref<128x128xf32, #tpu.memory_space<vmem>>, vector<1x16xf32>,
        %parallel_loop3A_160 = vector.shape_cast %parallel_loop3A_159 : vector<1x16xf32> to vector<16xf32>
        %parallel_loop3A_161 = arith.mulf %parallel_loop3A_160, %parallel_loop3A_134 : vector<16xf32>
        %parallel_loop3A_162 = arith.addf %parallel_loop3A_119, %parallel_loop3A_161 : vector<16xf32>
        %parallel_loop3A_163 = arith.index_cast %parallel_loop3A_138 : i32 to index
        %parallel_loop3A_164 = arith.constant 64 : index
        %parallel_loop3A_165 = tpu.vector_load %arg8[%parallel_loop3A_163, %parallel_loop3A_164] {strides = array<i32>} : memref<128x128xf32, #tpu.memory_space<vmem>>, vector<1x16xf32>,
        %parallel_loop3A_166 = vector.shape_cast %parallel_loop3A_165 : vector<1x16xf32> to vector<16xf32>
        %parallel_loop3A_167 = arith.mulf %parallel_loop3A_166, %parallel_loop3A_134 : vector<16xf32>
        %parallel_loop3A_168 = arith.addf %parallel_loop3A_120, %parallel_loop3A_167 : vector<16xf32>
        %parallel_loop3A_169 = arith.index_cast %parallel_loop3A_138 : i32 to index
        %parallel_loop3A_170 = arith.constant 80 : index
        %parallel_loop3A_171 = tpu.vector_load %arg8[%parallel_loop3A_169, %parallel_loop3A_170] {strides = array<i32>} : memref<128x128xf32, #tpu.memory_space<vmem>>, vector<1x16xf32>,
        %parallel_loop3A_172 = vector.shape_cast %parallel_loop3A_171 : vector<1x16xf32> to vector<16xf32>
        %parallel_loop3A_173 = arith.mulf %parallel_loop3A_172, %parallel_loop3A_134 : vector<16xf32>
        %parallel_loop3A_174 = arith.addf %parallel_loop3A_121, %parallel_loop3A_173 : vector<16xf32>
        %parallel_loop3A_175 = arith.index_cast %parallel_loop3A_138 : i32 to index
        %parallel_loop3A_176 = arith.constant 96 : index
        %parallel_loop3A_177 = tpu.vector_load %arg8[%parallel_loop3A_175, %parallel_loop3A_176] {strides = array<i32>} : memref<128x128xf32, #tpu.memory_space<vmem>>, vector<1x16xf32>,
        %parallel_loop3A_178 = vector.shape_cast %parallel_loop3A_177 : vector<1x16xf32> to vector<16xf32>
        %parallel_loop3A_179 = arith.mulf %parallel_loop3A_178, %parallel_loop3A_134 : vector<16xf32>
        %parallel_loop3A_180 = arith.addf %parallel_loop3A_122, %parallel_loop3A_179 : vector<16xf32>
        %parallel_loop3A_181 = arith.index_cast %parallel_loop3A_138 : i32 to index
        %parallel_loop3A_182 = arith.constant 112 : index
        %parallel_loop3A_183 = tpu.vector_load %arg8[%parallel_loop3A_181, %parallel_loop3A_182] {strides = array<i32>} : memref<128x128xf32, #tpu.memory_space<vmem>>, vector<1x16xf32>,
        %parallel_loop3A_184 = vector.shape_cast %parallel_loop3A_183 : vector<1x16xf32> to vector<16xf32>
        %parallel_loop3A_185 = arith.mulf %parallel_loop3A_184, %parallel_loop3A_134 : vector<16xf32>
        %parallel_loop3A_186 = arith.addf %parallel_loop3A_123, %parallel_loop3A_185 : vector<16xf32>
        %parallel_loop3A_187 = vector.extract_strided_slice %parallel_loop3A_131 {offsets = [1], sizes = [1], strides = [1]} : vector<16xf32> to vector<1xf32>
        %parallel_loop3A_188 = vector.extract %parallel_loop3A_187[0] : f32 from vector<1xf32>
        %parallel_loop3A_189 = vector.broadcast %parallel_loop3A_188 : f32 to vector<16xf32>
        %parallel_loop3A_190 = arith.constant 16 : i32
        %parallel_loop3A_191 = arith.muli %parallel_loop3A_115, %parallel_loop3A_190 : i32
        %parallel_loop3A_192 = arith.constant 1 : i32
        %parallel_loop3A_193 = arith.addi %parallel_loop3A_191, %parallel_loop3A_192 : i32
        %parallel_loop3A_194 = arith.index_cast %parallel_loop3A_193 : i32 to index
        %parallel_loop3A_195 = arith.constant 0 : index
        %parallel_loop3A_196 = tpu.vector_load %arg8[%parallel_loop3A_194, %parallel_loop3A_195] {strides = array<i32>} : memref<128x128xf32, #tpu.memory_space<vmem>>, vector<1x16xf32>,
        %parallel_loop3A_197 = vector.shape_cast %parallel_loop3A_196 : vector<1x16xf32> to vector<16xf32>
        %parallel_loop3A_198 = arith.mulf %parallel_loop3A_197, %parallel_loop3A_189 : vector<16xf32>
        %parallel_loop3A_199 = arith.addf %parallel_loop3A_144, %parallel_loop3A_198 : vector<16xf32>
        %parallel_loop3A_200 = arith.index_cast %parallel_loop3A_193 : i32 to index
        %parallel_loop3A_201 = arith.constant 16 : index
        %parallel_loop3A_202 = tpu.vector_load %arg8[%parallel_loop3A_200, %parallel_loop3A_201] {strides = array<i32>} : memref<128x128xf32, #tpu.memory_space<vmem>>, vector<1x16xf32>,
        %parallel_loop3A_203 = vector.shape_cast %parallel_loop3A_202 : vector<1x16xf32> to vector<16xf32>
        %parallel_loop3A_204 = arith.mulf %parallel_loop3A_203, %parallel_loop3A_189 : vector<16xf32>
        %parallel_loop3A_205 = arith.addf %parallel_loop3A_150, %parallel_loop3A_204 : vector<16xf32>
        %parallel_loop3A_206 = arith.index_cast %parallel_loop3A_193 : i32 to index
        %parallel_loop3A_207 = arith.constant 32 : index
        %parallel_loop3A_208 = tpu.vector_load %arg8[%parallel_loop3A_206, %parallel_loop3A_207] {strides = array<i32>} : memref<128x128xf32, #tpu.memory_space<vmem>>, vector<1x16xf32>,
        %parallel_loop3A_209 = vector.shape_cast %parallel_loop3A_208 : vector<1x16xf32> to vector<16xf32>
        %parallel_loop3A_210 = arith.mulf %parallel_loop3A_209, %parallel_loop3A_189 : vector<16xf32>
        %parallel_loop3A_211 = arith.addf %parallel_loop3A_156, %parallel_loop3A_210 : vector<16xf32>
        %parallel_loop3A_212 = arith.index_cast %parallel_loop3A_193 : i32 to index
        %parallel_loop3A_213 = arith.constant 48 : index
        %parallel_loop3A_214 = tpu.vector_load %arg8[%parallel_loop3A_212, %parallel_loop3A_213] {strides = array<i32>} : memref<128x128xf32, #tpu.memory_space<vmem>>, vector<1x16xf32>,
        %parallel_loop3A_215 = vector.shape_cast %parallel_loop3A_214 : vector<1x16xf32> to vector<16xf32>
        %parallel_loop3A_216 = arith.mulf %parallel_loop3A_215, %parallel_loop3A_189 : vector<16xf32>
        %parallel_loop3A_217 = arith.addf %parallel_loop3A_162, %parallel_loop3A_216 : vector<16xf32>
        %parallel_loop3A_218 = arith.index_cast %parallel_loop3A_193 : i32 to index
        %parallel_loop3A_219 = arith.constant 64 : index
        %parallel_loop3A_220 = tpu.vector_load %arg8[%parallel_loop3A_218, %parallel_loop3A_219] {strides = array<i32>} : memref<128x128xf32, #tpu.memory_space<vmem>>, vector<1x16xf32>,
        %parallel_loop3A_221 = vector.shape_cast %parallel_loop3A_220 : vector<1x16xf32> to vector<16xf32>
        %parallel_loop3A_222 = arith.mulf %parallel_loop3A_221, %parallel_loop3A_189 : vector<16xf32>
        %parallel_loop3A_223 = arith.addf %parallel_loop3A_168, %parallel_loop3A_222 : vector<16xf32>
        %parallel_loop3A_224 = arith.index_cast %parallel_loop3A_193 : i32 to index
        %parallel_loop3A_225 = arith.constant 80 : index
        %parallel_loop3A_226 = tpu.vector_load %arg8[%parallel_loop3A_224, %parallel_loop3A_225] {strides = array<i32>} : memref<128x128xf32, #tpu.memory_space<vmem>>, vector<1x16xf32>,
        %parallel_loop3A_227 = vector.shape_cast %parallel_loop3A_226 : vector<1x16xf32> to vector<16xf32>
        %parallel_loop3A_228 = arith.mulf %parallel_loop3A_227, %parallel_loop3A_189 : vector<16xf32>
        %parallel_loop3A_229 = arith.addf %parallel_loop3A_174, %parallel_loop3A_228 : vector<16xf32>
        %parallel_loop3A_230 = arith.index_cast %parallel_loop3A_193 : i32 to index
        %parallel_loop3A_231 = arith.constant 96 : index
        %parallel_loop3A_232 = tpu.vector_load %arg8[%parallel_loop3A_230, %parallel_loop3A_231] {strides = array<i32>} : memref<128x128xf32, #tpu.memory_space<vmem>>, vector<1x16xf32>,
        %parallel_loop3A_233 = vector.shape_cast %parallel_loop3A_232 : vector<1x16xf32> to vector<16xf32>
        %parallel_loop3A_234 = arith.mulf %parallel_loop3A_233, %parallel_loop3A_189 : vector<16xf32>
        %parallel_loop3A_235 = arith.addf %parallel_loop3A_180, %parallel_loop3A_234 : vector<16xf32>
        %parallel_loop3A_236 = arith.index_cast %parallel_loop3A_193 : i32 to index
        %parallel_loop3A_237 = arith.constant 112 : index
        %parallel_loop3A_238 = tpu.vector_load %arg8[%parallel_loop3A_236, %parallel_loop3A_237] {strides = array<i32>} : memref<128x128xf32, #tpu.memory_space<vmem>>, vector<1x16xf32>,
        %parallel_loop3A_239 = vector.shape_cast %parallel_loop3A_238 : vector<1x16xf32> to vector<16xf32>
        %parallel_loop3A_240 = arith.mulf %parallel_loop3A_239, %parallel_loop3A_189 : vector<16xf32>
        %parallel_loop3A_241 = arith.addf %parallel_loop3A_186, %parallel_loop3A_240 : vector<16xf32>
        %parallel_loop3A_242 = vector.extract_strided_slice %parallel_loop3A_131 {offsets = [2], sizes = [1], strides = [1]} : vector<16xf32> to vector<1xf32>
        %parallel_loop3A_243 = vector.extract %parallel_loop3A_242[0] : f32 from vector<1xf32>
        %parallel_loop3A_244 = vector.broadcast %parallel_loop3A_243 : f32 to vector<16xf32>
        %parallel_loop3A_245 = arith.constant 16 : i32
        %parallel_loop3A_246 = arith.muli %parallel_loop3A_115, %parallel_loop3A_245 : i32
        %parallel_loop3A_247 = arith.constant 2 : i32
        %parallel_loop3A_248 = arith.addi %parallel_loop3A_246, %parallel_loop3A_247 : i32
        %parallel_loop3A_249 = arith.index_cast %parallel_loop3A_248 : i32 to index
        %parallel_loop3A_250 = arith.constant 0 : index
        %parallel_loop3A_251 = tpu.vector_load %arg8[%parallel_loop3A_249, %parallel_loop3A_250] {strides = array<i32>} : memref<128x128xf32, #tpu.memory_space<vmem>>, vector<1x16xf32>,
        %parallel_loop3A_252 = vector.shape_cast %parallel_loop3A_251 : vector<1x16xf32> to vector<16xf32>
        %parallel_loop3A_253 = arith.mulf %parallel_loop3A_252, %parallel_loop3A_244 : vector<16xf32>
        %parallel_loop3A_254 = arith.addf %parallel_loop3A_199, %parallel_loop3A_253 : vector<16xf32>
        %parallel_loop3A_255 = arith.index_cast %parallel_loop3A_248 : i32 to index
        %parallel_loop3A_256 = arith.constant 16 : index
        %parallel_loop3A_257 = tpu.vector_load %arg8[%parallel_loop3A_255, %parallel_loop3A_256] {strides = array<i32>} : memref<128x128xf32, #tpu.memory_space<vmem>>, vector<1x16xf32>,
        %parallel_loop3A_258 = vector.shape_cast %parallel_loop3A_257 : vector<1x16xf32> to vector<16xf32>
        %parallel_loop3A_259 = arith.mulf %parallel_loop3A_258, %parallel_loop3A_244 : vector<16xf32>
        %parallel_loop3A_260 = arith.addf %parallel_loop3A_205, %parallel_loop3A_259 : vector<16xf32>
        %parallel_loop3A_261 = arith.index_cast %parallel_loop3A_248 : i32 to index
        %parallel_loop3A_262 = arith.constant 32 : index
        %parallel_loop3A_263 = tpu.vector_load %arg8[%parallel_loop3A_261, %parallel_loop3A_262] {strides = array<i32>} : memref<128x128xf32, #tpu.memory_space<vmem>>, vector<1x16xf32>,
        %parallel_loop3A_264 = vector.shape_cast %parallel_loop3A_263 : vector<1x16xf32> to vector<16xf32>
        %parallel_loop3A_265 = arith.mulf %parallel_loop3A_264, %parallel_loop3A_244 : vector<16xf32>
        %parallel_loop3A_266 = arith.addf %parallel_loop3A_211, %parallel_loop3A_265 : vector<16xf32>
        %parallel_loop3A_267 = arith.index_cast %parallel_loop3A_248 : i32 to index
        %parallel_loop3A_268 = arith.constant 48 : index
        %parallel_loop3A_269 = tpu.vector_load %arg8[%parallel_loop3A_267, %parallel_loop3A_268] {strides = array<i32>} : memref<128x128xf32, #tpu.memory_space<vmem>>, vector<1x16xf32>,
        %parallel_loop3A_270 = vector.shape_cast %parallel_loop3A_269 : vector<1x16xf32> to vector<16xf32>
        %parallel_loop3A_271 = arith.mulf %parallel_loop3A_270, %parallel_loop3A_244 : vector<16xf32>
        %parallel_loop3A_272 = arith.addf %parallel_loop3A_217, %parallel_loop3A_271 : vector<16xf32>
        %parallel_loop3A_273 = arith.index_cast %parallel_loop3A_248 : i32 to index
        %parallel_loop3A_274 = arith.constant 64 : index
        %parallel_loop3A_275 = tpu.vector_load %arg8[%parallel_loop3A_273, %parallel_loop3A_274] {strides = array<i32>} : memref<128x128xf32, #tpu.memory_space<vmem>>, vector<1x16xf32>,
        %parallel_loop3A_276 = vector.shape_cast %parallel_loop3A_275 : vector<1x16xf32> to vector<16xf32>
        %parallel_loop3A_277 = arith.mulf %parallel_loop3A_276, %parallel_loop3A_244 : vector<16xf32>
        %parallel_loop3A_278 = arith.addf %parallel_loop3A_223, %parallel_loop3A_277 : vector<16xf32>
        %parallel_loop3A_279 = arith.index_cast %parallel_loop3A_248 : i32 to index
        %parallel_loop3A_280 = arith.constant 80 : index
        %parallel_loop3A_281 = tpu.vector_load %arg8[%parallel_loop3A_279, %parallel_loop3A_280] {strides = array<i32>} : memref<128x128xf32, #tpu.memory_space<vmem>>, vector<1x16xf32>,
        %parallel_loop3A_282 = vector.shape_cast %parallel_loop3A_281 : vector<1x16xf32> to vector<16xf32>
        %parallel_loop3A_283 = arith.mulf %parallel_loop3A_282, %parallel_loop3A_244 : vector<16xf32>
        %parallel_loop3A_284 = arith.addf %parallel_loop3A_229, %parallel_loop3A_283 : vector<16xf32>
        %parallel_loop3A_285 = arith.index_cast %parallel_loop3A_248 : i32 to index
        %parallel_loop3A_286 = arith.constant 96 : index
        %parallel_loop3A_287 = tpu.vector_load %arg8[%parallel_loop3A_285, %parallel_loop3A_286] {strides = array<i32>} : memref<128x128xf32, #tpu.memory_space<vmem>>, vector<1x16xf32>,
        %parallel_loop3A_288 = vector.shape_cast %parallel_loop3A_287 : vector<1x16xf32> to vector<16xf32>
        %parallel_loop3A_289 = arith.mulf %parallel_loop3A_288, %parallel_loop3A_244 : vector<16xf32>
        %parallel_loop3A_290 = arith.addf %parallel_loop3A_235, %parallel_loop3A_289 : vector<16xf32>
        %parallel_loop3A_291 = arith.index_cast %parallel_loop3A_248 : i32 to index
        %parallel_loop3A_292 = arith.constant 112 : index
        %parallel_loop3A_293 = tpu.vector_load %arg8[%parallel_loop3A_291, %parallel_loop3A_292] {strides = array<i32>} : memref<128x128xf32, #tpu.memory_space<vmem>>, vector<1x16xf32>,
        %parallel_loop3A_294 = vector.shape_cast %parallel_loop3A_293 : vector<1x16xf32> to vector<16xf32>
        %parallel_loop3A_295 = arith.mulf %parallel_loop3A_294, %parallel_loop3A_244 : vector<16xf32>
        %parallel_loop3A_296 = arith.addf %parallel_loop3A_241, %parallel_loop3A_295 : vector<16xf32>
        %parallel_loop3A_297 = vector.extract_strided_slice %parallel_loop3A_131 {offsets = [3], sizes = [1], strides = [1]} : vector<16xf32> to vector<1xf32>
        %parallel_loop3A_298 = vector.extract %parallel_loop3A_297[0] : f32 from vector<1xf32>
        %parallel_loop3A_299 = vector.broadcast %parallel_loop3A_298 : f32 to vector<16xf32>
        %parallel_loop3A_300 = arith.constant 16 : i32
        %parallel_loop3A_301 = arith.muli %parallel_loop3A_115, %parallel_loop3A_300 : i32
        %parallel_loop3A_302 = arith.constant 3 : i32
        %parallel_loop3A_303 = arith.addi %parallel_loop3A_301, %parallel_loop3A_302 : i32
        %parallel_loop3A_304 = arith.index_cast %parallel_loop3A_303 : i32 to index
        %parallel_loop3A_305 = arith.constant 0 : index
        %parallel_loop3A_306 = tpu.vector_load %arg8[%parallel_loop3A_304, %parallel_loop3A_305] {strides = array<i32>} : memref<128x128xf32, #tpu.memory_space<vmem>>, vector<1x16xf32>,
        %parallel_loop3A_307 = vector.shape_cast %parallel_loop3A_306 : vector<1x16xf32> to vector<16xf32>
        %parallel_loop3A_308 = arith.mulf %parallel_loop3A_307, %parallel_loop3A_299 : vector<16xf32>
        %parallel_loop3A_309 = arith.addf %parallel_loop3A_254, %parallel_loop3A_308 : vector<16xf32>
        %parallel_loop3A_310 = arith.index_cast %parallel_loop3A_303 : i32 to index
        %parallel_loop3A_311 = arith.constant 16 : index
        %parallel_loop3A_312 = tpu.vector_load %arg8[%parallel_loop3A_310, %parallel_loop3A_311] {strides = array<i32>} : memref<128x128xf32, #tpu.memory_space<vmem>>, vector<1x16xf32>,
        %parallel_loop3A_313 = vector.shape_cast %parallel_loop3A_312 : vector<1x16xf32> to vector<16xf32>
        %parallel_loop3A_314 = arith.mulf %parallel_loop3A_313, %parallel_loop3A_299 : vector<16xf32>
        %parallel_loop3A_315 = arith.addf %parallel_loop3A_260, %parallel_loop3A_314 : vector<16xf32>
        %parallel_loop3A_316 = arith.index_cast %parallel_loop3A_303 : i32 to index
        %parallel_loop3A_317 = arith.constant 32 : index
        %parallel_loop3A_318 = tpu.vector_load %arg8[%parallel_loop3A_316, %parallel_loop3A_317] {strides = array<i32>} : memref<128x128xf32, #tpu.memory_space<vmem>>, vector<1x16xf32>,
        %parallel_loop3A_319 = vector.shape_cast %parallel_loop3A_318 : vector<1x16xf32> to vector<16xf32>
        %parallel_loop3A_320 = arith.mulf %parallel_loop3A_319, %parallel_loop3A_299 : vector<16xf32>
        %parallel_loop3A_321 = arith.addf %parallel_loop3A_266, %parallel_loop3A_320 : vector<16xf32>
        %parallel_loop3A_322 = arith.index_cast %parallel_loop3A_303 : i32 to index
        %parallel_loop3A_323 = arith.constant 48 : index
        %parallel_loop3A_324 = tpu.vector_load %arg8[%parallel_loop3A_322, %parallel_loop3A_323] {strides = array<i32>} : memref<128x128xf32, #tpu.memory_space<vmem>>, vector<1x16xf32>,
        %parallel_loop3A_325 = vector.shape_cast %parallel_loop3A_324 : vector<1x16xf32> to vector<16xf32>
        %parallel_loop3A_326 = arith.mulf %parallel_loop3A_325, %parallel_loop3A_299 : vector<16xf32>
        %parallel_loop3A_327 = arith.addf %parallel_loop3A_272, %parallel_loop3A_326 : vector<16xf32>
        %parallel_loop3A_328 = arith.index_cast %parallel_loop3A_303 : i32 to index
        %parallel_loop3A_329 = arith.constant 64 : index
        %parallel_loop3A_330 = tpu.vector_load %arg8[%parallel_loop3A_328, %parallel_loop3A_329] {strides = array<i32>} : memref<128x128xf32, #tpu.memory_space<vmem>>, vector<1x16xf32>,
        %parallel_loop3A_331 = vector.shape_cast %parallel_loop3A_330 : vector<1x16xf32> to vector<16xf32>
        %parallel_loop3A_332 = arith.mulf %parallel_loop3A_331, %parallel_loop3A_299 : vector<16xf32>
        %parallel_loop3A_333 = arith.addf %parallel_loop3A_278, %parallel_loop3A_332 : vector<16xf32>
        %parallel_loop3A_334 = arith.index_cast %parallel_loop3A_303 : i32 to index
        %parallel_loop3A_335 = arith.constant 80 : index
        %parallel_loop3A_336 = tpu.vector_load %arg8[%parallel_loop3A_334, %parallel_loop3A_335] {strides = array<i32>} : memref<128x128xf32, #tpu.memory_space<vmem>>, vector<1x16xf32>,
        %parallel_loop3A_337 = vector.shape_cast %parallel_loop3A_336 : vector<1x16xf32> to vector<16xf32>
        %parallel_loop3A_338 = arith.mulf %parallel_loop3A_337, %parallel_loop3A_299 : vector<16xf32>
        %parallel_loop3A_339 = arith.addf %parallel_loop3A_284, %parallel_loop3A_338 : vector<16xf32>
        %parallel_loop3A_340 = arith.index_cast %parallel_loop3A_303 : i32 to index
        %parallel_loop3A_341 = arith.constant 96 : index
        %parallel_loop3A_342 = tpu.vector_load %arg8[%parallel_loop3A_340, %parallel_loop3A_341] {strides = array<i32>} : memref<128x128xf32, #tpu.memory_space<vmem>>, vector<1x16xf32>,
        %parallel_loop3A_343 = vector.shape_cast %parallel_loop3A_342 : vector<1x16xf32> to vector<16xf32>
        %parallel_loop3A_344 = arith.mulf %parallel_loop3A_343, %parallel_loop3A_299 : vector<16xf32>
        %parallel_loop3A_345 = arith.addf %parallel_loop3A_290, %parallel_loop3A_344 : vector<16xf32>
        %parallel_loop3A_346 = arith.index_cast %parallel_loop3A_303 : i32 to index
        %parallel_loop3A_347 = arith.constant 112 : index
        %parallel_loop3A_348 = tpu.vector_load %arg8[%parallel_loop3A_346, %parallel_loop3A_347] {strides = array<i32>} : memref<128x128xf32, #tpu.memory_space<vmem>>, vector<1x16xf32>,
        %parallel_loop3A_349 = vector.shape_cast %parallel_loop3A_348 : vector<1x16xf32> to vector<16xf32>
        %parallel_loop3A_350 = arith.mulf %parallel_loop3A_349, %parallel_loop3A_299 : vector<16xf32>
        %parallel_loop3A_351 = arith.addf %parallel_loop3A_296, %parallel_loop3A_350 : vector<16xf32>
        %parallel_loop3A_352 = vector.extract_strided_slice %parallel_loop3A_131 {offsets = [4], sizes = [1], strides = [1]} : vector<16xf32> to vector<1xf32>
        %parallel_loop3A_353 = vector.extract %parallel_loop3A_352[0] : f32 from vector<1xf32>
        %parallel_loop3A_354 = vector.broadcast %parallel_loop3A_353 : f32 to vector<16xf32>
        %parallel_loop3A_355 = arith.constant 16 : i32
        %parallel_loop3A_356 = arith.muli %parallel_loop3A_115, %parallel_loop3A_355 : i32
        %parallel_loop3A_357 = arith.constant 4 : i32
        %parallel_loop3A_358 = arith.addi %parallel_loop3A_356, %parallel_loop3A_357 : i32
        %parallel_loop3A_359 = arith.index_cast %parallel_loop3A_358 : i32 to index
        %parallel_loop3A_360 = arith.constant 0 : index
        %parallel_loop3A_361 = tpu.vector_load %arg8[%parallel_loop3A_359, %parallel_loop3A_360] {strides = array<i32>} : memref<128x128xf32, #tpu.memory_space<vmem>>, vector<1x16xf32>,
        %parallel_loop3A_362 = vector.shape_cast %parallel_loop3A_361 : vector<1x16xf32> to vector<16xf32>
        %parallel_loop3A_363 = arith.mulf %parallel_loop3A_362, %parallel_loop3A_354 : vector<16xf32>
        %parallel_loop3A_364 = arith.addf %parallel_loop3A_309, %parallel_loop3A_363 : vector<16xf32>
        %parallel_loop3A_365 = arith.index_cast %parallel_loop3A_358 : i32 to index
        %parallel_loop3A_366 = arith.constant 16 : index
        %parallel_loop3A_367 = tpu.vector_load %arg8[%parallel_loop3A_365, %parallel_loop3A_366] {strides = array<i32>} : memref<128x128xf32, #tpu.memory_space<vmem>>, vector<1x16xf32>,
        %parallel_loop3A_368 = vector.shape_cast %parallel_loop3A_367 : vector<1x16xf32> to vector<16xf32>
        %parallel_loop3A_369 = arith.mulf %parallel_loop3A_368, %parallel_loop3A_354 : vector<16xf32>
        %parallel_loop3A_370 = arith.addf %parallel_loop3A_315, %parallel_loop3A_369 : vector<16xf32>
        %parallel_loop3A_371 = arith.index_cast %parallel_loop3A_358 : i32 to index
        %parallel_loop3A_372 = arith.constant 32 : index
        %parallel_loop3A_373 = tpu.vector_load %arg8[%parallel_loop3A_371, %parallel_loop3A_372] {strides = array<i32>} : memref<128x128xf32, #tpu.memory_space<vmem>>, vector<1x16xf32>,
        %parallel_loop3A_374 = vector.shape_cast %parallel_loop3A_373 : vector<1x16xf32> to vector<16xf32>
        %parallel_loop3A_375 = arith.mulf %parallel_loop3A_374, %parallel_loop3A_354 : vector<16xf32>
        %parallel_loop3A_376 = arith.addf %parallel_loop3A_321, %parallel_loop3A_375 : vector<16xf32>
        %parallel_loop3A_377 = arith.index_cast %parallel_loop3A_358 : i32 to index
        %parallel_loop3A_378 = arith.constant 48 : index
        %parallel_loop3A_379 = tpu.vector_load %arg8[%parallel_loop3A_377, %parallel_loop3A_378] {strides = array<i32>} : memref<128x128xf32, #tpu.memory_space<vmem>>, vector<1x16xf32>,
        %parallel_loop3A_380 = vector.shape_cast %parallel_loop3A_379 : vector<1x16xf32> to vector<16xf32>
        %parallel_loop3A_381 = arith.mulf %parallel_loop3A_380, %parallel_loop3A_354 : vector<16xf32>
        %parallel_loop3A_382 = arith.addf %parallel_loop3A_327, %parallel_loop3A_381 : vector<16xf32>
        %parallel_loop3A_383 = arith.index_cast %parallel_loop3A_358 : i32 to index
        %parallel_loop3A_384 = arith.constant 64 : index
        %parallel_loop3A_385 = tpu.vector_load %arg8[%parallel_loop3A_383, %parallel_loop3A_384] {strides = array<i32>} : memref<128x128xf32, #tpu.memory_space<vmem>>, vector<1x16xf32>,
        %parallel_loop3A_386 = vector.shape_cast %parallel_loop3A_385 : vector<1x16xf32> to vector<16xf32>
        %parallel_loop3A_387 = arith.mulf %parallel_loop3A_386, %parallel_loop3A_354 : vector<16xf32>
        %parallel_loop3A_388 = arith.addf %parallel_loop3A_333, %parallel_loop3A_387 : vector<16xf32>
        %parallel_loop3A_389 = arith.index_cast %parallel_loop3A_358 : i32 to index
        %parallel_loop3A_390 = arith.constant 80 : index
        %parallel_loop3A_391 = tpu.vector_load %arg8[%parallel_loop3A_389, %parallel_loop3A_390] {strides = array<i32>} : memref<128x128xf32, #tpu.memory_space<vmem>>, vector<1x16xf32>,
        %parallel_loop3A_392 = vector.shape_cast %parallel_loop3A_391 : vector<1x16xf32> to vector<16xf32>
        %parallel_loop3A_393 = arith.mulf %parallel_loop3A_392, %parallel_loop3A_354 : vector<16xf32>
        %parallel_loop3A_394 = arith.addf %parallel_loop3A_339, %parallel_loop3A_393 : vector<16xf32>
        %parallel_loop3A_395 = arith.index_cast %parallel_loop3A_358 : i32 to index
        %parallel_loop3A_396 = arith.constant 96 : index
        %parallel_loop3A_397 = tpu.vector_load %arg8[%parallel_loop3A_395, %parallel_loop3A_396] {strides = array<i32>} : memref<128x128xf32, #tpu.memory_space<vmem>>, vector<1x16xf32>,
        %parallel_loop3A_398 = vector.shape_cast %parallel_loop3A_397 : vector<1x16xf32> to vector<16xf32>
        %parallel_loop3A_399 = arith.mulf %parallel_loop3A_398, %parallel_loop3A_354 : vector<16xf32>
        %parallel_loop3A_400 = arith.addf %parallel_loop3A_345, %parallel_loop3A_399 : vector<16xf32>
        %parallel_loop3A_401 = arith.index_cast %parallel_loop3A_358 : i32 to index
        %parallel_loop3A_402 = arith.constant 112 : index
        %parallel_loop3A_403 = tpu.vector_load %arg8[%parallel_loop3A_401, %parallel_loop3A_402] {strides = array<i32>} : memref<128x128xf32, #tpu.memory_space<vmem>>, vector<1x16xf32>,
        %parallel_loop3A_404 = vector.shape_cast %parallel_loop3A_403 : vector<1x16xf32> to vector<16xf32>
        %parallel_loop3A_405 = arith.mulf %parallel_loop3A_404, %parallel_loop3A_354 : vector<16xf32>
        %parallel_loop3A_406 = arith.addf %parallel_loop3A_351, %parallel_loop3A_405 : vector<16xf32>
        %parallel_loop3A_407 = vector.extract_strided_slice %parallel_loop3A_131 {offsets = [5], sizes = [1], strides = [1]} : vector<16xf32> to vector<1xf32>
        %parallel_loop3A_408 = vector.extract %parallel_loop3A_407[0] : f32 from vector<1xf32>
        %parallel_loop3A_409 = vector.broadcast %parallel_loop3A_408 : f32 to vector<16xf32>
        %parallel_loop3A_410 = arith.constant 16 : i32
        %parallel_loop3A_411 = arith.muli %parallel_loop3A_115, %parallel_loop3A_410 : i32
        %parallel_loop3A_412 = arith.constant 5 : i32
        %parallel_loop3A_413 = arith.addi %parallel_loop3A_411, %parallel_loop3A_412 : i32
        %parallel_loop3A_414 = arith.index_cast %parallel_loop3A_413 : i32 to index
        %parallel_loop3A_415 = arith.constant 0 : index
        %parallel_loop3A_416 = tpu.vector_load %arg8[%parallel_loop3A_414, %parallel_loop3A_415] {strides = array<i32>} : memref<128x128xf32, #tpu.memory_space<vmem>>, vector<1x16xf32>,
        %parallel_loop3A_417 = vector.shape_cast %parallel_loop3A_416 : vector<1x16xf32> to vector<16xf32>
        %parallel_loop3A_418 = arith.mulf %parallel_loop3A_417, %parallel_loop3A_409 : vector<16xf32>
        %parallel_loop3A_419 = arith.addf %parallel_loop3A_364, %parallel_loop3A_418 : vector<16xf32>
        %parallel_loop3A_420 = arith.index_cast %parallel_loop3A_413 : i32 to index
        %parallel_loop3A_421 = arith.constant 16 : index
        %parallel_loop3A_422 = tpu.vector_load %arg8[%parallel_loop3A_420, %parallel_loop3A_421] {strides = array<i32>} : memref<128x128xf32, #tpu.memory_space<vmem>>, vector<1x16xf32>,
        %parallel_loop3A_423 = vector.shape_cast %parallel_loop3A_422 : vector<1x16xf32> to vector<16xf32>
        %parallel_loop3A_424 = arith.mulf %parallel_loop3A_423, %parallel_loop3A_409 : vector<16xf32>
        %parallel_loop3A_425 = arith.addf %parallel_loop3A_370, %parallel_loop3A_424 : vector<16xf32>
        %parallel_loop3A_426 = arith.index_cast %parallel_loop3A_413 : i32 to index
        %parallel_loop3A_427 = arith.constant 32 : index
        %parallel_loop3A_428 = tpu.vector_load %arg8[%parallel_loop3A_426, %parallel_loop3A_427] {strides = array<i32>} : memref<128x128xf32, #tpu.memory_space<vmem>>, vector<1x16xf32>,
        %parallel_loop3A_429 = vector.shape_cast %parallel_loop3A_428 : vector<1x16xf32> to vector<16xf32>
        %parallel_loop3A_430 = arith.mulf %parallel_loop3A_429, %parallel_loop3A_409 : vector<16xf32>
        %parallel_loop3A_431 = arith.addf %parallel_loop3A_376, %parallel_loop3A_430 : vector<16xf32>
        %parallel_loop3A_432 = arith.index_cast %parallel_loop3A_413 : i32 to index
        %parallel_loop3A_433 = arith.constant 48 : index
        %parallel_loop3A_434 = tpu.vector_load %arg8[%parallel_loop3A_432, %parallel_loop3A_433] {strides = array<i32>} : memref<128x128xf32, #tpu.memory_space<vmem>>, vector<1x16xf32>,
        %parallel_loop3A_435 = vector.shape_cast %parallel_loop3A_434 : vector<1x16xf32> to vector<16xf32>
        %parallel_loop3A_436 = arith.mulf %parallel_loop3A_435, %parallel_loop3A_409 : vector<16xf32>
        %parallel_loop3A_437 = arith.addf %parallel_loop3A_382, %parallel_loop3A_436 : vector<16xf32>
        %parallel_loop3A_438 = arith.index_cast %parallel_loop3A_413 : i32 to index
        %parallel_loop3A_439 = arith.constant 64 : index
        %parallel_loop3A_440 = tpu.vector_load %arg8[%parallel_loop3A_438, %parallel_loop3A_439] {strides = array<i32>} : memref<128x128xf32, #tpu.memory_space<vmem>>, vector<1x16xf32>,
        %parallel_loop3A_441 = vector.shape_cast %parallel_loop3A_440 : vector<1x16xf32> to vector<16xf32>
        %parallel_loop3A_442 = arith.mulf %parallel_loop3A_441, %parallel_loop3A_409 : vector<16xf32>
        %parallel_loop3A_443 = arith.addf %parallel_loop3A_388, %parallel_loop3A_442 : vector<16xf32>
        %parallel_loop3A_444 = arith.index_cast %parallel_loop3A_413 : i32 to index
        %parallel_loop3A_445 = arith.constant 80 : index
        %parallel_loop3A_446 = tpu.vector_load %arg8[%parallel_loop3A_444, %parallel_loop3A_445] {strides = array<i32>} : memref<128x128xf32, #tpu.memory_space<vmem>>, vector<1x16xf32>,
        %parallel_loop3A_447 = vector.shape_cast %parallel_loop3A_446 : vector<1x16xf32> to vector<16xf32>
        %parallel_loop3A_448 = arith.mulf %parallel_loop3A_447, %parallel_loop3A_409 : vector<16xf32>
        %parallel_loop3A_449 = arith.addf %parallel_loop3A_394, %parallel_loop3A_448 : vector<16xf32>
        %parallel_loop3A_450 = arith.index_cast %parallel_loop3A_413 : i32 to index
        %parallel_loop3A_451 = arith.constant 96 : index
        %parallel_loop3A_452 = tpu.vector_load %arg8[%parallel_loop3A_450, %parallel_loop3A_451] {strides = array<i32>} : memref<128x128xf32, #tpu.memory_space<vmem>>, vector<1x16xf32>,
        %parallel_loop3A_453 = vector.shape_cast %parallel_loop3A_452 : vector<1x16xf32> to vector<16xf32>
        %parallel_loop3A_454 = arith.mulf %parallel_loop3A_453, %parallel_loop3A_409 : vector<16xf32>
        %parallel_loop3A_455 = arith.addf %parallel_loop3A_400, %parallel_loop3A_454 : vector<16xf32>
        %parallel_loop3A_456 = arith.index_cast %parallel_loop3A_413 : i32 to index
        %parallel_loop3A_457 = arith.constant 112 : index
        %parallel_loop3A_458 = tpu.vector_load %arg8[%parallel_loop3A_456, %parallel_loop3A_457] {strides = array<i32>} : memref<128x128xf32, #tpu.memory_space<vmem>>, vector<1x16xf32>,
        %parallel_loop3A_459 = vector.shape_cast %parallel_loop3A_458 : vector<1x16xf32> to vector<16xf32>
        %parallel_loop3A_460 = arith.mulf %parallel_loop3A_459, %parallel_loop3A_409 : vector<16xf32>
        %parallel_loop3A_461 = arith.addf %parallel_loop3A_406, %parallel_loop3A_460 : vector<16xf32>
        %parallel_loop3A_462 = vector.extract_strided_slice %parallel_loop3A_131 {offsets = [6], sizes = [1], strides = [1]} : vector<16xf32> to vector<1xf32>
        %parallel_loop3A_463 = vector.extract %parallel_loop3A_462[0] : f32 from vector<1xf32>
        %parallel_loop3A_464 = vector.broadcast %parallel_loop3A_463 : f32 to vector<16xf32>
        %parallel_loop3A_465 = arith.constant 16 : i32
        %parallel_loop3A_466 = arith.muli %parallel_loop3A_115, %parallel_loop3A_465 : i32
        %parallel_loop3A_467 = arith.constant 6 : i32
        %parallel_loop3A_468 = arith.addi %parallel_loop3A_466, %parallel_loop3A_467 : i32
        %parallel_loop3A_469 = arith.index_cast %parallel_loop3A_468 : i32 to index
        %parallel_loop3A_470 = arith.constant 0 : index
        %parallel_loop3A_471 = tpu.vector_load %arg8[%parallel_loop3A_469, %parallel_loop3A_470] {strides = array<i32>} : memref<128x128xf32, #tpu.memory_space<vmem>>, vector<1x16xf32>,
        %parallel_loop3A_472 = vector.shape_cast %parallel_loop3A_471 : vector<1x16xf32> to vector<16xf32>
        %parallel_loop3A_473 = arith.mulf %parallel_loop3A_472, %parallel_loop3A_464 : vector<16xf32>
        %parallel_loop3A_474 = arith.addf %parallel_loop3A_419, %parallel_loop3A_473 : vector<16xf32>
        %parallel_loop3A_475 = arith.index_cast %parallel_loop3A_468 : i32 to index
        %parallel_loop3A_476 = arith.constant 16 : index
        %parallel_loop3A_477 = tpu.vector_load %arg8[%parallel_loop3A_475, %parallel_loop3A_476] {strides = array<i32>} : memref<128x128xf32, #tpu.memory_space<vmem>>, vector<1x16xf32>,
        %parallel_loop3A_478 = vector.shape_cast %parallel_loop3A_477 : vector<1x16xf32> to vector<16xf32>
        %parallel_loop3A_479 = arith.mulf %parallel_loop3A_478, %parallel_loop3A_464 : vector<16xf32>
        %parallel_loop3A_480 = arith.addf %parallel_loop3A_425, %parallel_loop3A_479 : vector<16xf32>
        %parallel_loop3A_481 = arith.index_cast %parallel_loop3A_468 : i32 to index
        %parallel_loop3A_482 = arith.constant 32 : index
        %parallel_loop3A_483 = tpu.vector_load %arg8[%parallel_loop3A_481, %parallel_loop3A_482] {strides = array<i32>} : memref<128x128xf32, #tpu.memory_space<vmem>>, vector<1x16xf32>,
        %parallel_loop3A_484 = vector.shape_cast %parallel_loop3A_483 : vector<1x16xf32> to vector<16xf32>
        %parallel_loop3A_485 = arith.mulf %parallel_loop3A_484, %parallel_loop3A_464 : vector<16xf32>
        %parallel_loop3A_486 = arith.addf %parallel_loop3A_431, %parallel_loop3A_485 : vector<16xf32>
        %parallel_loop3A_487 = arith.index_cast %parallel_loop3A_468 : i32 to index
        %parallel_loop3A_488 = arith.constant 48 : index
        %parallel_loop3A_489 = tpu.vector_load %arg8[%parallel_loop3A_487, %parallel_loop3A_488] {strides = array<i32>} : memref<128x128xf32, #tpu.memory_space<vmem>>, vector<1x16xf32>,
        %parallel_loop3A_490 = vector.shape_cast %parallel_loop3A_489 : vector<1x16xf32> to vector<16xf32>
        %parallel_loop3A_491 = arith.mulf %parallel_loop3A_490, %parallel_loop3A_464 : vector<16xf32>
        %parallel_loop3A_492 = arith.addf %parallel_loop3A_437, %parallel_loop3A_491 : vector<16xf32>
        %parallel_loop3A_493 = arith.index_cast %parallel_loop3A_468 : i32 to index
        %parallel_loop3A_494 = arith.constant 64 : index
        %parallel_loop3A_495 = tpu.vector_load %arg8[%parallel_loop3A_493, %parallel_loop3A_494] {strides = array<i32>} : memref<128x128xf32, #tpu.memory_space<vmem>>, vector<1x16xf32>,
        %parallel_loop3A_496 = vector.shape_cast %parallel_loop3A_495 : vector<1x16xf32> to vector<16xf32>
        %parallel_loop3A_497 = arith.mulf %parallel_loop3A_496, %parallel_loop3A_464 : vector<16xf32>
        %parallel_loop3A_498 = arith.addf %parallel_loop3A_443, %parallel_loop3A_497 : vector<16xf32>
        %parallel_loop3A_499 = arith.index_cast %parallel_loop3A_468 : i32 to index
        %parallel_loop3A_500 = arith.constant 80 : index
        %parallel_loop3A_501 = tpu.vector_load %arg8[%parallel_loop3A_499, %parallel_loop3A_500] {strides = array<i32>} : memref<128x128xf32, #tpu.memory_space<vmem>>, vector<1x16xf32>,
        %parallel_loop3A_502 = vector.shape_cast %parallel_loop3A_501 : vector<1x16xf32> to vector<16xf32>
        %parallel_loop3A_503 = arith.mulf %parallel_loop3A_502, %parallel_loop3A_464 : vector<16xf32>
        %parallel_loop3A_504 = arith.addf %parallel_loop3A_449, %parallel_loop3A_503 : vector<16xf32>
        %parallel_loop3A_505 = arith.index_cast %parallel_loop3A_468 : i32 to index
        %parallel_loop3A_506 = arith.constant 96 : index
        %parallel_loop3A_507 = tpu.vector_load %arg8[%parallel_loop3A_505, %parallel_loop3A_506] {strides = array<i32>} : memref<128x128xf32, #tpu.memory_space<vmem>>, vector<1x16xf32>,
        %parallel_loop3A_508 = vector.shape_cast %parallel_loop3A_507 : vector<1x16xf32> to vector<16xf32>
        %parallel_loop3A_509 = arith.mulf %parallel_loop3A_508, %parallel_loop3A_464 : vector<16xf32>
        %parallel_loop3A_510 = arith.addf %parallel_loop3A_455, %parallel_loop3A_509 : vector<16xf32>
        %parallel_loop3A_511 = arith.index_cast %parallel_loop3A_468 : i32 to index
        %parallel_loop3A_512 = arith.constant 112 : index
        %parallel_loop3A_513 = tpu.vector_load %arg8[%parallel_loop3A_511, %parallel_loop3A_512] {strides = array<i32>} : memref<128x128xf32, #tpu.memory_space<vmem>>, vector<1x16xf32>,
        %parallel_loop3A_514 = vector.shape_cast %parallel_loop3A_513 : vector<1x16xf32> to vector<16xf32>
        %parallel_loop3A_515 = arith.mulf %parallel_loop3A_514, %parallel_loop3A_464 : vector<16xf32>
        %parallel_loop3A_516 = arith.addf %parallel_loop3A_461, %parallel_loop3A_515 : vector<16xf32>
        %parallel_loop3A_517 = vector.extract_strided_slice %parallel_loop3A_131 {offsets = [7], sizes = [1], strides = [1]} : vector<16xf32> to vector<1xf32>
        %parallel_loop3A_518 = vector.extract %parallel_loop3A_517[0] : f32 from vector<1xf32>
        %parallel_loop3A_519 = vector.broadcast %parallel_loop3A_518 : f32 to vector<16xf32>
        %parallel_loop3A_520 = arith.constant 16 : i32
        %parallel_loop3A_521 = arith.muli %parallel_loop3A_115, %parallel_loop3A_520 : i32
        %parallel_loop3A_522 = arith.constant 7 : i32
        %parallel_loop3A_523 = arith.addi %parallel_loop3A_521, %parallel_loop3A_522 : i32
        %parallel_loop3A_524 = arith.index_cast %parallel_loop3A_523 : i32 to index
        %parallel_loop3A_525 = arith.constant 0 : index
        %parallel_loop3A_526 = tpu.vector_load %arg8[%parallel_loop3A_524, %parallel_loop3A_525] {strides = array<i32>} : memref<128x128xf32, #tpu.memory_space<vmem>>, vector<1x16xf32>,
        %parallel_loop3A_527 = vector.shape_cast %parallel_loop3A_526 : vector<1x16xf32> to vector<16xf32>
        %parallel_loop3A_528 = arith.mulf %parallel_loop3A_527, %parallel_loop3A_519 : vector<16xf32>
        %parallel_loop3A_529 = arith.addf %parallel_loop3A_474, %parallel_loop3A_528 : vector<16xf32>
        %parallel_loop3A_530 = arith.index_cast %parallel_loop3A_523 : i32 to index
        %parallel_loop3A_531 = arith.constant 16 : index
        %parallel_loop3A_532 = tpu.vector_load %arg8[%parallel_loop3A_530, %parallel_loop3A_531] {strides = array<i32>} : memref<128x128xf32, #tpu.memory_space<vmem>>, vector<1x16xf32>,
        %parallel_loop3A_533 = vector.shape_cast %parallel_loop3A_532 : vector<1x16xf32> to vector<16xf32>
        %parallel_loop3A_534 = arith.mulf %parallel_loop3A_533, %parallel_loop3A_519 : vector<16xf32>
        %parallel_loop3A_535 = arith.addf %parallel_loop3A_480, %parallel_loop3A_534 : vector<16xf32>
        %parallel_loop3A_536 = arith.index_cast %parallel_loop3A_523 : i32 to index
        %parallel_loop3A_537 = arith.constant 32 : index
        %parallel_loop3A_538 = tpu.vector_load %arg8[%parallel_loop3A_536, %parallel_loop3A_537] {strides = array<i32>} : memref<128x128xf32, #tpu.memory_space<vmem>>, vector<1x16xf32>,
        %parallel_loop3A_539 = vector.shape_cast %parallel_loop3A_538 : vector<1x16xf32> to vector<16xf32>
        %parallel_loop3A_540 = arith.mulf %parallel_loop3A_539, %parallel_loop3A_519 : vector<16xf32>
        %parallel_loop3A_541 = arith.addf %parallel_loop3A_486, %parallel_loop3A_540 : vector<16xf32>
        %parallel_loop3A_542 = arith.index_cast %parallel_loop3A_523 : i32 to index
        %parallel_loop3A_543 = arith.constant 48 : index
        %parallel_loop3A_544 = tpu.vector_load %arg8[%parallel_loop3A_542, %parallel_loop3A_543] {strides = array<i32>} : memref<128x128xf32, #tpu.memory_space<vmem>>, vector<1x16xf32>,
        %parallel_loop3A_545 = vector.shape_cast %parallel_loop3A_544 : vector<1x16xf32> to vector<16xf32>
        %parallel_loop3A_546 = arith.mulf %parallel_loop3A_545, %parallel_loop3A_519 : vector<16xf32>
        %parallel_loop3A_547 = arith.addf %parallel_loop3A_492, %parallel_loop3A_546 : vector<16xf32>
        %parallel_loop3A_548 = arith.index_cast %parallel_loop3A_523 : i32 to index
        %parallel_loop3A_549 = arith.constant 64 : index
        %parallel_loop3A_550 = tpu.vector_load %arg8[%parallel_loop3A_548, %parallel_loop3A_549] {strides = array<i32>} : memref<128x128xf32, #tpu.memory_space<vmem>>, vector<1x16xf32>,
        %parallel_loop3A_551 = vector.shape_cast %parallel_loop3A_550 : vector<1x16xf32> to vector<16xf32>
        %parallel_loop3A_552 = arith.mulf %parallel_loop3A_551, %parallel_loop3A_519 : vector<16xf32>
        %parallel_loop3A_553 = arith.addf %parallel_loop3A_498, %parallel_loop3A_552 : vector<16xf32>
        %parallel_loop3A_554 = arith.index_cast %parallel_loop3A_523 : i32 to index
        %parallel_loop3A_555 = arith.constant 80 : index
        %parallel_loop3A_556 = tpu.vector_load %arg8[%parallel_loop3A_554, %parallel_loop3A_555] {strides = array<i32>} : memref<128x128xf32, #tpu.memory_space<vmem>>, vector<1x16xf32>,
        %parallel_loop3A_557 = vector.shape_cast %parallel_loop3A_556 : vector<1x16xf32> to vector<16xf32>
        %parallel_loop3A_558 = arith.mulf %parallel_loop3A_557, %parallel_loop3A_519 : vector<16xf32>
        %parallel_loop3A_559 = arith.addf %parallel_loop3A_504, %parallel_loop3A_558 : vector<16xf32>
        %parallel_loop3A_560 = arith.index_cast %parallel_loop3A_523 : i32 to index
        %parallel_loop3A_561 = arith.constant 96 : index
        %parallel_loop3A_562 = tpu.vector_load %arg8[%parallel_loop3A_560, %parallel_loop3A_561] {strides = array<i32>} : memref<128x128xf32, #tpu.memory_space<vmem>>, vector<1x16xf32>,
        %parallel_loop3A_563 = vector.shape_cast %parallel_loop3A_562 : vector<1x16xf32> to vector<16xf32>
        %parallel_loop3A_564 = arith.mulf %parallel_loop3A_563, %parallel_loop3A_519 : vector<16xf32>
        %parallel_loop3A_565 = arith.addf %parallel_loop3A_510, %parallel_loop3A_564 : vector<16xf32>
        %parallel_loop3A_566 = arith.index_cast %parallel_loop3A_523 : i32 to index
        %parallel_loop3A_567 = arith.constant 112 : index
        %parallel_loop3A_568 = tpu.vector_load %arg8[%parallel_loop3A_566, %parallel_loop3A_567] {strides = array<i32>} : memref<128x128xf32, #tpu.memory_space<vmem>>, vector<1x16xf32>,
        %parallel_loop3A_569 = vector.shape_cast %parallel_loop3A_568 : vector<1x16xf32> to vector<16xf32>
        %parallel_loop3A_570 = arith.mulf %parallel_loop3A_569, %parallel_loop3A_519 : vector<16xf32>
        %parallel_loop3A_571 = arith.addf %parallel_loop3A_516, %parallel_loop3A_570 : vector<16xf32>
        %parallel_loop3A_572 = vector.extract_strided_slice %parallel_loop3A_131 {offsets = [8], sizes = [1], strides = [1]} : vector<16xf32> to vector<1xf32>
        %parallel_loop3A_573 = vector.extract %parallel_loop3A_572[0] : f32 from vector<1xf32>
        %parallel_loop3A_574 = vector.broadcast %parallel_loop3A_573 : f32 to vector<16xf32>
        %parallel_loop3A_575 = arith.constant 16 : i32
        %parallel_loop3A_576 = arith.muli %parallel_loop3A_115, %parallel_loop3A_575 : i32
        %parallel_loop3A_577 = arith.constant 8 : i32
        %parallel_loop3A_578 = arith.addi %parallel_loop3A_576, %parallel_loop3A_577 : i32
        %parallel_loop3A_579 = arith.index_cast %parallel_loop3A_578 : i32 to index
        %parallel_loop3A_580 = arith.constant 0 : index
        %parallel_loop3A_581 = tpu.vector_load %arg8[%parallel_loop3A_579, %parallel_loop3A_580] {strides = array<i32>} : memref<128x128xf32, #tpu.memory_space<vmem>>, vector<1x16xf32>,
        %parallel_loop3A_582 = vector.shape_cast %parallel_loop3A_581 : vector<1x16xf32> to vector<16xf32>
        %parallel_loop3A_583 = arith.mulf %parallel_loop3A_582, %parallel_loop3A_574 : vector<16xf32>
        %parallel_loop3A_584 = arith.addf %parallel_loop3A_529, %parallel_loop3A_583 : vector<16xf32>
        %parallel_loop3A_585 = arith.index_cast %parallel_loop3A_578 : i32 to index
        %parallel_loop3A_586 = arith.constant 16 : index
        %parallel_loop3A_587 = tpu.vector_load %arg8[%parallel_loop3A_585, %parallel_loop3A_586] {strides = array<i32>} : memref<128x128xf32, #tpu.memory_space<vmem>>, vector<1x16xf32>,
        %parallel_loop3A_588 = vector.shape_cast %parallel_loop3A_587 : vector<1x16xf32> to vector<16xf32>
        %parallel_loop3A_589 = arith.mulf %parallel_loop3A_588, %parallel_loop3A_574 : vector<16xf32>
        %parallel_loop3A_590 = arith.addf %parallel_loop3A_535, %parallel_loop3A_589 : vector<16xf32>
        %parallel_loop3A_591 = arith.index_cast %parallel_loop3A_578 : i32 to index
        %parallel_loop3A_592 = arith.constant 32 : index
        %parallel_loop3A_593 = tpu.vector_load %arg8[%parallel_loop3A_591, %parallel_loop3A_592] {strides = array<i32>} : memref<128x128xf32, #tpu.memory_space<vmem>>, vector<1x16xf32>,
        %parallel_loop3A_594 = vector.shape_cast %parallel_loop3A_593 : vector<1x16xf32> to vector<16xf32>
        %parallel_loop3A_595 = arith.mulf %parallel_loop3A_594, %parallel_loop3A_574 : vector<16xf32>
        %parallel_loop3A_596 = arith.addf %parallel_loop3A_541, %parallel_loop3A_595 : vector<16xf32>
        %parallel_loop3A_597 = arith.index_cast %parallel_loop3A_578 : i32 to index
        %parallel_loop3A_598 = arith.constant 48 : index
        %parallel_loop3A_599 = tpu.vector_load %arg8[%parallel_loop3A_597, %parallel_loop3A_598] {strides = array<i32>} : memref<128x128xf32, #tpu.memory_space<vmem>>, vector<1x16xf32>,
        %parallel_loop3A_600 = vector.shape_cast %parallel_loop3A_599 : vector<1x16xf32> to vector<16xf32>
        %parallel_loop3A_601 = arith.mulf %parallel_loop3A_600, %parallel_loop3A_574 : vector<16xf32>
        %parallel_loop3A_602 = arith.addf %parallel_loop3A_547, %parallel_loop3A_601 : vector<16xf32>
        %parallel_loop3A_603 = arith.index_cast %parallel_loop3A_578 : i32 to index
        %parallel_loop3A_604 = arith.constant 64 : index
        %parallel_loop3A_605 = tpu.vector_load %arg8[%parallel_loop3A_603, %parallel_loop3A_604] {strides = array<i32>} : memref<128x128xf32, #tpu.memory_space<vmem>>, vector<1x16xf32>,
        %parallel_loop3A_606 = vector.shape_cast %parallel_loop3A_605 : vector<1x16xf32> to vector<16xf32>
        %parallel_loop3A_607 = arith.mulf %parallel_loop3A_606, %parallel_loop3A_574 : vector<16xf32>
        %parallel_loop3A_608 = arith.addf %parallel_loop3A_553, %parallel_loop3A_607 : vector<16xf32>
        %parallel_loop3A_609 = arith.index_cast %parallel_loop3A_578 : i32 to index
        %parallel_loop3A_610 = arith.constant 80 : index
        %parallel_loop3A_611 = tpu.vector_load %arg8[%parallel_loop3A_609, %parallel_loop3A_610] {strides = array<i32>} : memref<128x128xf32, #tpu.memory_space<vmem>>, vector<1x16xf32>,
        %parallel_loop3A_612 = vector.shape_cast %parallel_loop3A_611 : vector<1x16xf32> to vector<16xf32>
        %parallel_loop3A_613 = arith.mulf %parallel_loop3A_612, %parallel_loop3A_574 : vector<16xf32>
        %parallel_loop3A_614 = arith.addf %parallel_loop3A_559, %parallel_loop3A_613 : vector<16xf32>
        %parallel_loop3A_615 = arith.index_cast %parallel_loop3A_578 : i32 to index
        %parallel_loop3A_616 = arith.constant 96 : index
        %parallel_loop3A_617 = tpu.vector_load %arg8[%parallel_loop3A_615, %parallel_loop3A_616] {strides = array<i32>} : memref<128x128xf32, #tpu.memory_space<vmem>>, vector<1x16xf32>,
        %parallel_loop3A_618 = vector.shape_cast %parallel_loop3A_617 : vector<1x16xf32> to vector<16xf32>
        %parallel_loop3A_619 = arith.mulf %parallel_loop3A_618, %parallel_loop3A_574 : vector<16xf32>
        %parallel_loop3A_620 = arith.addf %parallel_loop3A_565, %parallel_loop3A_619 : vector<16xf32>
        %parallel_loop3A_621 = arith.index_cast %parallel_loop3A_578 : i32 to index
        %parallel_loop3A_622 = arith.constant 112 : index
        %parallel_loop3A_623 = tpu.vector_load %arg8[%parallel_loop3A_621, %parallel_loop3A_622] {strides = array<i32>} : memref<128x128xf32, #tpu.memory_space<vmem>>, vector<1x16xf32>,
        %parallel_loop3A_624 = vector.shape_cast %parallel_loop3A_623 : vector<1x16xf32> to vector<16xf32>
        %parallel_loop3A_625 = arith.mulf %parallel_loop3A_624, %parallel_loop3A_574 : vector<16xf32>
        %parallel_loop3A_626 = arith.addf %parallel_loop3A_571, %parallel_loop3A_625 : vector<16xf32>
        %parallel_loop3A_627 = vector.extract_strided_slice %parallel_loop3A_131 {offsets = [9], sizes = [1], strides = [1]} : vector<16xf32> to vector<1xf32>
        %parallel_loop3A_628 = vector.extract %parallel_loop3A_627[0] : f32 from vector<1xf32>
        %parallel_loop3A_629 = vector.broadcast %parallel_loop3A_628 : f32 to vector<16xf32>
        %parallel_loop3A_630 = arith.constant 16 : i32
        %parallel_loop3A_631 = arith.muli %parallel_loop3A_115, %parallel_loop3A_630 : i32
        %parallel_loop3A_632 = arith.constant 9 : i32
        %parallel_loop3A_633 = arith.addi %parallel_loop3A_631, %parallel_loop3A_632 : i32
        %parallel_loop3A_634 = arith.index_cast %parallel_loop3A_633 : i32 to index
        %parallel_loop3A_635 = arith.constant 0 : index
        %parallel_loop3A_636 = tpu.vector_load %arg8[%parallel_loop3A_634, %parallel_loop3A_635] {strides = array<i32>} : memref<128x128xf32, #tpu.memory_space<vmem>>, vector<1x16xf32>,
        %parallel_loop3A_637 = vector.shape_cast %parallel_loop3A_636 : vector<1x16xf32> to vector<16xf32>
        %parallel_loop3A_638 = arith.mulf %parallel_loop3A_637, %parallel_loop3A_629 : vector<16xf32>
        %parallel_loop3A_639 = arith.addf %parallel_loop3A_584, %parallel_loop3A_638 : vector<16xf32>
        %parallel_loop3A_640 = arith.index_cast %parallel_loop3A_633 : i32 to index
        %parallel_loop3A_641 = arith.constant 16 : index
        %parallel_loop3A_642 = tpu.vector_load %arg8[%parallel_loop3A_640, %parallel_loop3A_641] {strides = array<i32>} : memref<128x128xf32, #tpu.memory_space<vmem>>, vector<1x16xf32>,
        %parallel_loop3A_643 = vector.shape_cast %parallel_loop3A_642 : vector<1x16xf32> to vector<16xf32>
        %parallel_loop3A_644 = arith.mulf %parallel_loop3A_643, %parallel_loop3A_629 : vector<16xf32>
        %parallel_loop3A_645 = arith.addf %parallel_loop3A_590, %parallel_loop3A_644 : vector<16xf32>
        %parallel_loop3A_646 = arith.index_cast %parallel_loop3A_633 : i32 to index
        %parallel_loop3A_647 = arith.constant 32 : index
        %parallel_loop3A_648 = tpu.vector_load %arg8[%parallel_loop3A_646, %parallel_loop3A_647] {strides = array<i32>} : memref<128x128xf32, #tpu.memory_space<vmem>>, vector<1x16xf32>,
        %parallel_loop3A_649 = vector.shape_cast %parallel_loop3A_648 : vector<1x16xf32> to vector<16xf32>
        %parallel_loop3A_650 = arith.mulf %parallel_loop3A_649, %parallel_loop3A_629 : vector<16xf32>
        %parallel_loop3A_651 = arith.addf %parallel_loop3A_596, %parallel_loop3A_650 : vector<16xf32>
        %parallel_loop3A_652 = arith.index_cast %parallel_loop3A_633 : i32 to index
        %parallel_loop3A_653 = arith.constant 48 : index
        %parallel_loop3A_654 = tpu.vector_load %arg8[%parallel_loop3A_652, %parallel_loop3A_653] {strides = array<i32>} : memref<128x128xf32, #tpu.memory_space<vmem>>, vector<1x16xf32>,
        %parallel_loop3A_655 = vector.shape_cast %parallel_loop3A_654 : vector<1x16xf32> to vector<16xf32>
        %parallel_loop3A_656 = arith.mulf %parallel_loop3A_655, %parallel_loop3A_629 : vector<16xf32>
        %parallel_loop3A_657 = arith.addf %parallel_loop3A_602, %parallel_loop3A_656 : vector<16xf32>
        %parallel_loop3A_658 = arith.index_cast %parallel_loop3A_633 : i32 to index
        %parallel_loop3A_659 = arith.constant 64 : index
        %parallel_loop3A_660 = tpu.vector_load %arg8[%parallel_loop3A_658, %parallel_loop3A_659] {strides = array<i32>} : memref<128x128xf32, #tpu.memory_space<vmem>>, vector<1x16xf32>,
        %parallel_loop3A_661 = vector.shape_cast %parallel_loop3A_660 : vector<1x16xf32> to vector<16xf32>
        %parallel_loop3A_662 = arith.mulf %parallel_loop3A_661, %parallel_loop3A_629 : vector<16xf32>
        %parallel_loop3A_663 = arith.addf %parallel_loop3A_608, %parallel_loop3A_662 : vector<16xf32>
        %parallel_loop3A_664 = arith.index_cast %parallel_loop3A_633 : i32 to index
        %parallel_loop3A_665 = arith.constant 80 : index
        %parallel_loop3A_666 = tpu.vector_load %arg8[%parallel_loop3A_664, %parallel_loop3A_665] {strides = array<i32>} : memref<128x128xf32, #tpu.memory_space<vmem>>, vector<1x16xf32>,
        %parallel_loop3A_667 = vector.shape_cast %parallel_loop3A_666 : vector<1x16xf32> to vector<16xf32>
        %parallel_loop3A_668 = arith.mulf %parallel_loop3A_667, %parallel_loop3A_629 : vector<16xf32>
        %parallel_loop3A_669 = arith.addf %parallel_loop3A_614, %parallel_loop3A_668 : vector<16xf32>
        %parallel_loop3A_670 = arith.index_cast %parallel_loop3A_633 : i32 to index
        %parallel_loop3A_671 = arith.constant 96 : index
        %parallel_loop3A_672 = tpu.vector_load %arg8[%parallel_loop3A_670, %parallel_loop3A_671] {strides = array<i32>} : memref<128x128xf32, #tpu.memory_space<vmem>>, vector<1x16xf32>,
        %parallel_loop3A_673 = vector.shape_cast %parallel_loop3A_672 : vector<1x16xf32> to vector<16xf32>
        %parallel_loop3A_674 = arith.mulf %parallel_loop3A_673, %parallel_loop3A_629 : vector<16xf32>
        %parallel_loop3A_675 = arith.addf %parallel_loop3A_620, %parallel_loop3A_674 : vector<16xf32>
        %parallel_loop3A_676 = arith.index_cast %parallel_loop3A_633 : i32 to index
        %parallel_loop3A_677 = arith.constant 112 : index
        %parallel_loop3A_678 = tpu.vector_load %arg8[%parallel_loop3A_676, %parallel_loop3A_677] {strides = array<i32>} : memref<128x128xf32, #tpu.memory_space<vmem>>, vector<1x16xf32>,
        %parallel_loop3A_679 = vector.shape_cast %parallel_loop3A_678 : vector<1x16xf32> to vector<16xf32>
        %parallel_loop3A_680 = arith.mulf %parallel_loop3A_679, %parallel_loop3A_629 : vector<16xf32>
        %parallel_loop3A_681 = arith.addf %parallel_loop3A_626, %parallel_loop3A_680 : vector<16xf32>
        %parallel_loop3A_682 = vector.extract_strided_slice %parallel_loop3A_131 {offsets = [10], sizes = [1], strides = [1]} : vector<16xf32> to vector<1xf32>
        %parallel_loop3A_683 = vector.extract %parallel_loop3A_682[0] : f32 from vector<1xf32>
        %parallel_loop3A_684 = vector.broadcast %parallel_loop3A_683 : f32 to vector<16xf32>
        %parallel_loop3A_685 = arith.constant 16 : i32
        %parallel_loop3A_686 = arith.muli %parallel_loop3A_115, %parallel_loop3A_685 : i32
        %parallel_loop3A_687 = arith.constant 10 : i32
        %parallel_loop3A_688 = arith.addi %parallel_loop3A_686, %parallel_loop3A_687 : i32
        %parallel_loop3A_689 = arith.index_cast %parallel_loop3A_688 : i32 to index
        %parallel_loop3A_690 = arith.constant 0 : index
        %parallel_loop3A_691 = tpu.vector_load %arg8[%parallel_loop3A_689, %parallel_loop3A_690] {strides = array<i32>} : memref<128x128xf32, #tpu.memory_space<vmem>>, vector<1x16xf32>,
        %parallel_loop3A_692 = vector.shape_cast %parallel_loop3A_691 : vector<1x16xf32> to vector<16xf32>
        %parallel_loop3A_693 = arith.mulf %parallel_loop3A_692, %parallel_loop3A_684 : vector<16xf32>
        %parallel_loop3A_694 = arith.addf %parallel_loop3A_639, %parallel_loop3A_693 : vector<16xf32>
        %parallel_loop3A_695 = arith.index_cast %parallel_loop3A_688 : i32 to index
        %parallel_loop3A_696 = arith.constant 16 : index
        %parallel_loop3A_697 = tpu.vector_load %arg8[%parallel_loop3A_695, %parallel_loop3A_696] {strides = array<i32>} : memref<128x128xf32, #tpu.memory_space<vmem>>, vector<1x16xf32>,
        %parallel_loop3A_698 = vector.shape_cast %parallel_loop3A_697 : vector<1x16xf32> to vector<16xf32>
        %parallel_loop3A_699 = arith.mulf %parallel_loop3A_698, %parallel_loop3A_684 : vector<16xf32>
        %parallel_loop3A_700 = arith.addf %parallel_loop3A_645, %parallel_loop3A_699 : vector<16xf32>
        %parallel_loop3A_701 = arith.index_cast %parallel_loop3A_688 : i32 to index
        %parallel_loop3A_702 = arith.constant 32 : index
        %parallel_loop3A_703 = tpu.vector_load %arg8[%parallel_loop3A_701, %parallel_loop3A_702] {strides = array<i32>} : memref<128x128xf32, #tpu.memory_space<vmem>>, vector<1x16xf32>,
        %parallel_loop3A_704 = vector.shape_cast %parallel_loop3A_703 : vector<1x16xf32> to vector<16xf32>
        %parallel_loop3A_705 = arith.mulf %parallel_loop3A_704, %parallel_loop3A_684 : vector<16xf32>
        %parallel_loop3A_706 = arith.addf %parallel_loop3A_651, %parallel_loop3A_705 : vector<16xf32>
        %parallel_loop3A_707 = arith.index_cast %parallel_loop3A_688 : i32 to index
        %parallel_loop3A_708 = arith.constant 48 : index
        %parallel_loop3A_709 = tpu.vector_load %arg8[%parallel_loop3A_707, %parallel_loop3A_708] {strides = array<i32>} : memref<128x128xf32, #tpu.memory_space<vmem>>, vector<1x16xf32>,
        %parallel_loop3A_710 = vector.shape_cast %parallel_loop3A_709 : vector<1x16xf32> to vector<16xf32>
        %parallel_loop3A_711 = arith.mulf %parallel_loop3A_710, %parallel_loop3A_684 : vector<16xf32>
        %parallel_loop3A_712 = arith.addf %parallel_loop3A_657, %parallel_loop3A_711 : vector<16xf32>
        %parallel_loop3A_713 = arith.index_cast %parallel_loop3A_688 : i32 to index
        %parallel_loop3A_714 = arith.constant 64 : index
        %parallel_loop3A_715 = tpu.vector_load %arg8[%parallel_loop3A_713, %parallel_loop3A_714] {strides = array<i32>} : memref<128x128xf32, #tpu.memory_space<vmem>>, vector<1x16xf32>,
        %parallel_loop3A_716 = vector.shape_cast %parallel_loop3A_715 : vector<1x16xf32> to vector<16xf32>
        %parallel_loop3A_717 = arith.mulf %parallel_loop3A_716, %parallel_loop3A_684 : vector<16xf32>
        %parallel_loop3A_718 = arith.addf %parallel_loop3A_663, %parallel_loop3A_717 : vector<16xf32>
        %parallel_loop3A_719 = arith.index_cast %parallel_loop3A_688 : i32 to index
        %parallel_loop3A_720 = arith.constant 80 : index
        %parallel_loop3A_721 = tpu.vector_load %arg8[%parallel_loop3A_719, %parallel_loop3A_720] {strides = array<i32>} : memref<128x128xf32, #tpu.memory_space<vmem>>, vector<1x16xf32>,
        %parallel_loop3A_722 = vector.shape_cast %parallel_loop3A_721 : vector<1x16xf32> to vector<16xf32>
        %parallel_loop3A_723 = arith.mulf %parallel_loop3A_722, %parallel_loop3A_684 : vector<16xf32>
        %parallel_loop3A_724 = arith.addf %parallel_loop3A_669, %parallel_loop3A_723 : vector<16xf32>
        %parallel_loop3A_725 = arith.index_cast %parallel_loop3A_688 : i32 to index
        %parallel_loop3A_726 = arith.constant 96 : index
        %parallel_loop3A_727 = tpu.vector_load %arg8[%parallel_loop3A_725, %parallel_loop3A_726] {strides = array<i32>} : memref<128x128xf32, #tpu.memory_space<vmem>>, vector<1x16xf32>,
        %parallel_loop3A_728 = vector.shape_cast %parallel_loop3A_727 : vector<1x16xf32> to vector<16xf32>
        %parallel_loop3A_729 = arith.mulf %parallel_loop3A_728, %parallel_loop3A_684 : vector<16xf32>
        %parallel_loop3A_730 = arith.addf %parallel_loop3A_675, %parallel_loop3A_729 : vector<16xf32>
        %parallel_loop3A_731 = arith.index_cast %parallel_loop3A_688 : i32 to index
        %parallel_loop3A_732 = arith.constant 112 : index
        %parallel_loop3A_733 = tpu.vector_load %arg8[%parallel_loop3A_731, %parallel_loop3A_732] {strides = array<i32>} : memref<128x128xf32, #tpu.memory_space<vmem>>, vector<1x16xf32>,
        %parallel_loop3A_734 = vector.shape_cast %parallel_loop3A_733 : vector<1x16xf32> to vector<16xf32>
        %parallel_loop3A_735 = arith.mulf %parallel_loop3A_734, %parallel_loop3A_684 : vector<16xf32>
        %parallel_loop3A_736 = arith.addf %parallel_loop3A_681, %parallel_loop3A_735 : vector<16xf32>
        %parallel_loop3A_737 = vector.extract_strided_slice %parallel_loop3A_131 {offsets = [11], sizes = [1], strides = [1]} : vector<16xf32> to vector<1xf32>
        %parallel_loop3A_738 = vector.extract %parallel_loop3A_737[0] : f32 from vector<1xf32>
        %parallel_loop3A_739 = vector.broadcast %parallel_loop3A_738 : f32 to vector<16xf32>
        %parallel_loop3A_740 = arith.constant 16 : i32
        %parallel_loop3A_741 = arith.muli %parallel_loop3A_115, %parallel_loop3A_740 : i32
        %parallel_loop3A_742 = arith.constant 11 : i32
        %parallel_loop3A_743 = arith.addi %parallel_loop3A_741, %parallel_loop3A_742 : i32
        %parallel_loop3A_744 = arith.index_cast %parallel_loop3A_743 : i32 to index
        %parallel_loop3A_745 = arith.constant 0 : index
        %parallel_loop3A_746 = tpu.vector_load %arg8[%parallel_loop3A_744, %parallel_loop3A_745] {strides = array<i32>} : memref<128x128xf32, #tpu.memory_space<vmem>>, vector<1x16xf32>,
        %parallel_loop3A_747 = vector.shape_cast %parallel_loop3A_746 : vector<1x16xf32> to vector<16xf32>
        %parallel_loop3A_748 = arith.mulf %parallel_loop3A_747, %parallel_loop3A_739 : vector<16xf32>
        %parallel_loop3A_749 = arith.addf %parallel_loop3A_694, %parallel_loop3A_748 : vector<16xf32>
        %parallel_loop3A_750 = arith.index_cast %parallel_loop3A_743 : i32 to index
        %parallel_loop3A_751 = arith.constant 16 : index
        %parallel_loop3A_752 = tpu.vector_load %arg8[%parallel_loop3A_750, %parallel_loop3A_751] {strides = array<i32>} : memref<128x128xf32, #tpu.memory_space<vmem>>, vector<1x16xf32>,
        %parallel_loop3A_753 = vector.shape_cast %parallel_loop3A_752 : vector<1x16xf32> to vector<16xf32>
        %parallel_loop3A_754 = arith.mulf %parallel_loop3A_753, %parallel_loop3A_739 : vector<16xf32>
        %parallel_loop3A_755 = arith.addf %parallel_loop3A_700, %parallel_loop3A_754 : vector<16xf32>
        %parallel_loop3A_756 = arith.index_cast %parallel_loop3A_743 : i32 to index
        %parallel_loop3A_757 = arith.constant 32 : index
        %parallel_loop3A_758 = tpu.vector_load %arg8[%parallel_loop3A_756, %parallel_loop3A_757] {strides = array<i32>} : memref<128x128xf32, #tpu.memory_space<vmem>>, vector<1x16xf32>,
        %parallel_loop3A_759 = vector.shape_cast %parallel_loop3A_758 : vector<1x16xf32> to vector<16xf32>
        %parallel_loop3A_760 = arith.mulf %parallel_loop3A_759, %parallel_loop3A_739 : vector<16xf32>
        %parallel_loop3A_761 = arith.addf %parallel_loop3A_706, %parallel_loop3A_760 : vector<16xf32>
        %parallel_loop3A_762 = arith.index_cast %parallel_loop3A_743 : i32 to index
        %parallel_loop3A_763 = arith.constant 48 : index
        %parallel_loop3A_764 = tpu.vector_load %arg8[%parallel_loop3A_762, %parallel_loop3A_763] {strides = array<i32>} : memref<128x128xf32, #tpu.memory_space<vmem>>, vector<1x16xf32>,
        %parallel_loop3A_765 = vector.shape_cast %parallel_loop3A_764 : vector<1x16xf32> to vector<16xf32>
        %parallel_loop3A_766 = arith.mulf %parallel_loop3A_765, %parallel_loop3A_739 : vector<16xf32>
        %parallel_loop3A_767 = arith.addf %parallel_loop3A_712, %parallel_loop3A_766 : vector<16xf32>
        %parallel_loop3A_768 = arith.index_cast %parallel_loop3A_743 : i32 to index
        %parallel_loop3A_769 = arith.constant 64 : index
        %parallel_loop3A_770 = tpu.vector_load %arg8[%parallel_loop3A_768, %parallel_loop3A_769] {strides = array<i32>} : memref<128x128xf32, #tpu.memory_space<vmem>>, vector<1x16xf32>,
        %parallel_loop3A_771 = vector.shape_cast %parallel_loop3A_770 : vector<1x16xf32> to vector<16xf32>
        %parallel_loop3A_772 = arith.mulf %parallel_loop3A_771, %parallel_loop3A_739 : vector<16xf32>
        %parallel_loop3A_773 = arith.addf %parallel_loop3A_718, %parallel_loop3A_772 : vector<16xf32>
        %parallel_loop3A_774 = arith.index_cast %parallel_loop3A_743 : i32 to index
        %parallel_loop3A_775 = arith.constant 80 : index
        %parallel_loop3A_776 = tpu.vector_load %arg8[%parallel_loop3A_774, %parallel_loop3A_775] {strides = array<i32>} : memref<128x128xf32, #tpu.memory_space<vmem>>, vector<1x16xf32>,
        %parallel_loop3A_777 = vector.shape_cast %parallel_loop3A_776 : vector<1x16xf32> to vector<16xf32>
        %parallel_loop3A_778 = arith.mulf %parallel_loop3A_777, %parallel_loop3A_739 : vector<16xf32>
        %parallel_loop3A_779 = arith.addf %parallel_loop3A_724, %parallel_loop3A_778 : vector<16xf32>
        %parallel_loop3A_780 = arith.index_cast %parallel_loop3A_743 : i32 to index
        %parallel_loop3A_781 = arith.constant 96 : index
        %parallel_loop3A_782 = tpu.vector_load %arg8[%parallel_loop3A_780, %parallel_loop3A_781] {strides = array<i32>} : memref<128x128xf32, #tpu.memory_space<vmem>>, vector<1x16xf32>,
        %parallel_loop3A_783 = vector.shape_cast %parallel_loop3A_782 : vector<1x16xf32> to vector<16xf32>
        %parallel_loop3A_784 = arith.mulf %parallel_loop3A_783, %parallel_loop3A_739 : vector<16xf32>
        %parallel_loop3A_785 = arith.addf %parallel_loop3A_730, %parallel_loop3A_784 : vector<16xf32>
        %parallel_loop3A_786 = arith.index_cast %parallel_loop3A_743 : i32 to index
        %parallel_loop3A_787 = arith.constant 112 : index
        %parallel_loop3A_788 = tpu.vector_load %arg8[%parallel_loop3A_786, %parallel_loop3A_787] {strides = array<i32>} : memref<128x128xf32, #tpu.memory_space<vmem>>, vector<1x16xf32>,
        %parallel_loop3A_789 = vector.shape_cast %parallel_loop3A_788 : vector<1x16xf32> to vector<16xf32>
        %parallel_loop3A_790 = arith.mulf %parallel_loop3A_789, %parallel_loop3A_739 : vector<16xf32>
        %parallel_loop3A_791 = arith.addf %parallel_loop3A_736, %parallel_loop3A_790 : vector<16xf32>
        %parallel_loop3A_792 = vector.extract_strided_slice %parallel_loop3A_131 {offsets = [12], sizes = [1], strides = [1]} : vector<16xf32> to vector<1xf32>
        %parallel_loop3A_793 = vector.extract %parallel_loop3A_792[0] : f32 from vector<1xf32>
        %parallel_loop3A_794 = vector.broadcast %parallel_loop3A_793 : f32 to vector<16xf32>
        %parallel_loop3A_795 = arith.constant 16 : i32
        %parallel_loop3A_796 = arith.muli %parallel_loop3A_115, %parallel_loop3A_795 : i32
        %parallel_loop3A_797 = arith.constant 12 : i32
        %parallel_loop3A_798 = arith.addi %parallel_loop3A_796, %parallel_loop3A_797 : i32
        %parallel_loop3A_799 = arith.index_cast %parallel_loop3A_798 : i32 to index
        %parallel_loop3A_800 = arith.constant 0 : index
        %parallel_loop3A_801 = tpu.vector_load %arg8[%parallel_loop3A_799, %parallel_loop3A_800] {strides = array<i32>} : memref<128x128xf32, #tpu.memory_space<vmem>>, vector<1x16xf32>,
        %parallel_loop3A_802 = vector.shape_cast %parallel_loop3A_801 : vector<1x16xf32> to vector<16xf32>
        %parallel_loop3A_803 = arith.mulf %parallel_loop3A_802, %parallel_loop3A_794 : vector<16xf32>
        %parallel_loop3A_804 = arith.addf %parallel_loop3A_749, %parallel_loop3A_803 : vector<16xf32>
        %parallel_loop3A_805 = arith.index_cast %parallel_loop3A_798 : i32 to index
        %parallel_loop3A_806 = arith.constant 16 : index
        %parallel_loop3A_807 = tpu.vector_load %arg8[%parallel_loop3A_805, %parallel_loop3A_806] {strides = array<i32>} : memref<128x128xf32, #tpu.memory_space<vmem>>, vector<1x16xf32>,
        %parallel_loop3A_808 = vector.shape_cast %parallel_loop3A_807 : vector<1x16xf32> to vector<16xf32>
        %parallel_loop3A_809 = arith.mulf %parallel_loop3A_808, %parallel_loop3A_794 : vector<16xf32>
        %parallel_loop3A_810 = arith.addf %parallel_loop3A_755, %parallel_loop3A_809 : vector<16xf32>
        %parallel_loop3A_811 = arith.index_cast %parallel_loop3A_798 : i32 to index
        %parallel_loop3A_812 = arith.constant 32 : index
        %parallel_loop3A_813 = tpu.vector_load %arg8[%parallel_loop3A_811, %parallel_loop3A_812] {strides = array<i32>} : memref<128x128xf32, #tpu.memory_space<vmem>>, vector<1x16xf32>,
        %parallel_loop3A_814 = vector.shape_cast %parallel_loop3A_813 : vector<1x16xf32> to vector<16xf32>
        %parallel_loop3A_815 = arith.mulf %parallel_loop3A_814, %parallel_loop3A_794 : vector<16xf32>
        %parallel_loop3A_816 = arith.addf %parallel_loop3A_761, %parallel_loop3A_815 : vector<16xf32>
        %parallel_loop3A_817 = arith.index_cast %parallel_loop3A_798 : i32 to index
        %parallel_loop3A_818 = arith.constant 48 : index
        %parallel_loop3A_819 = tpu.vector_load %arg8[%parallel_loop3A_817, %parallel_loop3A_818] {strides = array<i32>} : memref<128x128xf32, #tpu.memory_space<vmem>>, vector<1x16xf32>,
        %parallel_loop3A_820 = vector.shape_cast %parallel_loop3A_819 : vector<1x16xf32> to vector<16xf32>
        %parallel_loop3A_821 = arith.mulf %parallel_loop3A_820, %parallel_loop3A_794 : vector<16xf32>
        %parallel_loop3A_822 = arith.addf %parallel_loop3A_767, %parallel_loop3A_821 : vector<16xf32>
        %parallel_loop3A_823 = arith.index_cast %parallel_loop3A_798 : i32 to index
        %parallel_loop3A_824 = arith.constant 64 : index
        %parallel_loop3A_825 = tpu.vector_load %arg8[%parallel_loop3A_823, %parallel_loop3A_824] {strides = array<i32>} : memref<128x128xf32, #tpu.memory_space<vmem>>, vector<1x16xf32>,
        %parallel_loop3A_826 = vector.shape_cast %parallel_loop3A_825 : vector<1x16xf32> to vector<16xf32>
        %parallel_loop3A_827 = arith.mulf %parallel_loop3A_826, %parallel_loop3A_794 : vector<16xf32>
        %parallel_loop3A_828 = arith.addf %parallel_loop3A_773, %parallel_loop3A_827 : vector<16xf32>
        %parallel_loop3A_829 = arith.index_cast %parallel_loop3A_798 : i32 to index
        %parallel_loop3A_830 = arith.constant 80 : index
        %parallel_loop3A_831 = tpu.vector_load %arg8[%parallel_loop3A_829, %parallel_loop3A_830] {strides = array<i32>} : memref<128x128xf32, #tpu.memory_space<vmem>>, vector<1x16xf32>,
        %parallel_loop3A_832 = vector.shape_cast %parallel_loop3A_831 : vector<1x16xf32> to vector<16xf32>
        %parallel_loop3A_833 = arith.mulf %parallel_loop3A_832, %parallel_loop3A_794 : vector<16xf32>
        %parallel_loop3A_834 = arith.addf %parallel_loop3A_779, %parallel_loop3A_833 : vector<16xf32>
        %parallel_loop3A_835 = arith.index_cast %parallel_loop3A_798 : i32 to index
        %parallel_loop3A_836 = arith.constant 96 : index
        %parallel_loop3A_837 = tpu.vector_load %arg8[%parallel_loop3A_835, %parallel_loop3A_836] {strides = array<i32>} : memref<128x128xf32, #tpu.memory_space<vmem>>, vector<1x16xf32>,
        %parallel_loop3A_838 = vector.shape_cast %parallel_loop3A_837 : vector<1x16xf32> to vector<16xf32>
        %parallel_loop3A_839 = arith.mulf %parallel_loop3A_838, %parallel_loop3A_794 : vector<16xf32>
        %parallel_loop3A_840 = arith.addf %parallel_loop3A_785, %parallel_loop3A_839 : vector<16xf32>
        %parallel_loop3A_841 = arith.index_cast %parallel_loop3A_798 : i32 to index
        %parallel_loop3A_842 = arith.constant 112 : index
        %parallel_loop3A_843 = tpu.vector_load %arg8[%parallel_loop3A_841, %parallel_loop3A_842] {strides = array<i32>} : memref<128x128xf32, #tpu.memory_space<vmem>>, vector<1x16xf32>,
        %parallel_loop3A_844 = vector.shape_cast %parallel_loop3A_843 : vector<1x16xf32> to vector<16xf32>
        %parallel_loop3A_845 = arith.mulf %parallel_loop3A_844, %parallel_loop3A_794 : vector<16xf32>
        %parallel_loop3A_846 = arith.addf %parallel_loop3A_791, %parallel_loop3A_845 : vector<16xf32>
        %parallel_loop3A_847 = vector.extract_strided_slice %parallel_loop3A_131 {offsets = [13], sizes = [1], strides = [1]} : vector<16xf32> to vector<1xf32>
        %parallel_loop3A_848 = vector.extract %parallel_loop3A_847[0] : f32 from vector<1xf32>
        %parallel_loop3A_849 = vector.broadcast %parallel_loop3A_848 : f32 to vector<16xf32>
        %parallel_loop3A_850 = arith.constant 16 : i32
        %parallel_loop3A_851 = arith.muli %parallel_loop3A_115, %parallel_loop3A_850 : i32
        %parallel_loop3A_852 = arith.constant 13 : i32
        %parallel_loop3A_853 = arith.addi %parallel_loop3A_851, %parallel_loop3A_852 : i32
        %parallel_loop3A_854 = arith.index_cast %parallel_loop3A_853 : i32 to index
        %parallel_loop3A_855 = arith.constant 0 : index
        %parallel_loop3A_856 = tpu.vector_load %arg8[%parallel_loop3A_854, %parallel_loop3A_855] {strides = array<i32>} : memref<128x128xf32, #tpu.memory_space<vmem>>, vector<1x16xf32>,
        %parallel_loop3A_857 = vector.shape_cast %parallel_loop3A_856 : vector<1x16xf32> to vector<16xf32>
        %parallel_loop3A_858 = arith.mulf %parallel_loop3A_857, %parallel_loop3A_849 : vector<16xf32>
        %parallel_loop3A_859 = arith.addf %parallel_loop3A_804, %parallel_loop3A_858 : vector<16xf32>
        %parallel_loop3A_860 = arith.index_cast %parallel_loop3A_853 : i32 to index
        %parallel_loop3A_861 = arith.constant 16 : index
        %parallel_loop3A_862 = tpu.vector_load %arg8[%parallel_loop3A_860, %parallel_loop3A_861] {strides = array<i32>} : memref<128x128xf32, #tpu.memory_space<vmem>>, vector<1x16xf32>,
        %parallel_loop3A_863 = vector.shape_cast %parallel_loop3A_862 : vector<1x16xf32> to vector<16xf32>
        %parallel_loop3A_864 = arith.mulf %parallel_loop3A_863, %parallel_loop3A_849 : vector<16xf32>
        %parallel_loop3A_865 = arith.addf %parallel_loop3A_810, %parallel_loop3A_864 : vector<16xf32>
        %parallel_loop3A_866 = arith.index_cast %parallel_loop3A_853 : i32 to index
        %parallel_loop3A_867 = arith.constant 32 : index
        %parallel_loop3A_868 = tpu.vector_load %arg8[%parallel_loop3A_866, %parallel_loop3A_867] {strides = array<i32>} : memref<128x128xf32, #tpu.memory_space<vmem>>, vector<1x16xf32>,
        %parallel_loop3A_869 = vector.shape_cast %parallel_loop3A_868 : vector<1x16xf32> to vector<16xf32>
        %parallel_loop3A_870 = arith.mulf %parallel_loop3A_869, %parallel_loop3A_849 : vector<16xf32>
        %parallel_loop3A_871 = arith.addf %parallel_loop3A_816, %parallel_loop3A_870 : vector<16xf32>
        %parallel_loop3A_872 = arith.index_cast %parallel_loop3A_853 : i32 to index
        %parallel_loop3A_873 = arith.constant 48 : index
        %parallel_loop3A_874 = tpu.vector_load %arg8[%parallel_loop3A_872, %parallel_loop3A_873] {strides = array<i32>} : memref<128x128xf32, #tpu.memory_space<vmem>>, vector<1x16xf32>,
        %parallel_loop3A_875 = vector.shape_cast %parallel_loop3A_874 : vector<1x16xf32> to vector<16xf32>
        %parallel_loop3A_876 = arith.mulf %parallel_loop3A_875, %parallel_loop3A_849 : vector<16xf32>
        %parallel_loop3A_877 = arith.addf %parallel_loop3A_822, %parallel_loop3A_876 : vector<16xf32>
        %parallel_loop3A_878 = arith.index_cast %parallel_loop3A_853 : i32 to index
        %parallel_loop3A_879 = arith.constant 64 : index
        %parallel_loop3A_880 = tpu.vector_load %arg8[%parallel_loop3A_878, %parallel_loop3A_879] {strides = array<i32>} : memref<128x128xf32, #tpu.memory_space<vmem>>, vector<1x16xf32>,
        %parallel_loop3A_881 = vector.shape_cast %parallel_loop3A_880 : vector<1x16xf32> to vector<16xf32>
        %parallel_loop3A_882 = arith.mulf %parallel_loop3A_881, %parallel_loop3A_849 : vector<16xf32>
        %parallel_loop3A_883 = arith.addf %parallel_loop3A_828, %parallel_loop3A_882 : vector<16xf32>
        %parallel_loop3A_884 = arith.index_cast %parallel_loop3A_853 : i32 to index
        %parallel_loop3A_885 = arith.constant 80 : index
        %parallel_loop3A_886 = tpu.vector_load %arg8[%parallel_loop3A_884, %parallel_loop3A_885] {strides = array<i32>} : memref<128x128xf32, #tpu.memory_space<vmem>>, vector<1x16xf32>,
        %parallel_loop3A_887 = vector.shape_cast %parallel_loop3A_886 : vector<1x16xf32> to vector<16xf32>
        %parallel_loop3A_888 = arith.mulf %parallel_loop3A_887, %parallel_loop3A_849 : vector<16xf32>
        %parallel_loop3A_889 = arith.addf %parallel_loop3A_834, %parallel_loop3A_888 : vector<16xf32>
        %parallel_loop3A_890 = arith.index_cast %parallel_loop3A_853 : i32 to index
        %parallel_loop3A_891 = arith.constant 96 : index
        %parallel_loop3A_892 = tpu.vector_load %arg8[%parallel_loop3A_890, %parallel_loop3A_891] {strides = array<i32>} : memref<128x128xf32, #tpu.memory_space<vmem>>, vector<1x16xf32>,
        %parallel_loop3A_893 = vector.shape_cast %parallel_loop3A_892 : vector<1x16xf32> to vector<16xf32>
        %parallel_loop3A_894 = arith.mulf %parallel_loop3A_893, %parallel_loop3A_849 : vector<16xf32>
        %parallel_loop3A_895 = arith.addf %parallel_loop3A_840, %parallel_loop3A_894 : vector<16xf32>
        %parallel_loop3A_896 = arith.index_cast %parallel_loop3A_853 : i32 to index
        %parallel_loop3A_897 = arith.constant 112 : index
        %parallel_loop3A_898 = tpu.vector_load %arg8[%parallel_loop3A_896, %parallel_loop3A_897] {strides = array<i32>} : memref<128x128xf32, #tpu.memory_space<vmem>>, vector<1x16xf32>,
        %parallel_loop3A_899 = vector.shape_cast %parallel_loop3A_898 : vector<1x16xf32> to vector<16xf32>
        %parallel_loop3A_900 = arith.mulf %parallel_loop3A_899, %parallel_loop3A_849 : vector<16xf32>
        %parallel_loop3A_901 = arith.addf %parallel_loop3A_846, %parallel_loop3A_900 : vector<16xf32>
        %parallel_loop3A_902 = vector.extract_strided_slice %parallel_loop3A_131 {offsets = [14], sizes = [1], strides = [1]} : vector<16xf32> to vector<1xf32>
        %parallel_loop3A_903 = vector.extract %parallel_loop3A_902[0] : f32 from vector<1xf32>
        %parallel_loop3A_904 = vector.broadcast %parallel_loop3A_903 : f32 to vector<16xf32>
        %parallel_loop3A_905 = arith.constant 16 : i32
        %parallel_loop3A_906 = arith.muli %parallel_loop3A_115, %parallel_loop3A_905 : i32
        %parallel_loop3A_907 = arith.constant 14 : i32
        %parallel_loop3A_908 = arith.addi %parallel_loop3A_906, %parallel_loop3A_907 : i32
        %parallel_loop3A_909 = arith.index_cast %parallel_loop3A_908 : i32 to index
        %parallel_loop3A_910 = arith.constant 0 : index
        %parallel_loop3A_911 = tpu.vector_load %arg8[%parallel_loop3A_909, %parallel_loop3A_910] {strides = array<i32>} : memref<128x128xf32, #tpu.memory_space<vmem>>, vector<1x16xf32>,
        %parallel_loop3A_912 = vector.shape_cast %parallel_loop3A_911 : vector<1x16xf32> to vector<16xf32>
        %parallel_loop3A_913 = arith.mulf %parallel_loop3A_912, %parallel_loop3A_904 : vector<16xf32>
        %parallel_loop3A_914 = arith.addf %parallel_loop3A_859, %parallel_loop3A_913 : vector<16xf32>
        %parallel_loop3A_915 = arith.index_cast %parallel_loop3A_908 : i32 to index
        %parallel_loop3A_916 = arith.constant 16 : index
        %parallel_loop3A_917 = tpu.vector_load %arg8[%parallel_loop3A_915, %parallel_loop3A_916] {strides = array<i32>} : memref<128x128xf32, #tpu.memory_space<vmem>>, vector<1x16xf32>,
        %parallel_loop3A_918 = vector.shape_cast %parallel_loop3A_917 : vector<1x16xf32> to vector<16xf32>
        %parallel_loop3A_919 = arith.mulf %parallel_loop3A_918, %parallel_loop3A_904 : vector<16xf32>
        %parallel_loop3A_920 = arith.addf %parallel_loop3A_865, %parallel_loop3A_919 : vector<16xf32>
        %parallel_loop3A_921 = arith.index_cast %parallel_loop3A_908 : i32 to index
        %parallel_loop3A_922 = arith.constant 32 : index
        %parallel_loop3A_923 = tpu.vector_load %arg8[%parallel_loop3A_921, %parallel_loop3A_922] {strides = array<i32>} : memref<128x128xf32, #tpu.memory_space<vmem>>, vector<1x16xf32>,
        %parallel_loop3A_924 = vector.shape_cast %parallel_loop3A_923 : vector<1x16xf32> to vector<16xf32>
        %parallel_loop3A_925 = arith.mulf %parallel_loop3A_924, %parallel_loop3A_904 : vector<16xf32>
        %parallel_loop3A_926 = arith.addf %parallel_loop3A_871, %parallel_loop3A_925 : vector<16xf32>
        %parallel_loop3A_927 = arith.index_cast %parallel_loop3A_908 : i32 to index
        %parallel_loop3A_928 = arith.constant 48 : index
        %parallel_loop3A_929 = tpu.vector_load %arg8[%parallel_loop3A_927, %parallel_loop3A_928] {strides = array<i32>} : memref<128x128xf32, #tpu.memory_space<vmem>>, vector<1x16xf32>,
        %parallel_loop3A_930 = vector.shape_cast %parallel_loop3A_929 : vector<1x16xf32> to vector<16xf32>
        %parallel_loop3A_931 = arith.mulf %parallel_loop3A_930, %parallel_loop3A_904 : vector<16xf32>
        %parallel_loop3A_932 = arith.addf %parallel_loop3A_877, %parallel_loop3A_931 : vector<16xf32>
        %parallel_loop3A_933 = arith.index_cast %parallel_loop3A_908 : i32 to index
        %parallel_loop3A_934 = arith.constant 64 : index
        %parallel_loop3A_935 = tpu.vector_load %arg8[%parallel_loop3A_933, %parallel_loop3A_934] {strides = array<i32>} : memref<128x128xf32, #tpu.memory_space<vmem>>, vector<1x16xf32>,
        %parallel_loop3A_936 = vector.shape_cast %parallel_loop3A_935 : vector<1x16xf32> to vector<16xf32>
        %parallel_loop3A_937 = arith.mulf %parallel_loop3A_936, %parallel_loop3A_904 : vector<16xf32>
        %parallel_loop3A_938 = arith.addf %parallel_loop3A_883, %parallel_loop3A_937 : vector<16xf32>
        %parallel_loop3A_939 = arith.index_cast %parallel_loop3A_908 : i32 to index
        %parallel_loop3A_940 = arith.constant 80 : index
        %parallel_loop3A_941 = tpu.vector_load %arg8[%parallel_loop3A_939, %parallel_loop3A_940] {strides = array<i32>} : memref<128x128xf32, #tpu.memory_space<vmem>>, vector<1x16xf32>,
        %parallel_loop3A_942 = vector.shape_cast %parallel_loop3A_941 : vector<1x16xf32> to vector<16xf32>
        %parallel_loop3A_943 = arith.mulf %parallel_loop3A_942, %parallel_loop3A_904 : vector<16xf32>
        %parallel_loop3A_944 = arith.addf %parallel_loop3A_889, %parallel_loop3A_943 : vector<16xf32>
        %parallel_loop3A_945 = arith.index_cast %parallel_loop3A_908 : i32 to index
        %parallel_loop3A_946 = arith.constant 96 : index
        %parallel_loop3A_947 = tpu.vector_load %arg8[%parallel_loop3A_945, %parallel_loop3A_946] {strides = array<i32>} : memref<128x128xf32, #tpu.memory_space<vmem>>, vector<1x16xf32>,
        %parallel_loop3A_948 = vector.shape_cast %parallel_loop3A_947 : vector<1x16xf32> to vector<16xf32>
        %parallel_loop3A_949 = arith.mulf %parallel_loop3A_948, %parallel_loop3A_904 : vector<16xf32>
        %parallel_loop3A_950 = arith.addf %parallel_loop3A_895, %parallel_loop3A_949 : vector<16xf32>
        %parallel_loop3A_951 = arith.index_cast %parallel_loop3A_908 : i32 to index
        %parallel_loop3A_952 = arith.constant 112 : index
        %parallel_loop3A_953 = tpu.vector_load %arg8[%parallel_loop3A_951, %parallel_loop3A_952] {strides = array<i32>} : memref<128x128xf32, #tpu.memory_space<vmem>>, vector<1x16xf32>,
        %parallel_loop3A_954 = vector.shape_cast %parallel_loop3A_953 : vector<1x16xf32> to vector<16xf32>
        %parallel_loop3A_955 = arith.mulf %parallel_loop3A_954, %parallel_loop3A_904 : vector<16xf32>
        %parallel_loop3A_956 = arith.addf %parallel_loop3A_901, %parallel_loop3A_955 : vector<16xf32>
        %parallel_loop3A_957 = vector.extract_strided_slice %parallel_loop3A_131 {offsets = [15], sizes = [1], strides = [1]} : vector<16xf32> to vector<1xf32>
        %parallel_loop3A_958 = vector.extract %parallel_loop3A_957[0] : f32 from vector<1xf32>
        %parallel_loop3A_959 = vector.broadcast %parallel_loop3A_958 : f32 to vector<16xf32>
        %parallel_loop3A_960 = arith.constant 16 : i32
        %parallel_loop3A_961 = arith.muli %parallel_loop3A_115, %parallel_loop3A_960 : i32
        %parallel_loop3A_962 = arith.constant 15 : i32
        %parallel_loop3A_963 = arith.addi %parallel_loop3A_961, %parallel_loop3A_962 : i32
        %parallel_loop3A_964 = arith.index_cast %parallel_loop3A_963 : i32 to index
        %parallel_loop3A_965 = arith.constant 0 : index
        %parallel_loop3A_966 = tpu.vector_load %arg8[%parallel_loop3A_964, %parallel_loop3A_965] {strides = array<i32>} : memref<128x128xf32, #tpu.memory_space<vmem>>, vector<1x16xf32>,
        %parallel_loop3A_967 = vector.shape_cast %parallel_loop3A_966 : vector<1x16xf32> to vector<16xf32>
        %parallel_loop3A_968 = arith.mulf %parallel_loop3A_967, %parallel_loop3A_959 : vector<16xf32>
        %parallel_loop3A_969 = arith.addf %parallel_loop3A_914, %parallel_loop3A_968 : vector<16xf32>
        %parallel_loop3A_970 = arith.index_cast %parallel_loop3A_963 : i32 to index
        %parallel_loop3A_971 = arith.constant 16 : index
        %parallel_loop3A_972 = tpu.vector_load %arg8[%parallel_loop3A_970, %parallel_loop3A_971] {strides = array<i32>} : memref<128x128xf32, #tpu.memory_space<vmem>>, vector<1x16xf32>,
        %parallel_loop3A_973 = vector.shape_cast %parallel_loop3A_972 : vector<1x16xf32> to vector<16xf32>
        %parallel_loop3A_974 = arith.mulf %parallel_loop3A_973, %parallel_loop3A_959 : vector<16xf32>
        %parallel_loop3A_975 = arith.addf %parallel_loop3A_920, %parallel_loop3A_974 : vector<16xf32>
        %parallel_loop3A_976 = arith.index_cast %parallel_loop3A_963 : i32 to index
        %parallel_loop3A_977 = arith.constant 32 : index
        %parallel_loop3A_978 = tpu.vector_load %arg8[%parallel_loop3A_976, %parallel_loop3A_977] {strides = array<i32>} : memref<128x128xf32, #tpu.memory_space<vmem>>, vector<1x16xf32>,
        %parallel_loop3A_979 = vector.shape_cast %parallel_loop3A_978 : vector<1x16xf32> to vector<16xf32>
        %parallel_loop3A_980 = arith.mulf %parallel_loop3A_979, %parallel_loop3A_959 : vector<16xf32>
        %parallel_loop3A_981 = arith.addf %parallel_loop3A_926, %parallel_loop3A_980 : vector<16xf32>
        %parallel_loop3A_982 = arith.index_cast %parallel_loop3A_963 : i32 to index
        %parallel_loop3A_983 = arith.constant 48 : index
        %parallel_loop3A_984 = tpu.vector_load %arg8[%parallel_loop3A_982, %parallel_loop3A_983] {strides = array<i32>} : memref<128x128xf32, #tpu.memory_space<vmem>>, vector<1x16xf32>,
        %parallel_loop3A_985 = vector.shape_cast %parallel_loop3A_984 : vector<1x16xf32> to vector<16xf32>
        %parallel_loop3A_986 = arith.mulf %parallel_loop3A_985, %parallel_loop3A_959 : vector<16xf32>
        %parallel_loop3A_987 = arith.addf %parallel_loop3A_932, %parallel_loop3A_986 : vector<16xf32>
        %parallel_loop3A_988 = arith.index_cast %parallel_loop3A_963 : i32 to index
        %parallel_loop3A_989 = arith.constant 64 : index
        %parallel_loop3A_990 = tpu.vector_load %arg8[%parallel_loop3A_988, %parallel_loop3A_989] {strides = array<i32>} : memref<128x128xf32, #tpu.memory_space<vmem>>, vector<1x16xf32>,
        %parallel_loop3A_991 = vector.shape_cast %parallel_loop3A_990 : vector<1x16xf32> to vector<16xf32>
        %parallel_loop3A_992 = arith.mulf %parallel_loop3A_991, %parallel_loop3A_959 : vector<16xf32>
        %parallel_loop3A_993 = arith.addf %parallel_loop3A_938, %parallel_loop3A_992 : vector<16xf32>
        %parallel_loop3A_994 = arith.index_cast %parallel_loop3A_963 : i32 to index
        %parallel_loop3A_995 = arith.constant 80 : index
        %parallel_loop3A_996 = tpu.vector_load %arg8[%parallel_loop3A_994, %parallel_loop3A_995] {strides = array<i32>} : memref<128x128xf32, #tpu.memory_space<vmem>>, vector<1x16xf32>,
        %parallel_loop3A_997 = vector.shape_cast %parallel_loop3A_996 : vector<1x16xf32> to vector<16xf32>
        %parallel_loop3A_998 = arith.mulf %parallel_loop3A_997, %parallel_loop3A_959 : vector<16xf32>
        %parallel_loop3A_999 = arith.addf %parallel_loop3A_944, %parallel_loop3A_998 : vector<16xf32>
        %parallel_loop3A_1000 = arith.index_cast %parallel_loop3A_963 : i32 to index
        %parallel_loop3A_1001 = arith.constant 96 : index
        %parallel_loop3A_1002 = tpu.vector_load %arg8[%parallel_loop3A_1000, %parallel_loop3A_1001] {strides = array<i32>} : memref<128x128xf32, #tpu.memory_space<vmem>>, vector<1x16xf32>,
        %parallel_loop3A_1003 = vector.shape_cast %parallel_loop3A_1002 : vector<1x16xf32> to vector<16xf32>
        %parallel_loop3A_1004 = arith.mulf %parallel_loop3A_1003, %parallel_loop3A_959 : vector<16xf32>
        %parallel_loop3A_1005 = arith.addf %parallel_loop3A_950, %parallel_loop3A_1004 : vector<16xf32>
        %parallel_loop3A_1006 = arith.index_cast %parallel_loop3A_963 : i32 to index
        %parallel_loop3A_1007 = arith.constant 112 : index
        %parallel_loop3A_1008 = tpu.vector_load %arg8[%parallel_loop3A_1006, %parallel_loop3A_1007] {strides = array<i32>} : memref<128x128xf32, #tpu.memory_space<vmem>>, vector<1x16xf32>,
        %parallel_loop3A_1009 = vector.shape_cast %parallel_loop3A_1008 : vector<1x16xf32> to vector<16xf32>
        %parallel_loop3A_1010 = arith.mulf %parallel_loop3A_1009, %parallel_loop3A_959 : vector<16xf32>
        %parallel_loop3A_1011 = arith.addf %parallel_loop3A_956, %parallel_loop3A_1010 : vector<16xf32>
        scf.yield %parallel_loop3A_969, %parallel_loop3A_975, %parallel_loop3A_981, %parallel_loop3A_987, %parallel_loop3A_993, %parallel_loop3A_999, %parallel_loop3A_1005, %parallel_loop3A_1011 : vector<16xf32>, vector<16xf32>, vector<16xf32>, vector<16xf32>, vector<16xf32>, vector<16xf32>, vector<16xf32>, vector<16xf32>
      } {sc.loop_unroll_factor = 1 : i64, sc.parallel_access}
      %add3A_90 = arith.constant 2 : i32
      %add3A_91 = arith.addi %add3A_81, %add3A_90 : i32
      %lt3A = arith.constant 4 : i32
      %lt3A_92 = arith.cmpi slt, %add3A_91, %lt3A : i32
      %convert_element_type3A = arith.extui %lt3A_92 : i1 to i32
      %cond3A = arith.constant 0 : i32
      %cond3A_93 = arith.cmpi ne, %convert_element_type3A, %cond3A : i32
      scf.if %cond3A_93 {
        %add3A_115 = arith.constant 2 : i32
        %add3A_116 = arith.addi %add3A_81, %add3A_115 : i32
        %dma_start3A_117 = arith.constant 0 : i32
        %dma_start3A_118 = tpu.memref_slice %arg6[%add3A_116, %dma_start3A_117] : memref<4x128xi32, #tpu.memory_space<vmem>> -> memref<1x128xi32, #tpu.memory_space<vmem>>
        %dma_start3A_119 = tpu.memref_squeeze %dma_start3A_118 : memref<1x128xi32, #tpu.memory_space<vmem>> -> memref<128xi32, #tpu.memory_space<vmem>>
        %dma_start3A_120 = arith.constant 0 : i32
        %dma_start3A_121 = arith.constant 0 : i32
        %dma_start3A_122 = tpu.memref_slice %arg4[%dma_start3A_120, %dma_start3A_121] : memref<100000x128xf32, #tpu.memory_space<hbm>> -> memref<100000x128xf32, #tpu.memory_space<hbm>>
        tpu.enqueue_indirect_dma source(%dma_start3A_122 : memref<100000x128xf32, #tpu.memory_space<hbm>>) target(%arg8 : memref<128x128xf32, #tpu.memory_space<vmem>>) offsets(%dma_start3A_119 : memref<128xi32, #tpu.memory_space<vmem>>) semaphore(%arg11 : memref<!tpu.dma_semaphore, #tpu.memory_space<semaphore_mem>>)
      } else {
      }
      %mul3A_94 = arith.constant 2 : i32
      %mul3A_95 = arith.muli %mul3A_94, %scan3A_69 : i32
      %add3A_96 = arith.constant 1 : i32
      %add3A_97 = arith.addi %mul3A_95, %add3A_96 : i32
      %dma_wait3A_98 = arith.constant 0 : i32
      %dma_wait3A_99 = tpu.memref_slice %arg6[%add3A_97, %dma_wait3A_98] : memref<4x128xi32, #tpu.memory_space<vmem>> -> memref<1x128xi32, #tpu.memory_space<vmem>>
      %dma_wait3A_100 = tpu.memref_squeeze %dma_wait3A_99 : memref<1x128xi32, #tpu.memory_space<vmem>> -> memref<128xi32, #tpu.memory_space<vmem>>
      %dma_wait3A_101 = arith.constant 0 : i32
      %dma_wait3A_102 = arith.constant 0 : i32
      %dma_wait3A_103 = tpu.memref_slice %arg4[%dma_wait3A_101, %dma_wait3A_102] : memref<100000x128xf32, #tpu.memory_space<hbm>> -> memref<100000x128xf32, #tpu.memory_space<hbm>>
      tpu.wait_indirect_dma semaphore(%arg12 : memref<!tpu.dma_semaphore, #tpu.memory_space<semaphore_mem>>) src(%dma_wait3A_103 : memref<100000x128xf32, #tpu.memory_space<hbm>>) dst(%arg9 : memref<128x128xf32, #tpu.memory_space<vmem>>)
      %parallel_loop3A_104 = arith.constant 0 : i32
      %parallel_loop3A_105 = arith.constant 8 : i32
      %parallel_loop3A_106 = arith.constant 1 : i32
      %parallel_loop3A_107:8 = scf.for %parallel_loop3A_115 = %parallel_loop3A_104 to %parallel_loop3A_105 step %parallel_loop3A_106 iter_args(%parallel_loop3A_116 = %parallel_loop3A_89#0, %parallel_loop3A_117 = %parallel_loop3A_89#1, %parallel_loop3A_118 = %parallel_loop3A_89#2, %parallel_loop3A_119 = %parallel_loop3A_89#3, %parallel_loop3A_120 = %parallel_loop3A_89#4, %parallel_loop3A_121 = %parallel_loop3A_89#5, %parallel_loop3A_122 = %parallel_loop3A_89#6, %parallel_loop3A_123 = %parallel_loop3A_89#7) -> (vector<16xf32>, vector<16xf32>, vector<16xf32>, vector<16xf32>, vector<16xf32>, vector<16xf32>, vector<16xf32>, vector<16xf32>)  : i32 {
        %parallel_loop3A_124 = arith.constant 128 : i32
        %parallel_loop3A_125 = arith.muli %add3A_97, %parallel_loop3A_124 : i32
        %parallel_loop3A_126 = arith.constant 16 : i32
        %parallel_loop3A_127 = arith.muli %parallel_loop3A_115, %parallel_loop3A_126 : i32
        %parallel_loop3A_128 = arith.addi %parallel_loop3A_125, %parallel_loop3A_127 : i32
        %parallel_loop3A_129 = arith.index_cast %parallel_loop3A_128 : i32 to index
        %parallel_loop3A_130 = tpu.vector_load %arg7[%parallel_loop3A_129] {strides = array<i32>} : memref<512xf32, #tpu.memory_space<vmem>>, vector<16xf32>,
        %parallel_loop3A_131 = vector.shape_cast %parallel_loop3A_130 : vector<16xf32> to vector<16xf32>
        %parallel_loop3A_132 = vector.extract_strided_slice %parallel_loop3A_131 {offsets = [0], sizes = [1], strides = [1]} : vector<16xf32> to vector<1xf32>
        %parallel_loop3A_133 = vector.extract %parallel_loop3A_132[0] : f32 from vector<1xf32>
        %parallel_loop3A_134 = vector.broadcast %parallel_loop3A_133 : f32 to vector<16xf32>
        %parallel_loop3A_135 = arith.constant 16 : i32
        %parallel_loop3A_136 = arith.muli %parallel_loop3A_115, %parallel_loop3A_135 : i32
        %parallel_loop3A_137 = arith.constant 0 : i32
        %parallel_loop3A_138 = arith.addi %parallel_loop3A_136, %parallel_loop3A_137 : i32
        %parallel_loop3A_139 = arith.index_cast %parallel_loop3A_138 : i32 to index
        %parallel_loop3A_140 = arith.constant 0 : index
        %parallel_loop3A_141 = tpu.vector_load %arg9[%parallel_loop3A_139, %parallel_loop3A_140] {strides = array<i32>} : memref<128x128xf32, #tpu.memory_space<vmem>>, vector<1x16xf32>,
        %parallel_loop3A_142 = vector.shape_cast %parallel_loop3A_141 : vector<1x16xf32> to vector<16xf32>
        %parallel_loop3A_143 = arith.mulf %parallel_loop3A_142, %parallel_loop3A_134 : vector<16xf32>
        %parallel_loop3A_144 = arith.addf %parallel_loop3A_116, %parallel_loop3A_143 : vector<16xf32>
        %parallel_loop3A_145 = arith.index_cast %parallel_loop3A_138 : i32 to index
        %parallel_loop3A_146 = arith.constant 16 : index
        %parallel_loop3A_147 = tpu.vector_load %arg9[%parallel_loop3A_145, %parallel_loop3A_146] {strides = array<i32>} : memref<128x128xf32, #tpu.memory_space<vmem>>, vector<1x16xf32>,
        %parallel_loop3A_148 = vector.shape_cast %parallel_loop3A_147 : vector<1x16xf32> to vector<16xf32>
        %parallel_loop3A_149 = arith.mulf %parallel_loop3A_148, %parallel_loop3A_134 : vector<16xf32>
        %parallel_loop3A_150 = arith.addf %parallel_loop3A_117, %parallel_loop3A_149 : vector<16xf32>
        %parallel_loop3A_151 = arith.index_cast %parallel_loop3A_138 : i32 to index
        %parallel_loop3A_152 = arith.constant 32 : index
        %parallel_loop3A_153 = tpu.vector_load %arg9[%parallel_loop3A_151, %parallel_loop3A_152] {strides = array<i32>} : memref<128x128xf32, #tpu.memory_space<vmem>>, vector<1x16xf32>,
        %parallel_loop3A_154 = vector.shape_cast %parallel_loop3A_153 : vector<1x16xf32> to vector<16xf32>
        %parallel_loop3A_155 = arith.mulf %parallel_loop3A_154, %parallel_loop3A_134 : vector<16xf32>
        %parallel_loop3A_156 = arith.addf %parallel_loop3A_118, %parallel_loop3A_155 : vector<16xf32>
        %parallel_loop3A_157 = arith.index_cast %parallel_loop3A_138 : i32 to index
        %parallel_loop3A_158 = arith.constant 48 : index
        %parallel_loop3A_159 = tpu.vector_load %arg9[%parallel_loop3A_157, %parallel_loop3A_158] {strides = array<i32>} : memref<128x128xf32, #tpu.memory_space<vmem>>, vector<1x16xf32>,
        %parallel_loop3A_160 = vector.shape_cast %parallel_loop3A_159 : vector<1x16xf32> to vector<16xf32>
        %parallel_loop3A_161 = arith.mulf %parallel_loop3A_160, %parallel_loop3A_134 : vector<16xf32>
        %parallel_loop3A_162 = arith.addf %parallel_loop3A_119, %parallel_loop3A_161 : vector<16xf32>
        %parallel_loop3A_163 = arith.index_cast %parallel_loop3A_138 : i32 to index
        %parallel_loop3A_164 = arith.constant 64 : index
        %parallel_loop3A_165 = tpu.vector_load %arg9[%parallel_loop3A_163, %parallel_loop3A_164] {strides = array<i32>} : memref<128x128xf32, #tpu.memory_space<vmem>>, vector<1x16xf32>,
        %parallel_loop3A_166 = vector.shape_cast %parallel_loop3A_165 : vector<1x16xf32> to vector<16xf32>
        %parallel_loop3A_167 = arith.mulf %parallel_loop3A_166, %parallel_loop3A_134 : vector<16xf32>
        %parallel_loop3A_168 = arith.addf %parallel_loop3A_120, %parallel_loop3A_167 : vector<16xf32>
        %parallel_loop3A_169 = arith.index_cast %parallel_loop3A_138 : i32 to index
        %parallel_loop3A_170 = arith.constant 80 : index
        %parallel_loop3A_171 = tpu.vector_load %arg9[%parallel_loop3A_169, %parallel_loop3A_170] {strides = array<i32>} : memref<128x128xf32, #tpu.memory_space<vmem>>, vector<1x16xf32>,
        %parallel_loop3A_172 = vector.shape_cast %parallel_loop3A_171 : vector<1x16xf32> to vector<16xf32>
        %parallel_loop3A_173 = arith.mulf %parallel_loop3A_172, %parallel_loop3A_134 : vector<16xf32>
        %parallel_loop3A_174 = arith.addf %parallel_loop3A_121, %parallel_loop3A_173 : vector<16xf32>
        %parallel_loop3A_175 = arith.index_cast %parallel_loop3A_138 : i32 to index
        %parallel_loop3A_176 = arith.constant 96 : index
        %parallel_loop3A_177 = tpu.vector_load %arg9[%parallel_loop3A_175, %parallel_loop3A_176] {strides = array<i32>} : memref<128x128xf32, #tpu.memory_space<vmem>>, vector<1x16xf32>,
        %parallel_loop3A_178 = vector.shape_cast %parallel_loop3A_177 : vector<1x16xf32> to vector<16xf32>
        %parallel_loop3A_179 = arith.mulf %parallel_loop3A_178, %parallel_loop3A_134 : vector<16xf32>
        %parallel_loop3A_180 = arith.addf %parallel_loop3A_122, %parallel_loop3A_179 : vector<16xf32>
        %parallel_loop3A_181 = arith.index_cast %parallel_loop3A_138 : i32 to index
        %parallel_loop3A_182 = arith.constant 112 : index
        %parallel_loop3A_183 = tpu.vector_load %arg9[%parallel_loop3A_181, %parallel_loop3A_182] {strides = array<i32>} : memref<128x128xf32, #tpu.memory_space<vmem>>, vector<1x16xf32>,
        %parallel_loop3A_184 = vector.shape_cast %parallel_loop3A_183 : vector<1x16xf32> to vector<16xf32>
        %parallel_loop3A_185 = arith.mulf %parallel_loop3A_184, %parallel_loop3A_134 : vector<16xf32>
        %parallel_loop3A_186 = arith.addf %parallel_loop3A_123, %parallel_loop3A_185 : vector<16xf32>
        %parallel_loop3A_187 = vector.extract_strided_slice %parallel_loop3A_131 {offsets = [1], sizes = [1], strides = [1]} : vector<16xf32> to vector<1xf32>
        %parallel_loop3A_188 = vector.extract %parallel_loop3A_187[0] : f32 from vector<1xf32>
        %parallel_loop3A_189 = vector.broadcast %parallel_loop3A_188 : f32 to vector<16xf32>
        %parallel_loop3A_190 = arith.constant 16 : i32
        %parallel_loop3A_191 = arith.muli %parallel_loop3A_115, %parallel_loop3A_190 : i32
        %parallel_loop3A_192 = arith.constant 1 : i32
        %parallel_loop3A_193 = arith.addi %parallel_loop3A_191, %parallel_loop3A_192 : i32
        %parallel_loop3A_194 = arith.index_cast %parallel_loop3A_193 : i32 to index
        %parallel_loop3A_195 = arith.constant 0 : index
        %parallel_loop3A_196 = tpu.vector_load %arg9[%parallel_loop3A_194, %parallel_loop3A_195] {strides = array<i32>} : memref<128x128xf32, #tpu.memory_space<vmem>>, vector<1x16xf32>,
        %parallel_loop3A_197 = vector.shape_cast %parallel_loop3A_196 : vector<1x16xf32> to vector<16xf32>
        %parallel_loop3A_198 = arith.mulf %parallel_loop3A_197, %parallel_loop3A_189 : vector<16xf32>
        %parallel_loop3A_199 = arith.addf %parallel_loop3A_144, %parallel_loop3A_198 : vector<16xf32>
        %parallel_loop3A_200 = arith.index_cast %parallel_loop3A_193 : i32 to index
        %parallel_loop3A_201 = arith.constant 16 : index
        %parallel_loop3A_202 = tpu.vector_load %arg9[%parallel_loop3A_200, %parallel_loop3A_201] {strides = array<i32>} : memref<128x128xf32, #tpu.memory_space<vmem>>, vector<1x16xf32>,
        %parallel_loop3A_203 = vector.shape_cast %parallel_loop3A_202 : vector<1x16xf32> to vector<16xf32>
        %parallel_loop3A_204 = arith.mulf %parallel_loop3A_203, %parallel_loop3A_189 : vector<16xf32>
        %parallel_loop3A_205 = arith.addf %parallel_loop3A_150, %parallel_loop3A_204 : vector<16xf32>
        %parallel_loop3A_206 = arith.index_cast %parallel_loop3A_193 : i32 to index
        %parallel_loop3A_207 = arith.constant 32 : index
        %parallel_loop3A_208 = tpu.vector_load %arg9[%parallel_loop3A_206, %parallel_loop3A_207] {strides = array<i32>} : memref<128x128xf32, #tpu.memory_space<vmem>>, vector<1x16xf32>,
        %parallel_loop3A_209 = vector.shape_cast %parallel_loop3A_208 : vector<1x16xf32> to vector<16xf32>
        %parallel_loop3A_210 = arith.mulf %parallel_loop3A_209, %parallel_loop3A_189 : vector<16xf32>
        %parallel_loop3A_211 = arith.addf %parallel_loop3A_156, %parallel_loop3A_210 : vector<16xf32>
        %parallel_loop3A_212 = arith.index_cast %parallel_loop3A_193 : i32 to index
        %parallel_loop3A_213 = arith.constant 48 : index
        %parallel_loop3A_214 = tpu.vector_load %arg9[%parallel_loop3A_212, %parallel_loop3A_213] {strides = array<i32>} : memref<128x128xf32, #tpu.memory_space<vmem>>, vector<1x16xf32>,
        %parallel_loop3A_215 = vector.shape_cast %parallel_loop3A_214 : vector<1x16xf32> to vector<16xf32>
        %parallel_loop3A_216 = arith.mulf %parallel_loop3A_215, %parallel_loop3A_189 : vector<16xf32>
        %parallel_loop3A_217 = arith.addf %parallel_loop3A_162, %parallel_loop3A_216 : vector<16xf32>
        %parallel_loop3A_218 = arith.index_cast %parallel_loop3A_193 : i32 to index
        %parallel_loop3A_219 = arith.constant 64 : index
        %parallel_loop3A_220 = tpu.vector_load %arg9[%parallel_loop3A_218, %parallel_loop3A_219] {strides = array<i32>} : memref<128x128xf32, #tpu.memory_space<vmem>>, vector<1x16xf32>,
        %parallel_loop3A_221 = vector.shape_cast %parallel_loop3A_220 : vector<1x16xf32> to vector<16xf32>
        %parallel_loop3A_222 = arith.mulf %parallel_loop3A_221, %parallel_loop3A_189 : vector<16xf32>
        %parallel_loop3A_223 = arith.addf %parallel_loop3A_168, %parallel_loop3A_222 : vector<16xf32>
        %parallel_loop3A_224 = arith.index_cast %parallel_loop3A_193 : i32 to index
        %parallel_loop3A_225 = arith.constant 80 : index
        %parallel_loop3A_226 = tpu.vector_load %arg9[%parallel_loop3A_224, %parallel_loop3A_225] {strides = array<i32>} : memref<128x128xf32, #tpu.memory_space<vmem>>, vector<1x16xf32>,
        %parallel_loop3A_227 = vector.shape_cast %parallel_loop3A_226 : vector<1x16xf32> to vector<16xf32>
        %parallel_loop3A_228 = arith.mulf %parallel_loop3A_227, %parallel_loop3A_189 : vector<16xf32>
        %parallel_loop3A_229 = arith.addf %parallel_loop3A_174, %parallel_loop3A_228 : vector<16xf32>
        %parallel_loop3A_230 = arith.index_cast %parallel_loop3A_193 : i32 to index
        %parallel_loop3A_231 = arith.constant 96 : index
        %parallel_loop3A_232 = tpu.vector_load %arg9[%parallel_loop3A_230, %parallel_loop3A_231] {strides = array<i32>} : memref<128x128xf32, #tpu.memory_space<vmem>>, vector<1x16xf32>,
        %parallel_loop3A_233 = vector.shape_cast %parallel_loop3A_232 : vector<1x16xf32> to vector<16xf32>
        %parallel_loop3A_234 = arith.mulf %parallel_loop3A_233, %parallel_loop3A_189 : vector<16xf32>
        %parallel_loop3A_235 = arith.addf %parallel_loop3A_180, %parallel_loop3A_234 : vector<16xf32>
        %parallel_loop3A_236 = arith.index_cast %parallel_loop3A_193 : i32 to index
        %parallel_loop3A_237 = arith.constant 112 : index
        %parallel_loop3A_238 = tpu.vector_load %arg9[%parallel_loop3A_236, %parallel_loop3A_237] {strides = array<i32>} : memref<128x128xf32, #tpu.memory_space<vmem>>, vector<1x16xf32>,
        %parallel_loop3A_239 = vector.shape_cast %parallel_loop3A_238 : vector<1x16xf32> to vector<16xf32>
        %parallel_loop3A_240 = arith.mulf %parallel_loop3A_239, %parallel_loop3A_189 : vector<16xf32>
        %parallel_loop3A_241 = arith.addf %parallel_loop3A_186, %parallel_loop3A_240 : vector<16xf32>
        %parallel_loop3A_242 = vector.extract_strided_slice %parallel_loop3A_131 {offsets = [2], sizes = [1], strides = [1]} : vector<16xf32> to vector<1xf32>
        %parallel_loop3A_243 = vector.extract %parallel_loop3A_242[0] : f32 from vector<1xf32>
        %parallel_loop3A_244 = vector.broadcast %parallel_loop3A_243 : f32 to vector<16xf32>
        %parallel_loop3A_245 = arith.constant 16 : i32
        %parallel_loop3A_246 = arith.muli %parallel_loop3A_115, %parallel_loop3A_245 : i32
        %parallel_loop3A_247 = arith.constant 2 : i32
        %parallel_loop3A_248 = arith.addi %parallel_loop3A_246, %parallel_loop3A_247 : i32
        %parallel_loop3A_249 = arith.index_cast %parallel_loop3A_248 : i32 to index
        %parallel_loop3A_250 = arith.constant 0 : index
        %parallel_loop3A_251 = tpu.vector_load %arg9[%parallel_loop3A_249, %parallel_loop3A_250] {strides = array<i32>} : memref<128x128xf32, #tpu.memory_space<vmem>>, vector<1x16xf32>,
        %parallel_loop3A_252 = vector.shape_cast %parallel_loop3A_251 : vector<1x16xf32> to vector<16xf32>
        %parallel_loop3A_253 = arith.mulf %parallel_loop3A_252, %parallel_loop3A_244 : vector<16xf32>
        %parallel_loop3A_254 = arith.addf %parallel_loop3A_199, %parallel_loop3A_253 : vector<16xf32>
        %parallel_loop3A_255 = arith.index_cast %parallel_loop3A_248 : i32 to index
        %parallel_loop3A_256 = arith.constant 16 : index
        %parallel_loop3A_257 = tpu.vector_load %arg9[%parallel_loop3A_255, %parallel_loop3A_256] {strides = array<i32>} : memref<128x128xf32, #tpu.memory_space<vmem>>, vector<1x16xf32>,
        %parallel_loop3A_258 = vector.shape_cast %parallel_loop3A_257 : vector<1x16xf32> to vector<16xf32>
        %parallel_loop3A_259 = arith.mulf %parallel_loop3A_258, %parallel_loop3A_244 : vector<16xf32>
        %parallel_loop3A_260 = arith.addf %parallel_loop3A_205, %parallel_loop3A_259 : vector<16xf32>
        %parallel_loop3A_261 = arith.index_cast %parallel_loop3A_248 : i32 to index
        %parallel_loop3A_262 = arith.constant 32 : index
        %parallel_loop3A_263 = tpu.vector_load %arg9[%parallel_loop3A_261, %parallel_loop3A_262] {strides = array<i32>} : memref<128x128xf32, #tpu.memory_space<vmem>>, vector<1x16xf32>,
        %parallel_loop3A_264 = vector.shape_cast %parallel_loop3A_263 : vector<1x16xf32> to vector<16xf32>
        %parallel_loop3A_265 = arith.mulf %parallel_loop3A_264, %parallel_loop3A_244 : vector<16xf32>
        %parallel_loop3A_266 = arith.addf %parallel_loop3A_211, %parallel_loop3A_265 : vector<16xf32>
        %parallel_loop3A_267 = arith.index_cast %parallel_loop3A_248 : i32 to index
        %parallel_loop3A_268 = arith.constant 48 : index
        %parallel_loop3A_269 = tpu.vector_load %arg9[%parallel_loop3A_267, %parallel_loop3A_268] {strides = array<i32>} : memref<128x128xf32, #tpu.memory_space<vmem>>, vector<1x16xf32>,
        %parallel_loop3A_270 = vector.shape_cast %parallel_loop3A_269 : vector<1x16xf32> to vector<16xf32>
        %parallel_loop3A_271 = arith.mulf %parallel_loop3A_270, %parallel_loop3A_244 : vector<16xf32>
        %parallel_loop3A_272 = arith.addf %parallel_loop3A_217, %parallel_loop3A_271 : vector<16xf32>
        %parallel_loop3A_273 = arith.index_cast %parallel_loop3A_248 : i32 to index
        %parallel_loop3A_274 = arith.constant 64 : index
        %parallel_loop3A_275 = tpu.vector_load %arg9[%parallel_loop3A_273, %parallel_loop3A_274] {strides = array<i32>} : memref<128x128xf32, #tpu.memory_space<vmem>>, vector<1x16xf32>,
        %parallel_loop3A_276 = vector.shape_cast %parallel_loop3A_275 : vector<1x16xf32> to vector<16xf32>
        %parallel_loop3A_277 = arith.mulf %parallel_loop3A_276, %parallel_loop3A_244 : vector<16xf32>
        %parallel_loop3A_278 = arith.addf %parallel_loop3A_223, %parallel_loop3A_277 : vector<16xf32>
        %parallel_loop3A_279 = arith.index_cast %parallel_loop3A_248 : i32 to index
        %parallel_loop3A_280 = arith.constant 80 : index
        %parallel_loop3A_281 = tpu.vector_load %arg9[%parallel_loop3A_279, %parallel_loop3A_280] {strides = array<i32>} : memref<128x128xf32, #tpu.memory_space<vmem>>, vector<1x16xf32>,
        %parallel_loop3A_282 = vector.shape_cast %parallel_loop3A_281 : vector<1x16xf32> to vector<16xf32>
        %parallel_loop3A_283 = arith.mulf %parallel_loop3A_282, %parallel_loop3A_244 : vector<16xf32>
        %parallel_loop3A_284 = arith.addf %parallel_loop3A_229, %parallel_loop3A_283 : vector<16xf32>
        %parallel_loop3A_285 = arith.index_cast %parallel_loop3A_248 : i32 to index
        %parallel_loop3A_286 = arith.constant 96 : index
        %parallel_loop3A_287 = tpu.vector_load %arg9[%parallel_loop3A_285, %parallel_loop3A_286] {strides = array<i32>} : memref<128x128xf32, #tpu.memory_space<vmem>>, vector<1x16xf32>,
        %parallel_loop3A_288 = vector.shape_cast %parallel_loop3A_287 : vector<1x16xf32> to vector<16xf32>
        %parallel_loop3A_289 = arith.mulf %parallel_loop3A_288, %parallel_loop3A_244 : vector<16xf32>
        %parallel_loop3A_290 = arith.addf %parallel_loop3A_235, %parallel_loop3A_289 : vector<16xf32>
        %parallel_loop3A_291 = arith.index_cast %parallel_loop3A_248 : i32 to index
        %parallel_loop3A_292 = arith.constant 112 : index
        %parallel_loop3A_293 = tpu.vector_load %arg9[%parallel_loop3A_291, %parallel_loop3A_292] {strides = array<i32>} : memref<128x128xf32, #tpu.memory_space<vmem>>, vector<1x16xf32>,
        %parallel_loop3A_294 = vector.shape_cast %parallel_loop3A_293 : vector<1x16xf32> to vector<16xf32>
        %parallel_loop3A_295 = arith.mulf %parallel_loop3A_294, %parallel_loop3A_244 : vector<16xf32>
        %parallel_loop3A_296 = arith.addf %parallel_loop3A_241, %parallel_loop3A_295 : vector<16xf32>
        %parallel_loop3A_297 = vector.extract_strided_slice %parallel_loop3A_131 {offsets = [3], sizes = [1], strides = [1]} : vector<16xf32> to vector<1xf32>
        %parallel_loop3A_298 = vector.extract %parallel_loop3A_297[0] : f32 from vector<1xf32>
        %parallel_loop3A_299 = vector.broadcast %parallel_loop3A_298 : f32 to vector<16xf32>
        %parallel_loop3A_300 = arith.constant 16 : i32
        %parallel_loop3A_301 = arith.muli %parallel_loop3A_115, %parallel_loop3A_300 : i32
        %parallel_loop3A_302 = arith.constant 3 : i32
        %parallel_loop3A_303 = arith.addi %parallel_loop3A_301, %parallel_loop3A_302 : i32
        %parallel_loop3A_304 = arith.index_cast %parallel_loop3A_303 : i32 to index
        %parallel_loop3A_305 = arith.constant 0 : index
        %parallel_loop3A_306 = tpu.vector_load %arg9[%parallel_loop3A_304, %parallel_loop3A_305] {strides = array<i32>} : memref<128x128xf32, #tpu.memory_space<vmem>>, vector<1x16xf32>,
        %parallel_loop3A_307 = vector.shape_cast %parallel_loop3A_306 : vector<1x16xf32> to vector<16xf32>
        %parallel_loop3A_308 = arith.mulf %parallel_loop3A_307, %parallel_loop3A_299 : vector<16xf32>
        %parallel_loop3A_309 = arith.addf %parallel_loop3A_254, %parallel_loop3A_308 : vector<16xf32>
        %parallel_loop3A_310 = arith.index_cast %parallel_loop3A_303 : i32 to index
        %parallel_loop3A_311 = arith.constant 16 : index
        %parallel_loop3A_312 = tpu.vector_load %arg9[%parallel_loop3A_310, %parallel_loop3A_311] {strides = array<i32>} : memref<128x128xf32, #tpu.memory_space<vmem>>, vector<1x16xf32>,
        %parallel_loop3A_313 = vector.shape_cast %parallel_loop3A_312 : vector<1x16xf32> to vector<16xf32>
        %parallel_loop3A_314 = arith.mulf %parallel_loop3A_313, %parallel_loop3A_299 : vector<16xf32>
        %parallel_loop3A_315 = arith.addf %parallel_loop3A_260, %parallel_loop3A_314 : vector<16xf32>
        %parallel_loop3A_316 = arith.index_cast %parallel_loop3A_303 : i32 to index
        %parallel_loop3A_317 = arith.constant 32 : index
        %parallel_loop3A_318 = tpu.vector_load %arg9[%parallel_loop3A_316, %parallel_loop3A_317] {strides = array<i32>} : memref<128x128xf32, #tpu.memory_space<vmem>>, vector<1x16xf32>,
        %parallel_loop3A_319 = vector.shape_cast %parallel_loop3A_318 : vector<1x16xf32> to vector<16xf32>
        %parallel_loop3A_320 = arith.mulf %parallel_loop3A_319, %parallel_loop3A_299 : vector<16xf32>
        %parallel_loop3A_321 = arith.addf %parallel_loop3A_266, %parallel_loop3A_320 : vector<16xf32>
        %parallel_loop3A_322 = arith.index_cast %parallel_loop3A_303 : i32 to index
        %parallel_loop3A_323 = arith.constant 48 : index
        %parallel_loop3A_324 = tpu.vector_load %arg9[%parallel_loop3A_322, %parallel_loop3A_323] {strides = array<i32>} : memref<128x128xf32, #tpu.memory_space<vmem>>, vector<1x16xf32>,
        %parallel_loop3A_325 = vector.shape_cast %parallel_loop3A_324 : vector<1x16xf32> to vector<16xf32>
        %parallel_loop3A_326 = arith.mulf %parallel_loop3A_325, %parallel_loop3A_299 : vector<16xf32>
        %parallel_loop3A_327 = arith.addf %parallel_loop3A_272, %parallel_loop3A_326 : vector<16xf32>
        %parallel_loop3A_328 = arith.index_cast %parallel_loop3A_303 : i32 to index
        %parallel_loop3A_329 = arith.constant 64 : index
        %parallel_loop3A_330 = tpu.vector_load %arg9[%parallel_loop3A_328, %parallel_loop3A_329] {strides = array<i32>} : memref<128x128xf32, #tpu.memory_space<vmem>>, vector<1x16xf32>,
        %parallel_loop3A_331 = vector.shape_cast %parallel_loop3A_330 : vector<1x16xf32> to vector<16xf32>
        %parallel_loop3A_332 = arith.mulf %parallel_loop3A_331, %parallel_loop3A_299 : vector<16xf32>
        %parallel_loop3A_333 = arith.addf %parallel_loop3A_278, %parallel_loop3A_332 : vector<16xf32>
        %parallel_loop3A_334 = arith.index_cast %parallel_loop3A_303 : i32 to index
        %parallel_loop3A_335 = arith.constant 80 : index
        %parallel_loop3A_336 = tpu.vector_load %arg9[%parallel_loop3A_334, %parallel_loop3A_335] {strides = array<i32>} : memref<128x128xf32, #tpu.memory_space<vmem>>, vector<1x16xf32>,
        %parallel_loop3A_337 = vector.shape_cast %parallel_loop3A_336 : vector<1x16xf32> to vector<16xf32>
        %parallel_loop3A_338 = arith.mulf %parallel_loop3A_337, %parallel_loop3A_299 : vector<16xf32>
        %parallel_loop3A_339 = arith.addf %parallel_loop3A_284, %parallel_loop3A_338 : vector<16xf32>
        %parallel_loop3A_340 = arith.index_cast %parallel_loop3A_303 : i32 to index
        %parallel_loop3A_341 = arith.constant 96 : index
        %parallel_loop3A_342 = tpu.vector_load %arg9[%parallel_loop3A_340, %parallel_loop3A_341] {strides = array<i32>} : memref<128x128xf32, #tpu.memory_space<vmem>>, vector<1x16xf32>,
        %parallel_loop3A_343 = vector.shape_cast %parallel_loop3A_342 : vector<1x16xf32> to vector<16xf32>
        %parallel_loop3A_344 = arith.mulf %parallel_loop3A_343, %parallel_loop3A_299 : vector<16xf32>
        %parallel_loop3A_345 = arith.addf %parallel_loop3A_290, %parallel_loop3A_344 : vector<16xf32>
        %parallel_loop3A_346 = arith.index_cast %parallel_loop3A_303 : i32 to index
        %parallel_loop3A_347 = arith.constant 112 : index
        %parallel_loop3A_348 = tpu.vector_load %arg9[%parallel_loop3A_346, %parallel_loop3A_347] {strides = array<i32>} : memref<128x128xf32, #tpu.memory_space<vmem>>, vector<1x16xf32>,
        %parallel_loop3A_349 = vector.shape_cast %parallel_loop3A_348 : vector<1x16xf32> to vector<16xf32>
        %parallel_loop3A_350 = arith.mulf %parallel_loop3A_349, %parallel_loop3A_299 : vector<16xf32>
        %parallel_loop3A_351 = arith.addf %parallel_loop3A_296, %parallel_loop3A_350 : vector<16xf32>
        %parallel_loop3A_352 = vector.extract_strided_slice %parallel_loop3A_131 {offsets = [4], sizes = [1], strides = [1]} : vector<16xf32> to vector<1xf32>
        %parallel_loop3A_353 = vector.extract %parallel_loop3A_352[0] : f32 from vector<1xf32>
        %parallel_loop3A_354 = vector.broadcast %parallel_loop3A_353 : f32 to vector<16xf32>
        %parallel_loop3A_355 = arith.constant 16 : i32
        %parallel_loop3A_356 = arith.muli %parallel_loop3A_115, %parallel_loop3A_355 : i32
        %parallel_loop3A_357 = arith.constant 4 : i32
        %parallel_loop3A_358 = arith.addi %parallel_loop3A_356, %parallel_loop3A_357 : i32
        %parallel_loop3A_359 = arith.index_cast %parallel_loop3A_358 : i32 to index
        %parallel_loop3A_360 = arith.constant 0 : index
        %parallel_loop3A_361 = tpu.vector_load %arg9[%parallel_loop3A_359, %parallel_loop3A_360] {strides = array<i32>} : memref<128x128xf32, #tpu.memory_space<vmem>>, vector<1x16xf32>,
        %parallel_loop3A_362 = vector.shape_cast %parallel_loop3A_361 : vector<1x16xf32> to vector<16xf32>
        %parallel_loop3A_363 = arith.mulf %parallel_loop3A_362, %parallel_loop3A_354 : vector<16xf32>
        %parallel_loop3A_364 = arith.addf %parallel_loop3A_309, %parallel_loop3A_363 : vector<16xf32>
        %parallel_loop3A_365 = arith.index_cast %parallel_loop3A_358 : i32 to index
        %parallel_loop3A_366 = arith.constant 16 : index
        %parallel_loop3A_367 = tpu.vector_load %arg9[%parallel_loop3A_365, %parallel_loop3A_366] {strides = array<i32>} : memref<128x128xf32, #tpu.memory_space<vmem>>, vector<1x16xf32>,
        %parallel_loop3A_368 = vector.shape_cast %parallel_loop3A_367 : vector<1x16xf32> to vector<16xf32>
        %parallel_loop3A_369 = arith.mulf %parallel_loop3A_368, %parallel_loop3A_354 : vector<16xf32>
        %parallel_loop3A_370 = arith.addf %parallel_loop3A_315, %parallel_loop3A_369 : vector<16xf32>
        %parallel_loop3A_371 = arith.index_cast %parallel_loop3A_358 : i32 to index
        %parallel_loop3A_372 = arith.constant 32 : index
        %parallel_loop3A_373 = tpu.vector_load %arg9[%parallel_loop3A_371, %parallel_loop3A_372] {strides = array<i32>} : memref<128x128xf32, #tpu.memory_space<vmem>>, vector<1x16xf32>,
        %parallel_loop3A_374 = vector.shape_cast %parallel_loop3A_373 : vector<1x16xf32> to vector<16xf32>
        %parallel_loop3A_375 = arith.mulf %parallel_loop3A_374, %parallel_loop3A_354 : vector<16xf32>
        %parallel_loop3A_376 = arith.addf %parallel_loop3A_321, %parallel_loop3A_375 : vector<16xf32>
        %parallel_loop3A_377 = arith.index_cast %parallel_loop3A_358 : i32 to index
        %parallel_loop3A_378 = arith.constant 48 : index
        %parallel_loop3A_379 = tpu.vector_load %arg9[%parallel_loop3A_377, %parallel_loop3A_378] {strides = array<i32>} : memref<128x128xf32, #tpu.memory_space<vmem>>, vector<1x16xf32>,
        %parallel_loop3A_380 = vector.shape_cast %parallel_loop3A_379 : vector<1x16xf32> to vector<16xf32>
        %parallel_loop3A_381 = arith.mulf %parallel_loop3A_380, %parallel_loop3A_354 : vector<16xf32>
        %parallel_loop3A_382 = arith.addf %parallel_loop3A_327, %parallel_loop3A_381 : vector<16xf32>
        %parallel_loop3A_383 = arith.index_cast %parallel_loop3A_358 : i32 to index
        %parallel_loop3A_384 = arith.constant 64 : index
        %parallel_loop3A_385 = tpu.vector_load %arg9[%parallel_loop3A_383, %parallel_loop3A_384] {strides = array<i32>} : memref<128x128xf32, #tpu.memory_space<vmem>>, vector<1x16xf32>,
        %parallel_loop3A_386 = vector.shape_cast %parallel_loop3A_385 : vector<1x16xf32> to vector<16xf32>
        %parallel_loop3A_387 = arith.mulf %parallel_loop3A_386, %parallel_loop3A_354 : vector<16xf32>
        %parallel_loop3A_388 = arith.addf %parallel_loop3A_333, %parallel_loop3A_387 : vector<16xf32>
        %parallel_loop3A_389 = arith.index_cast %parallel_loop3A_358 : i32 to index
        %parallel_loop3A_390 = arith.constant 80 : index
        %parallel_loop3A_391 = tpu.vector_load %arg9[%parallel_loop3A_389, %parallel_loop3A_390] {strides = array<i32>} : memref<128x128xf32, #tpu.memory_space<vmem>>, vector<1x16xf32>,
        %parallel_loop3A_392 = vector.shape_cast %parallel_loop3A_391 : vector<1x16xf32> to vector<16xf32>
        %parallel_loop3A_393 = arith.mulf %parallel_loop3A_392, %parallel_loop3A_354 : vector<16xf32>
        %parallel_loop3A_394 = arith.addf %parallel_loop3A_339, %parallel_loop3A_393 : vector<16xf32>
        %parallel_loop3A_395 = arith.index_cast %parallel_loop3A_358 : i32 to index
        %parallel_loop3A_396 = arith.constant 96 : index
        %parallel_loop3A_397 = tpu.vector_load %arg9[%parallel_loop3A_395, %parallel_loop3A_396] {strides = array<i32>} : memref<128x128xf32, #tpu.memory_space<vmem>>, vector<1x16xf32>,
        %parallel_loop3A_398 = vector.shape_cast %parallel_loop3A_397 : vector<1x16xf32> to vector<16xf32>
        %parallel_loop3A_399 = arith.mulf %parallel_loop3A_398, %parallel_loop3A_354 : vector<16xf32>
        %parallel_loop3A_400 = arith.addf %parallel_loop3A_345, %parallel_loop3A_399 : vector<16xf32>
        %parallel_loop3A_401 = arith.index_cast %parallel_loop3A_358 : i32 to index
        %parallel_loop3A_402 = arith.constant 112 : index
        %parallel_loop3A_403 = tpu.vector_load %arg9[%parallel_loop3A_401, %parallel_loop3A_402] {strides = array<i32>} : memref<128x128xf32, #tpu.memory_space<vmem>>, vector<1x16xf32>,
        %parallel_loop3A_404 = vector.shape_cast %parallel_loop3A_403 : vector<1x16xf32> to vector<16xf32>
        %parallel_loop3A_405 = arith.mulf %parallel_loop3A_404, %parallel_loop3A_354 : vector<16xf32>
        %parallel_loop3A_406 = arith.addf %parallel_loop3A_351, %parallel_loop3A_405 : vector<16xf32>
        %parallel_loop3A_407 = vector.extract_strided_slice %parallel_loop3A_131 {offsets = [5], sizes = [1], strides = [1]} : vector<16xf32> to vector<1xf32>
        %parallel_loop3A_408 = vector.extract %parallel_loop3A_407[0] : f32 from vector<1xf32>
        %parallel_loop3A_409 = vector.broadcast %parallel_loop3A_408 : f32 to vector<16xf32>
        %parallel_loop3A_410 = arith.constant 16 : i32
        %parallel_loop3A_411 = arith.muli %parallel_loop3A_115, %parallel_loop3A_410 : i32
        %parallel_loop3A_412 = arith.constant 5 : i32
        %parallel_loop3A_413 = arith.addi %parallel_loop3A_411, %parallel_loop3A_412 : i32
        %parallel_loop3A_414 = arith.index_cast %parallel_loop3A_413 : i32 to index
        %parallel_loop3A_415 = arith.constant 0 : index
        %parallel_loop3A_416 = tpu.vector_load %arg9[%parallel_loop3A_414, %parallel_loop3A_415] {strides = array<i32>} : memref<128x128xf32, #tpu.memory_space<vmem>>, vector<1x16xf32>,
        %parallel_loop3A_417 = vector.shape_cast %parallel_loop3A_416 : vector<1x16xf32> to vector<16xf32>
        %parallel_loop3A_418 = arith.mulf %parallel_loop3A_417, %parallel_loop3A_409 : vector<16xf32>
        %parallel_loop3A_419 = arith.addf %parallel_loop3A_364, %parallel_loop3A_418 : vector<16xf32>
        %parallel_loop3A_420 = arith.index_cast %parallel_loop3A_413 : i32 to index
        %parallel_loop3A_421 = arith.constant 16 : index
        %parallel_loop3A_422 = tpu.vector_load %arg9[%parallel_loop3A_420, %parallel_loop3A_421] {strides = array<i32>} : memref<128x128xf32, #tpu.memory_space<vmem>>, vector<1x16xf32>,
        %parallel_loop3A_423 = vector.shape_cast %parallel_loop3A_422 : vector<1x16xf32> to vector<16xf32>
        %parallel_loop3A_424 = arith.mulf %parallel_loop3A_423, %parallel_loop3A_409 : vector<16xf32>
        %parallel_loop3A_425 = arith.addf %parallel_loop3A_370, %parallel_loop3A_424 : vector<16xf32>
        %parallel_loop3A_426 = arith.index_cast %parallel_loop3A_413 : i32 to index
        %parallel_loop3A_427 = arith.constant 32 : index
        %parallel_loop3A_428 = tpu.vector_load %arg9[%parallel_loop3A_426, %parallel_loop3A_427] {strides = array<i32>} : memref<128x128xf32, #tpu.memory_space<vmem>>, vector<1x16xf32>,
        %parallel_loop3A_429 = vector.shape_cast %parallel_loop3A_428 : vector<1x16xf32> to vector<16xf32>
        %parallel_loop3A_430 = arith.mulf %parallel_loop3A_429, %parallel_loop3A_409 : vector<16xf32>
        %parallel_loop3A_431 = arith.addf %parallel_loop3A_376, %parallel_loop3A_430 : vector<16xf32>
        %parallel_loop3A_432 = arith.index_cast %parallel_loop3A_413 : i32 to index
        %parallel_loop3A_433 = arith.constant 48 : index
        %parallel_loop3A_434 = tpu.vector_load %arg9[%parallel_loop3A_432, %parallel_loop3A_433] {strides = array<i32>} : memref<128x128xf32, #tpu.memory_space<vmem>>, vector<1x16xf32>,
        %parallel_loop3A_435 = vector.shape_cast %parallel_loop3A_434 : vector<1x16xf32> to vector<16xf32>
        %parallel_loop3A_436 = arith.mulf %parallel_loop3A_435, %parallel_loop3A_409 : vector<16xf32>
        %parallel_loop3A_437 = arith.addf %parallel_loop3A_382, %parallel_loop3A_436 : vector<16xf32>
        %parallel_loop3A_438 = arith.index_cast %parallel_loop3A_413 : i32 to index
        %parallel_loop3A_439 = arith.constant 64 : index
        %parallel_loop3A_440 = tpu.vector_load %arg9[%parallel_loop3A_438, %parallel_loop3A_439] {strides = array<i32>} : memref<128x128xf32, #tpu.memory_space<vmem>>, vector<1x16xf32>,
        %parallel_loop3A_441 = vector.shape_cast %parallel_loop3A_440 : vector<1x16xf32> to vector<16xf32>
        %parallel_loop3A_442 = arith.mulf %parallel_loop3A_441, %parallel_loop3A_409 : vector<16xf32>
        %parallel_loop3A_443 = arith.addf %parallel_loop3A_388, %parallel_loop3A_442 : vector<16xf32>
        %parallel_loop3A_444 = arith.index_cast %parallel_loop3A_413 : i32 to index
        %parallel_loop3A_445 = arith.constant 80 : index
        %parallel_loop3A_446 = tpu.vector_load %arg9[%parallel_loop3A_444, %parallel_loop3A_445] {strides = array<i32>} : memref<128x128xf32, #tpu.memory_space<vmem>>, vector<1x16xf32>,
        %parallel_loop3A_447 = vector.shape_cast %parallel_loop3A_446 : vector<1x16xf32> to vector<16xf32>
        %parallel_loop3A_448 = arith.mulf %parallel_loop3A_447, %parallel_loop3A_409 : vector<16xf32>
        %parallel_loop3A_449 = arith.addf %parallel_loop3A_394, %parallel_loop3A_448 : vector<16xf32>
        %parallel_loop3A_450 = arith.index_cast %parallel_loop3A_413 : i32 to index
        %parallel_loop3A_451 = arith.constant 96 : index
        %parallel_loop3A_452 = tpu.vector_load %arg9[%parallel_loop3A_450, %parallel_loop3A_451] {strides = array<i32>} : memref<128x128xf32, #tpu.memory_space<vmem>>, vector<1x16xf32>,
        %parallel_loop3A_453 = vector.shape_cast %parallel_loop3A_452 : vector<1x16xf32> to vector<16xf32>
        %parallel_loop3A_454 = arith.mulf %parallel_loop3A_453, %parallel_loop3A_409 : vector<16xf32>
        %parallel_loop3A_455 = arith.addf %parallel_loop3A_400, %parallel_loop3A_454 : vector<16xf32>
        %parallel_loop3A_456 = arith.index_cast %parallel_loop3A_413 : i32 to index
        %parallel_loop3A_457 = arith.constant 112 : index
        %parallel_loop3A_458 = tpu.vector_load %arg9[%parallel_loop3A_456, %parallel_loop3A_457] {strides = array<i32>} : memref<128x128xf32, #tpu.memory_space<vmem>>, vector<1x16xf32>,
        %parallel_loop3A_459 = vector.shape_cast %parallel_loop3A_458 : vector<1x16xf32> to vector<16xf32>
        %parallel_loop3A_460 = arith.mulf %parallel_loop3A_459, %parallel_loop3A_409 : vector<16xf32>
        %parallel_loop3A_461 = arith.addf %parallel_loop3A_406, %parallel_loop3A_460 : vector<16xf32>
        %parallel_loop3A_462 = vector.extract_strided_slice %parallel_loop3A_131 {offsets = [6], sizes = [1], strides = [1]} : vector<16xf32> to vector<1xf32>
        %parallel_loop3A_463 = vector.extract %parallel_loop3A_462[0] : f32 from vector<1xf32>
        %parallel_loop3A_464 = vector.broadcast %parallel_loop3A_463 : f32 to vector<16xf32>
        %parallel_loop3A_465 = arith.constant 16 : i32
        %parallel_loop3A_466 = arith.muli %parallel_loop3A_115, %parallel_loop3A_465 : i32
        %parallel_loop3A_467 = arith.constant 6 : i32
        %parallel_loop3A_468 = arith.addi %parallel_loop3A_466, %parallel_loop3A_467 : i32
        %parallel_loop3A_469 = arith.index_cast %parallel_loop3A_468 : i32 to index
        %parallel_loop3A_470 = arith.constant 0 : index
        %parallel_loop3A_471 = tpu.vector_load %arg9[%parallel_loop3A_469, %parallel_loop3A_470] {strides = array<i32>} : memref<128x128xf32, #tpu.memory_space<vmem>>, vector<1x16xf32>,
        %parallel_loop3A_472 = vector.shape_cast %parallel_loop3A_471 : vector<1x16xf32> to vector<16xf32>
        %parallel_loop3A_473 = arith.mulf %parallel_loop3A_472, %parallel_loop3A_464 : vector<16xf32>
        %parallel_loop3A_474 = arith.addf %parallel_loop3A_419, %parallel_loop3A_473 : vector<16xf32>
        %parallel_loop3A_475 = arith.index_cast %parallel_loop3A_468 : i32 to index
        %parallel_loop3A_476 = arith.constant 16 : index
        %parallel_loop3A_477 = tpu.vector_load %arg9[%parallel_loop3A_475, %parallel_loop3A_476] {strides = array<i32>} : memref<128x128xf32, #tpu.memory_space<vmem>>, vector<1x16xf32>,
        %parallel_loop3A_478 = vector.shape_cast %parallel_loop3A_477 : vector<1x16xf32> to vector<16xf32>
        %parallel_loop3A_479 = arith.mulf %parallel_loop3A_478, %parallel_loop3A_464 : vector<16xf32>
        %parallel_loop3A_480 = arith.addf %parallel_loop3A_425, %parallel_loop3A_479 : vector<16xf32>
        %parallel_loop3A_481 = arith.index_cast %parallel_loop3A_468 : i32 to index
        %parallel_loop3A_482 = arith.constant 32 : index
        %parallel_loop3A_483 = tpu.vector_load %arg9[%parallel_loop3A_481, %parallel_loop3A_482] {strides = array<i32>} : memref<128x128xf32, #tpu.memory_space<vmem>>, vector<1x16xf32>,
        %parallel_loop3A_484 = vector.shape_cast %parallel_loop3A_483 : vector<1x16xf32> to vector<16xf32>
        %parallel_loop3A_485 = arith.mulf %parallel_loop3A_484, %parallel_loop3A_464 : vector<16xf32>
        %parallel_loop3A_486 = arith.addf %parallel_loop3A_431, %parallel_loop3A_485 : vector<16xf32>
        %parallel_loop3A_487 = arith.index_cast %parallel_loop3A_468 : i32 to index
        %parallel_loop3A_488 = arith.constant 48 : index
        %parallel_loop3A_489 = tpu.vector_load %arg9[%parallel_loop3A_487, %parallel_loop3A_488] {strides = array<i32>} : memref<128x128xf32, #tpu.memory_space<vmem>>, vector<1x16xf32>,
        %parallel_loop3A_490 = vector.shape_cast %parallel_loop3A_489 : vector<1x16xf32> to vector<16xf32>
        %parallel_loop3A_491 = arith.mulf %parallel_loop3A_490, %parallel_loop3A_464 : vector<16xf32>
        %parallel_loop3A_492 = arith.addf %parallel_loop3A_437, %parallel_loop3A_491 : vector<16xf32>
        %parallel_loop3A_493 = arith.index_cast %parallel_loop3A_468 : i32 to index
        %parallel_loop3A_494 = arith.constant 64 : index
        %parallel_loop3A_495 = tpu.vector_load %arg9[%parallel_loop3A_493, %parallel_loop3A_494] {strides = array<i32>} : memref<128x128xf32, #tpu.memory_space<vmem>>, vector<1x16xf32>,
        %parallel_loop3A_496 = vector.shape_cast %parallel_loop3A_495 : vector<1x16xf32> to vector<16xf32>
        %parallel_loop3A_497 = arith.mulf %parallel_loop3A_496, %parallel_loop3A_464 : vector<16xf32>
        %parallel_loop3A_498 = arith.addf %parallel_loop3A_443, %parallel_loop3A_497 : vector<16xf32>
        %parallel_loop3A_499 = arith.index_cast %parallel_loop3A_468 : i32 to index
        %parallel_loop3A_500 = arith.constant 80 : index
        %parallel_loop3A_501 = tpu.vector_load %arg9[%parallel_loop3A_499, %parallel_loop3A_500] {strides = array<i32>} : memref<128x128xf32, #tpu.memory_space<vmem>>, vector<1x16xf32>,
        %parallel_loop3A_502 = vector.shape_cast %parallel_loop3A_501 : vector<1x16xf32> to vector<16xf32>
        %parallel_loop3A_503 = arith.mulf %parallel_loop3A_502, %parallel_loop3A_464 : vector<16xf32>
        %parallel_loop3A_504 = arith.addf %parallel_loop3A_449, %parallel_loop3A_503 : vector<16xf32>
        %parallel_loop3A_505 = arith.index_cast %parallel_loop3A_468 : i32 to index
        %parallel_loop3A_506 = arith.constant 96 : index
        %parallel_loop3A_507 = tpu.vector_load %arg9[%parallel_loop3A_505, %parallel_loop3A_506] {strides = array<i32>} : memref<128x128xf32, #tpu.memory_space<vmem>>, vector<1x16xf32>,
        %parallel_loop3A_508 = vector.shape_cast %parallel_loop3A_507 : vector<1x16xf32> to vector<16xf32>
        %parallel_loop3A_509 = arith.mulf %parallel_loop3A_508, %parallel_loop3A_464 : vector<16xf32>
        %parallel_loop3A_510 = arith.addf %parallel_loop3A_455, %parallel_loop3A_509 : vector<16xf32>
        %parallel_loop3A_511 = arith.index_cast %parallel_loop3A_468 : i32 to index
        %parallel_loop3A_512 = arith.constant 112 : index
        %parallel_loop3A_513 = tpu.vector_load %arg9[%parallel_loop3A_511, %parallel_loop3A_512] {strides = array<i32>} : memref<128x128xf32, #tpu.memory_space<vmem>>, vector<1x16xf32>,
        %parallel_loop3A_514 = vector.shape_cast %parallel_loop3A_513 : vector<1x16xf32> to vector<16xf32>
        %parallel_loop3A_515 = arith.mulf %parallel_loop3A_514, %parallel_loop3A_464 : vector<16xf32>
        %parallel_loop3A_516 = arith.addf %parallel_loop3A_461, %parallel_loop3A_515 : vector<16xf32>
        %parallel_loop3A_517 = vector.extract_strided_slice %parallel_loop3A_131 {offsets = [7], sizes = [1], strides = [1]} : vector<16xf32> to vector<1xf32>
        %parallel_loop3A_518 = vector.extract %parallel_loop3A_517[0] : f32 from vector<1xf32>
        %parallel_loop3A_519 = vector.broadcast %parallel_loop3A_518 : f32 to vector<16xf32>
        %parallel_loop3A_520 = arith.constant 16 : i32
        %parallel_loop3A_521 = arith.muli %parallel_loop3A_115, %parallel_loop3A_520 : i32
        %parallel_loop3A_522 = arith.constant 7 : i32
        %parallel_loop3A_523 = arith.addi %parallel_loop3A_521, %parallel_loop3A_522 : i32
        %parallel_loop3A_524 = arith.index_cast %parallel_loop3A_523 : i32 to index
        %parallel_loop3A_525 = arith.constant 0 : index
        %parallel_loop3A_526 = tpu.vector_load %arg9[%parallel_loop3A_524, %parallel_loop3A_525] {strides = array<i32>} : memref<128x128xf32, #tpu.memory_space<vmem>>, vector<1x16xf32>,
        %parallel_loop3A_527 = vector.shape_cast %parallel_loop3A_526 : vector<1x16xf32> to vector<16xf32>
        %parallel_loop3A_528 = arith.mulf %parallel_loop3A_527, %parallel_loop3A_519 : vector<16xf32>
        %parallel_loop3A_529 = arith.addf %parallel_loop3A_474, %parallel_loop3A_528 : vector<16xf32>
        %parallel_loop3A_530 = arith.index_cast %parallel_loop3A_523 : i32 to index
        %parallel_loop3A_531 = arith.constant 16 : index
        %parallel_loop3A_532 = tpu.vector_load %arg9[%parallel_loop3A_530, %parallel_loop3A_531] {strides = array<i32>} : memref<128x128xf32, #tpu.memory_space<vmem>>, vector<1x16xf32>,
        %parallel_loop3A_533 = vector.shape_cast %parallel_loop3A_532 : vector<1x16xf32> to vector<16xf32>
        %parallel_loop3A_534 = arith.mulf %parallel_loop3A_533, %parallel_loop3A_519 : vector<16xf32>
        %parallel_loop3A_535 = arith.addf %parallel_loop3A_480, %parallel_loop3A_534 : vector<16xf32>
        %parallel_loop3A_536 = arith.index_cast %parallel_loop3A_523 : i32 to index
        %parallel_loop3A_537 = arith.constant 32 : index
        %parallel_loop3A_538 = tpu.vector_load %arg9[%parallel_loop3A_536, %parallel_loop3A_537] {strides = array<i32>} : memref<128x128xf32, #tpu.memory_space<vmem>>, vector<1x16xf32>,
        %parallel_loop3A_539 = vector.shape_cast %parallel_loop3A_538 : vector<1x16xf32> to vector<16xf32>
        %parallel_loop3A_540 = arith.mulf %parallel_loop3A_539, %parallel_loop3A_519 : vector<16xf32>
        %parallel_loop3A_541 = arith.addf %parallel_loop3A_486, %parallel_loop3A_540 : vector<16xf32>
        %parallel_loop3A_542 = arith.index_cast %parallel_loop3A_523 : i32 to index
        %parallel_loop3A_543 = arith.constant 48 : index
        %parallel_loop3A_544 = tpu.vector_load %arg9[%parallel_loop3A_542, %parallel_loop3A_543] {strides = array<i32>} : memref<128x128xf32, #tpu.memory_space<vmem>>, vector<1x16xf32>,
        %parallel_loop3A_545 = vector.shape_cast %parallel_loop3A_544 : vector<1x16xf32> to vector<16xf32>
        %parallel_loop3A_546 = arith.mulf %parallel_loop3A_545, %parallel_loop3A_519 : vector<16xf32>
        %parallel_loop3A_547 = arith.addf %parallel_loop3A_492, %parallel_loop3A_546 : vector<16xf32>
        %parallel_loop3A_548 = arith.index_cast %parallel_loop3A_523 : i32 to index
        %parallel_loop3A_549 = arith.constant 64 : index
        %parallel_loop3A_550 = tpu.vector_load %arg9[%parallel_loop3A_548, %parallel_loop3A_549] {strides = array<i32>} : memref<128x128xf32, #tpu.memory_space<vmem>>, vector<1x16xf32>,
        %parallel_loop3A_551 = vector.shape_cast %parallel_loop3A_550 : vector<1x16xf32> to vector<16xf32>
        %parallel_loop3A_552 = arith.mulf %parallel_loop3A_551, %parallel_loop3A_519 : vector<16xf32>
        %parallel_loop3A_553 = arith.addf %parallel_loop3A_498, %parallel_loop3A_552 : vector<16xf32>
        %parallel_loop3A_554 = arith.index_cast %parallel_loop3A_523 : i32 to index
        %parallel_loop3A_555 = arith.constant 80 : index
        %parallel_loop3A_556 = tpu.vector_load %arg9[%parallel_loop3A_554, %parallel_loop3A_555] {strides = array<i32>} : memref<128x128xf32, #tpu.memory_space<vmem>>, vector<1x16xf32>,
        %parallel_loop3A_557 = vector.shape_cast %parallel_loop3A_556 : vector<1x16xf32> to vector<16xf32>
        %parallel_loop3A_558 = arith.mulf %parallel_loop3A_557, %parallel_loop3A_519 : vector<16xf32>
        %parallel_loop3A_559 = arith.addf %parallel_loop3A_504, %parallel_loop3A_558 : vector<16xf32>
        %parallel_loop3A_560 = arith.index_cast %parallel_loop3A_523 : i32 to index
        %parallel_loop3A_561 = arith.constant 96 : index
        %parallel_loop3A_562 = tpu.vector_load %arg9[%parallel_loop3A_560, %parallel_loop3A_561] {strides = array<i32>} : memref<128x128xf32, #tpu.memory_space<vmem>>, vector<1x16xf32>,
        %parallel_loop3A_563 = vector.shape_cast %parallel_loop3A_562 : vector<1x16xf32> to vector<16xf32>
        %parallel_loop3A_564 = arith.mulf %parallel_loop3A_563, %parallel_loop3A_519 : vector<16xf32>
        %parallel_loop3A_565 = arith.addf %parallel_loop3A_510, %parallel_loop3A_564 : vector<16xf32>
        %parallel_loop3A_566 = arith.index_cast %parallel_loop3A_523 : i32 to index
        %parallel_loop3A_567 = arith.constant 112 : index
        %parallel_loop3A_568 = tpu.vector_load %arg9[%parallel_loop3A_566, %parallel_loop3A_567] {strides = array<i32>} : memref<128x128xf32, #tpu.memory_space<vmem>>, vector<1x16xf32>,
        %parallel_loop3A_569 = vector.shape_cast %parallel_loop3A_568 : vector<1x16xf32> to vector<16xf32>
        %parallel_loop3A_570 = arith.mulf %parallel_loop3A_569, %parallel_loop3A_519 : vector<16xf32>
        %parallel_loop3A_571 = arith.addf %parallel_loop3A_516, %parallel_loop3A_570 : vector<16xf32>
        %parallel_loop3A_572 = vector.extract_strided_slice %parallel_loop3A_131 {offsets = [8], sizes = [1], strides = [1]} : vector<16xf32> to vector<1xf32>
        %parallel_loop3A_573 = vector.extract %parallel_loop3A_572[0] : f32 from vector<1xf32>
        %parallel_loop3A_574 = vector.broadcast %parallel_loop3A_573 : f32 to vector<16xf32>
        %parallel_loop3A_575 = arith.constant 16 : i32
        %parallel_loop3A_576 = arith.muli %parallel_loop3A_115, %parallel_loop3A_575 : i32
        %parallel_loop3A_577 = arith.constant 8 : i32
        %parallel_loop3A_578 = arith.addi %parallel_loop3A_576, %parallel_loop3A_577 : i32
        %parallel_loop3A_579 = arith.index_cast %parallel_loop3A_578 : i32 to index
        %parallel_loop3A_580 = arith.constant 0 : index
        %parallel_loop3A_581 = tpu.vector_load %arg9[%parallel_loop3A_579, %parallel_loop3A_580] {strides = array<i32>} : memref<128x128xf32, #tpu.memory_space<vmem>>, vector<1x16xf32>,
        %parallel_loop3A_582 = vector.shape_cast %parallel_loop3A_581 : vector<1x16xf32> to vector<16xf32>
        %parallel_loop3A_583 = arith.mulf %parallel_loop3A_582, %parallel_loop3A_574 : vector<16xf32>
        %parallel_loop3A_584 = arith.addf %parallel_loop3A_529, %parallel_loop3A_583 : vector<16xf32>
        %parallel_loop3A_585 = arith.index_cast %parallel_loop3A_578 : i32 to index
        %parallel_loop3A_586 = arith.constant 16 : index
        %parallel_loop3A_587 = tpu.vector_load %arg9[%parallel_loop3A_585, %parallel_loop3A_586] {strides = array<i32>} : memref<128x128xf32, #tpu.memory_space<vmem>>, vector<1x16xf32>,
        %parallel_loop3A_588 = vector.shape_cast %parallel_loop3A_587 : vector<1x16xf32> to vector<16xf32>
        %parallel_loop3A_589 = arith.mulf %parallel_loop3A_588, %parallel_loop3A_574 : vector<16xf32>
        %parallel_loop3A_590 = arith.addf %parallel_loop3A_535, %parallel_loop3A_589 : vector<16xf32>
        %parallel_loop3A_591 = arith.index_cast %parallel_loop3A_578 : i32 to index
        %parallel_loop3A_592 = arith.constant 32 : index
        %parallel_loop3A_593 = tpu.vector_load %arg9[%parallel_loop3A_591, %parallel_loop3A_592] {strides = array<i32>} : memref<128x128xf32, #tpu.memory_space<vmem>>, vector<1x16xf32>,
        %parallel_loop3A_594 = vector.shape_cast %parallel_loop3A_593 : vector<1x16xf32> to vector<16xf32>
        %parallel_loop3A_595 = arith.mulf %parallel_loop3A_594, %parallel_loop3A_574 : vector<16xf32>
        %parallel_loop3A_596 = arith.addf %parallel_loop3A_541, %parallel_loop3A_595 : vector<16xf32>
        %parallel_loop3A_597 = arith.index_cast %parallel_loop3A_578 : i32 to index
        %parallel_loop3A_598 = arith.constant 48 : index
        %parallel_loop3A_599 = tpu.vector_load %arg9[%parallel_loop3A_597, %parallel_loop3A_598] {strides = array<i32>} : memref<128x128xf32, #tpu.memory_space<vmem>>, vector<1x16xf32>,
        %parallel_loop3A_600 = vector.shape_cast %parallel_loop3A_599 : vector<1x16xf32> to vector<16xf32>
        %parallel_loop3A_601 = arith.mulf %parallel_loop3A_600, %parallel_loop3A_574 : vector<16xf32>
        %parallel_loop3A_602 = arith.addf %parallel_loop3A_547, %parallel_loop3A_601 : vector<16xf32>
        %parallel_loop3A_603 = arith.index_cast %parallel_loop3A_578 : i32 to index
        %parallel_loop3A_604 = arith.constant 64 : index
        %parallel_loop3A_605 = tpu.vector_load %arg9[%parallel_loop3A_603, %parallel_loop3A_604] {strides = array<i32>} : memref<128x128xf32, #tpu.memory_space<vmem>>, vector<1x16xf32>,
        %parallel_loop3A_606 = vector.shape_cast %parallel_loop3A_605 : vector<1x16xf32> to vector<16xf32>
        %parallel_loop3A_607 = arith.mulf %parallel_loop3A_606, %parallel_loop3A_574 : vector<16xf32>
        %parallel_loop3A_608 = arith.addf %parallel_loop3A_553, %parallel_loop3A_607 : vector<16xf32>
        %parallel_loop3A_609 = arith.index_cast %parallel_loop3A_578 : i32 to index
        %parallel_loop3A_610 = arith.constant 80 : index
        %parallel_loop3A_611 = tpu.vector_load %arg9[%parallel_loop3A_609, %parallel_loop3A_610] {strides = array<i32>} : memref<128x128xf32, #tpu.memory_space<vmem>>, vector<1x16xf32>,
        %parallel_loop3A_612 = vector.shape_cast %parallel_loop3A_611 : vector<1x16xf32> to vector<16xf32>
        %parallel_loop3A_613 = arith.mulf %parallel_loop3A_612, %parallel_loop3A_574 : vector<16xf32>
        %parallel_loop3A_614 = arith.addf %parallel_loop3A_559, %parallel_loop3A_613 : vector<16xf32>
        %parallel_loop3A_615 = arith.index_cast %parallel_loop3A_578 : i32 to index
        %parallel_loop3A_616 = arith.constant 96 : index
        %parallel_loop3A_617 = tpu.vector_load %arg9[%parallel_loop3A_615, %parallel_loop3A_616] {strides = array<i32>} : memref<128x128xf32, #tpu.memory_space<vmem>>, vector<1x16xf32>,
        %parallel_loop3A_618 = vector.shape_cast %parallel_loop3A_617 : vector<1x16xf32> to vector<16xf32>
        %parallel_loop3A_619 = arith.mulf %parallel_loop3A_618, %parallel_loop3A_574 : vector<16xf32>
        %parallel_loop3A_620 = arith.addf %parallel_loop3A_565, %parallel_loop3A_619 : vector<16xf32>
        %parallel_loop3A_621 = arith.index_cast %parallel_loop3A_578 : i32 to index
        %parallel_loop3A_622 = arith.constant 112 : index
        %parallel_loop3A_623 = tpu.vector_load %arg9[%parallel_loop3A_621, %parallel_loop3A_622] {strides = array<i32>} : memref<128x128xf32, #tpu.memory_space<vmem>>, vector<1x16xf32>,
        %parallel_loop3A_624 = vector.shape_cast %parallel_loop3A_623 : vector<1x16xf32> to vector<16xf32>
        %parallel_loop3A_625 = arith.mulf %parallel_loop3A_624, %parallel_loop3A_574 : vector<16xf32>
        %parallel_loop3A_626 = arith.addf %parallel_loop3A_571, %parallel_loop3A_625 : vector<16xf32>
        %parallel_loop3A_627 = vector.extract_strided_slice %parallel_loop3A_131 {offsets = [9], sizes = [1], strides = [1]} : vector<16xf32> to vector<1xf32>
        %parallel_loop3A_628 = vector.extract %parallel_loop3A_627[0] : f32 from vector<1xf32>
        %parallel_loop3A_629 = vector.broadcast %parallel_loop3A_628 : f32 to vector<16xf32>
        %parallel_loop3A_630 = arith.constant 16 : i32
        %parallel_loop3A_631 = arith.muli %parallel_loop3A_115, %parallel_loop3A_630 : i32
        %parallel_loop3A_632 = arith.constant 9 : i32
        %parallel_loop3A_633 = arith.addi %parallel_loop3A_631, %parallel_loop3A_632 : i32
        %parallel_loop3A_634 = arith.index_cast %parallel_loop3A_633 : i32 to index
        %parallel_loop3A_635 = arith.constant 0 : index
        %parallel_loop3A_636 = tpu.vector_load %arg9[%parallel_loop3A_634, %parallel_loop3A_635] {strides = array<i32>} : memref<128x128xf32, #tpu.memory_space<vmem>>, vector<1x16xf32>,
        %parallel_loop3A_637 = vector.shape_cast %parallel_loop3A_636 : vector<1x16xf32> to vector<16xf32>
        %parallel_loop3A_638 = arith.mulf %parallel_loop3A_637, %parallel_loop3A_629 : vector<16xf32>
        %parallel_loop3A_639 = arith.addf %parallel_loop3A_584, %parallel_loop3A_638 : vector<16xf32>
        %parallel_loop3A_640 = arith.index_cast %parallel_loop3A_633 : i32 to index
        %parallel_loop3A_641 = arith.constant 16 : index
        %parallel_loop3A_642 = tpu.vector_load %arg9[%parallel_loop3A_640, %parallel_loop3A_641] {strides = array<i32>} : memref<128x128xf32, #tpu.memory_space<vmem>>, vector<1x16xf32>,
        %parallel_loop3A_643 = vector.shape_cast %parallel_loop3A_642 : vector<1x16xf32> to vector<16xf32>
        %parallel_loop3A_644 = arith.mulf %parallel_loop3A_643, %parallel_loop3A_629 : vector<16xf32>
        %parallel_loop3A_645 = arith.addf %parallel_loop3A_590, %parallel_loop3A_644 : vector<16xf32>
        %parallel_loop3A_646 = arith.index_cast %parallel_loop3A_633 : i32 to index
        %parallel_loop3A_647 = arith.constant 32 : index
        %parallel_loop3A_648 = tpu.vector_load %arg9[%parallel_loop3A_646, %parallel_loop3A_647] {strides = array<i32>} : memref<128x128xf32, #tpu.memory_space<vmem>>, vector<1x16xf32>,
        %parallel_loop3A_649 = vector.shape_cast %parallel_loop3A_648 : vector<1x16xf32> to vector<16xf32>
        %parallel_loop3A_650 = arith.mulf %parallel_loop3A_649, %parallel_loop3A_629 : vector<16xf32>
        %parallel_loop3A_651 = arith.addf %parallel_loop3A_596, %parallel_loop3A_650 : vector<16xf32>
        %parallel_loop3A_652 = arith.index_cast %parallel_loop3A_633 : i32 to index
        %parallel_loop3A_653 = arith.constant 48 : index
        %parallel_loop3A_654 = tpu.vector_load %arg9[%parallel_loop3A_652, %parallel_loop3A_653] {strides = array<i32>} : memref<128x128xf32, #tpu.memory_space<vmem>>, vector<1x16xf32>,
        %parallel_loop3A_655 = vector.shape_cast %parallel_loop3A_654 : vector<1x16xf32> to vector<16xf32>
        %parallel_loop3A_656 = arith.mulf %parallel_loop3A_655, %parallel_loop3A_629 : vector<16xf32>
        %parallel_loop3A_657 = arith.addf %parallel_loop3A_602, %parallel_loop3A_656 : vector<16xf32>
        %parallel_loop3A_658 = arith.index_cast %parallel_loop3A_633 : i32 to index
        %parallel_loop3A_659 = arith.constant 64 : index
        %parallel_loop3A_660 = tpu.vector_load %arg9[%parallel_loop3A_658, %parallel_loop3A_659] {strides = array<i32>} : memref<128x128xf32, #tpu.memory_space<vmem>>, vector<1x16xf32>,
        %parallel_loop3A_661 = vector.shape_cast %parallel_loop3A_660 : vector<1x16xf32> to vector<16xf32>
        %parallel_loop3A_662 = arith.mulf %parallel_loop3A_661, %parallel_loop3A_629 : vector<16xf32>
        %parallel_loop3A_663 = arith.addf %parallel_loop3A_608, %parallel_loop3A_662 : vector<16xf32>
        %parallel_loop3A_664 = arith.index_cast %parallel_loop3A_633 : i32 to index
        %parallel_loop3A_665 = arith.constant 80 : index
        %parallel_loop3A_666 = tpu.vector_load %arg9[%parallel_loop3A_664, %parallel_loop3A_665] {strides = array<i32>} : memref<128x128xf32, #tpu.memory_space<vmem>>, vector<1x16xf32>,
        %parallel_loop3A_667 = vector.shape_cast %parallel_loop3A_666 : vector<1x16xf32> to vector<16xf32>
        %parallel_loop3A_668 = arith.mulf %parallel_loop3A_667, %parallel_loop3A_629 : vector<16xf32>
        %parallel_loop3A_669 = arith.addf %parallel_loop3A_614, %parallel_loop3A_668 : vector<16xf32>
        %parallel_loop3A_670 = arith.index_cast %parallel_loop3A_633 : i32 to index
        %parallel_loop3A_671 = arith.constant 96 : index
        %parallel_loop3A_672 = tpu.vector_load %arg9[%parallel_loop3A_670, %parallel_loop3A_671] {strides = array<i32>} : memref<128x128xf32, #tpu.memory_space<vmem>>, vector<1x16xf32>,
        %parallel_loop3A_673 = vector.shape_cast %parallel_loop3A_672 : vector<1x16xf32> to vector<16xf32>
        %parallel_loop3A_674 = arith.mulf %parallel_loop3A_673, %parallel_loop3A_629 : vector<16xf32>
        %parallel_loop3A_675 = arith.addf %parallel_loop3A_620, %parallel_loop3A_674 : vector<16xf32>
        %parallel_loop3A_676 = arith.index_cast %parallel_loop3A_633 : i32 to index
        %parallel_loop3A_677 = arith.constant 112 : index
        %parallel_loop3A_678 = tpu.vector_load %arg9[%parallel_loop3A_676, %parallel_loop3A_677] {strides = array<i32>} : memref<128x128xf32, #tpu.memory_space<vmem>>, vector<1x16xf32>,
        %parallel_loop3A_679 = vector.shape_cast %parallel_loop3A_678 : vector<1x16xf32> to vector<16xf32>
        %parallel_loop3A_680 = arith.mulf %parallel_loop3A_679, %parallel_loop3A_629 : vector<16xf32>
        %parallel_loop3A_681 = arith.addf %parallel_loop3A_626, %parallel_loop3A_680 : vector<16xf32>
        %parallel_loop3A_682 = vector.extract_strided_slice %parallel_loop3A_131 {offsets = [10], sizes = [1], strides = [1]} : vector<16xf32> to vector<1xf32>
        %parallel_loop3A_683 = vector.extract %parallel_loop3A_682[0] : f32 from vector<1xf32>
        %parallel_loop3A_684 = vector.broadcast %parallel_loop3A_683 : f32 to vector<16xf32>
        %parallel_loop3A_685 = arith.constant 16 : i32
        %parallel_loop3A_686 = arith.muli %parallel_loop3A_115, %parallel_loop3A_685 : i32
        %parallel_loop3A_687 = arith.constant 10 : i32
        %parallel_loop3A_688 = arith.addi %parallel_loop3A_686, %parallel_loop3A_687 : i32
        %parallel_loop3A_689 = arith.index_cast %parallel_loop3A_688 : i32 to index
        %parallel_loop3A_690 = arith.constant 0 : index
        %parallel_loop3A_691 = tpu.vector_load %arg9[%parallel_loop3A_689, %parallel_loop3A_690] {strides = array<i32>} : memref<128x128xf32, #tpu.memory_space<vmem>>, vector<1x16xf32>,
        %parallel_loop3A_692 = vector.shape_cast %parallel_loop3A_691 : vector<1x16xf32> to vector<16xf32>
        %parallel_loop3A_693 = arith.mulf %parallel_loop3A_692, %parallel_loop3A_684 : vector<16xf32>
        %parallel_loop3A_694 = arith.addf %parallel_loop3A_639, %parallel_loop3A_693 : vector<16xf32>
        %parallel_loop3A_695 = arith.index_cast %parallel_loop3A_688 : i32 to index
        %parallel_loop3A_696 = arith.constant 16 : index
        %parallel_loop3A_697 = tpu.vector_load %arg9[%parallel_loop3A_695, %parallel_loop3A_696] {strides = array<i32>} : memref<128x128xf32, #tpu.memory_space<vmem>>, vector<1x16xf32>,
        %parallel_loop3A_698 = vector.shape_cast %parallel_loop3A_697 : vector<1x16xf32> to vector<16xf32>
        %parallel_loop3A_699 = arith.mulf %parallel_loop3A_698, %parallel_loop3A_684 : vector<16xf32>
        %parallel_loop3A_700 = arith.addf %parallel_loop3A_645, %parallel_loop3A_699 : vector<16xf32>
        %parallel_loop3A_701 = arith.index_cast %parallel_loop3A_688 : i32 to index
        %parallel_loop3A_702 = arith.constant 32 : index
        %parallel_loop3A_703 = tpu.vector_load %arg9[%parallel_loop3A_701, %parallel_loop3A_702] {strides = array<i32>} : memref<128x128xf32, #tpu.memory_space<vmem>>, vector<1x16xf32>,
        %parallel_loop3A_704 = vector.shape_cast %parallel_loop3A_703 : vector<1x16xf32> to vector<16xf32>
        %parallel_loop3A_705 = arith.mulf %parallel_loop3A_704, %parallel_loop3A_684 : vector<16xf32>
        %parallel_loop3A_706 = arith.addf %parallel_loop3A_651, %parallel_loop3A_705 : vector<16xf32>
        %parallel_loop3A_707 = arith.index_cast %parallel_loop3A_688 : i32 to index
        %parallel_loop3A_708 = arith.constant 48 : index
        %parallel_loop3A_709 = tpu.vector_load %arg9[%parallel_loop3A_707, %parallel_loop3A_708] {strides = array<i32>} : memref<128x128xf32, #tpu.memory_space<vmem>>, vector<1x16xf32>,
        %parallel_loop3A_710 = vector.shape_cast %parallel_loop3A_709 : vector<1x16xf32> to vector<16xf32>
        %parallel_loop3A_711 = arith.mulf %parallel_loop3A_710, %parallel_loop3A_684 : vector<16xf32>
        %parallel_loop3A_712 = arith.addf %parallel_loop3A_657, %parallel_loop3A_711 : vector<16xf32>
        %parallel_loop3A_713 = arith.index_cast %parallel_loop3A_688 : i32 to index
        %parallel_loop3A_714 = arith.constant 64 : index
        %parallel_loop3A_715 = tpu.vector_load %arg9[%parallel_loop3A_713, %parallel_loop3A_714] {strides = array<i32>} : memref<128x128xf32, #tpu.memory_space<vmem>>, vector<1x16xf32>,
        %parallel_loop3A_716 = vector.shape_cast %parallel_loop3A_715 : vector<1x16xf32> to vector<16xf32>
        %parallel_loop3A_717 = arith.mulf %parallel_loop3A_716, %parallel_loop3A_684 : vector<16xf32>
        %parallel_loop3A_718 = arith.addf %parallel_loop3A_663, %parallel_loop3A_717 : vector<16xf32>
        %parallel_loop3A_719 = arith.index_cast %parallel_loop3A_688 : i32 to index
        %parallel_loop3A_720 = arith.constant 80 : index
        %parallel_loop3A_721 = tpu.vector_load %arg9[%parallel_loop3A_719, %parallel_loop3A_720] {strides = array<i32>} : memref<128x128xf32, #tpu.memory_space<vmem>>, vector<1x16xf32>,
        %parallel_loop3A_722 = vector.shape_cast %parallel_loop3A_721 : vector<1x16xf32> to vector<16xf32>
        %parallel_loop3A_723 = arith.mulf %parallel_loop3A_722, %parallel_loop3A_684 : vector<16xf32>
        %parallel_loop3A_724 = arith.addf %parallel_loop3A_669, %parallel_loop3A_723 : vector<16xf32>
        %parallel_loop3A_725 = arith.index_cast %parallel_loop3A_688 : i32 to index
        %parallel_loop3A_726 = arith.constant 96 : index
        %parallel_loop3A_727 = tpu.vector_load %arg9[%parallel_loop3A_725, %parallel_loop3A_726] {strides = array<i32>} : memref<128x128xf32, #tpu.memory_space<vmem>>, vector<1x16xf32>,
        %parallel_loop3A_728 = vector.shape_cast %parallel_loop3A_727 : vector<1x16xf32> to vector<16xf32>
        %parallel_loop3A_729 = arith.mulf %parallel_loop3A_728, %parallel_loop3A_684 : vector<16xf32>
        %parallel_loop3A_730 = arith.addf %parallel_loop3A_675, %parallel_loop3A_729 : vector<16xf32>
        %parallel_loop3A_731 = arith.index_cast %parallel_loop3A_688 : i32 to index
        %parallel_loop3A_732 = arith.constant 112 : index
        %parallel_loop3A_733 = tpu.vector_load %arg9[%parallel_loop3A_731, %parallel_loop3A_732] {strides = array<i32>} : memref<128x128xf32, #tpu.memory_space<vmem>>, vector<1x16xf32>,
        %parallel_loop3A_734 = vector.shape_cast %parallel_loop3A_733 : vector<1x16xf32> to vector<16xf32>
        %parallel_loop3A_735 = arith.mulf %parallel_loop3A_734, %parallel_loop3A_684 : vector<16xf32>
        %parallel_loop3A_736 = arith.addf %parallel_loop3A_681, %parallel_loop3A_735 : vector<16xf32>
        %parallel_loop3A_737 = vector.extract_strided_slice %parallel_loop3A_131 {offsets = [11], sizes = [1], strides = [1]} : vector<16xf32> to vector<1xf32>
        %parallel_loop3A_738 = vector.extract %parallel_loop3A_737[0] : f32 from vector<1xf32>
        %parallel_loop3A_739 = vector.broadcast %parallel_loop3A_738 : f32 to vector<16xf32>
        %parallel_loop3A_740 = arith.constant 16 : i32
        %parallel_loop3A_741 = arith.muli %parallel_loop3A_115, %parallel_loop3A_740 : i32
        %parallel_loop3A_742 = arith.constant 11 : i32
        %parallel_loop3A_743 = arith.addi %parallel_loop3A_741, %parallel_loop3A_742 : i32
        %parallel_loop3A_744 = arith.index_cast %parallel_loop3A_743 : i32 to index
        %parallel_loop3A_745 = arith.constant 0 : index
        %parallel_loop3A_746 = tpu.vector_load %arg9[%parallel_loop3A_744, %parallel_loop3A_745] {strides = array<i32>} : memref<128x128xf32, #tpu.memory_space<vmem>>, vector<1x16xf32>,
        %parallel_loop3A_747 = vector.shape_cast %parallel_loop3A_746 : vector<1x16xf32> to vector<16xf32>
        %parallel_loop3A_748 = arith.mulf %parallel_loop3A_747, %parallel_loop3A_739 : vector<16xf32>
        %parallel_loop3A_749 = arith.addf %parallel_loop3A_694, %parallel_loop3A_748 : vector<16xf32>
        %parallel_loop3A_750 = arith.index_cast %parallel_loop3A_743 : i32 to index
        %parallel_loop3A_751 = arith.constant 16 : index
        %parallel_loop3A_752 = tpu.vector_load %arg9[%parallel_loop3A_750, %parallel_loop3A_751] {strides = array<i32>} : memref<128x128xf32, #tpu.memory_space<vmem>>, vector<1x16xf32>,
        %parallel_loop3A_753 = vector.shape_cast %parallel_loop3A_752 : vector<1x16xf32> to vector<16xf32>
        %parallel_loop3A_754 = arith.mulf %parallel_loop3A_753, %parallel_loop3A_739 : vector<16xf32>
        %parallel_loop3A_755 = arith.addf %parallel_loop3A_700, %parallel_loop3A_754 : vector<16xf32>
        %parallel_loop3A_756 = arith.index_cast %parallel_loop3A_743 : i32 to index
        %parallel_loop3A_757 = arith.constant 32 : index
        %parallel_loop3A_758 = tpu.vector_load %arg9[%parallel_loop3A_756, %parallel_loop3A_757] {strides = array<i32>} : memref<128x128xf32, #tpu.memory_space<vmem>>, vector<1x16xf32>,
        %parallel_loop3A_759 = vector.shape_cast %parallel_loop3A_758 : vector<1x16xf32> to vector<16xf32>
        %parallel_loop3A_760 = arith.mulf %parallel_loop3A_759, %parallel_loop3A_739 : vector<16xf32>
        %parallel_loop3A_761 = arith.addf %parallel_loop3A_706, %parallel_loop3A_760 : vector<16xf32>
        %parallel_loop3A_762 = arith.index_cast %parallel_loop3A_743 : i32 to index
        %parallel_loop3A_763 = arith.constant 48 : index
        %parallel_loop3A_764 = tpu.vector_load %arg9[%parallel_loop3A_762, %parallel_loop3A_763] {strides = array<i32>} : memref<128x128xf32, #tpu.memory_space<vmem>>, vector<1x16xf32>,
        %parallel_loop3A_765 = vector.shape_cast %parallel_loop3A_764 : vector<1x16xf32> to vector<16xf32>
        %parallel_loop3A_766 = arith.mulf %parallel_loop3A_765, %parallel_loop3A_739 : vector<16xf32>
        %parallel_loop3A_767 = arith.addf %parallel_loop3A_712, %parallel_loop3A_766 : vector<16xf32>
        %parallel_loop3A_768 = arith.index_cast %parallel_loop3A_743 : i32 to index
        %parallel_loop3A_769 = arith.constant 64 : index
        %parallel_loop3A_770 = tpu.vector_load %arg9[%parallel_loop3A_768, %parallel_loop3A_769] {strides = array<i32>} : memref<128x128xf32, #tpu.memory_space<vmem>>, vector<1x16xf32>,
        %parallel_loop3A_771 = vector.shape_cast %parallel_loop3A_770 : vector<1x16xf32> to vector<16xf32>
        %parallel_loop3A_772 = arith.mulf %parallel_loop3A_771, %parallel_loop3A_739 : vector<16xf32>
        %parallel_loop3A_773 = arith.addf %parallel_loop3A_718, %parallel_loop3A_772 : vector<16xf32>
        %parallel_loop3A_774 = arith.index_cast %parallel_loop3A_743 : i32 to index
        %parallel_loop3A_775 = arith.constant 80 : index
        %parallel_loop3A_776 = tpu.vector_load %arg9[%parallel_loop3A_774, %parallel_loop3A_775] {strides = array<i32>} : memref<128x128xf32, #tpu.memory_space<vmem>>, vector<1x16xf32>,
        %parallel_loop3A_777 = vector.shape_cast %parallel_loop3A_776 : vector<1x16xf32> to vector<16xf32>
        %parallel_loop3A_778 = arith.mulf %parallel_loop3A_777, %parallel_loop3A_739 : vector<16xf32>
        %parallel_loop3A_779 = arith.addf %parallel_loop3A_724, %parallel_loop3A_778 : vector<16xf32>
        %parallel_loop3A_780 = arith.index_cast %parallel_loop3A_743 : i32 to index
        %parallel_loop3A_781 = arith.constant 96 : index
        %parallel_loop3A_782 = tpu.vector_load %arg9[%parallel_loop3A_780, %parallel_loop3A_781] {strides = array<i32>} : memref<128x128xf32, #tpu.memory_space<vmem>>, vector<1x16xf32>,
        %parallel_loop3A_783 = vector.shape_cast %parallel_loop3A_782 : vector<1x16xf32> to vector<16xf32>
        %parallel_loop3A_784 = arith.mulf %parallel_loop3A_783, %parallel_loop3A_739 : vector<16xf32>
        %parallel_loop3A_785 = arith.addf %parallel_loop3A_730, %parallel_loop3A_784 : vector<16xf32>
        %parallel_loop3A_786 = arith.index_cast %parallel_loop3A_743 : i32 to index
        %parallel_loop3A_787 = arith.constant 112 : index
        %parallel_loop3A_788 = tpu.vector_load %arg9[%parallel_loop3A_786, %parallel_loop3A_787] {strides = array<i32>} : memref<128x128xf32, #tpu.memory_space<vmem>>, vector<1x16xf32>,
        %parallel_loop3A_789 = vector.shape_cast %parallel_loop3A_788 : vector<1x16xf32> to vector<16xf32>
        %parallel_loop3A_790 = arith.mulf %parallel_loop3A_789, %parallel_loop3A_739 : vector<16xf32>
        %parallel_loop3A_791 = arith.addf %parallel_loop3A_736, %parallel_loop3A_790 : vector<16xf32>
        %parallel_loop3A_792 = vector.extract_strided_slice %parallel_loop3A_131 {offsets = [12], sizes = [1], strides = [1]} : vector<16xf32> to vector<1xf32>
        %parallel_loop3A_793 = vector.extract %parallel_loop3A_792[0] : f32 from vector<1xf32>
        %parallel_loop3A_794 = vector.broadcast %parallel_loop3A_793 : f32 to vector<16xf32>
        %parallel_loop3A_795 = arith.constant 16 : i32
        %parallel_loop3A_796 = arith.muli %parallel_loop3A_115, %parallel_loop3A_795 : i32
        %parallel_loop3A_797 = arith.constant 12 : i32
        %parallel_loop3A_798 = arith.addi %parallel_loop3A_796, %parallel_loop3A_797 : i32
        %parallel_loop3A_799 = arith.index_cast %parallel_loop3A_798 : i32 to index
        %parallel_loop3A_800 = arith.constant 0 : index
        %parallel_loop3A_801 = tpu.vector_load %arg9[%parallel_loop3A_799, %parallel_loop3A_800] {strides = array<i32>} : memref<128x128xf32, #tpu.memory_space<vmem>>, vector<1x16xf32>,
        %parallel_loop3A_802 = vector.shape_cast %parallel_loop3A_801 : vector<1x16xf32> to vector<16xf32>
        %parallel_loop3A_803 = arith.mulf %parallel_loop3A_802, %parallel_loop3A_794 : vector<16xf32>
        %parallel_loop3A_804 = arith.addf %parallel_loop3A_749, %parallel_loop3A_803 : vector<16xf32>
        %parallel_loop3A_805 = arith.index_cast %parallel_loop3A_798 : i32 to index
        %parallel_loop3A_806 = arith.constant 16 : index
        %parallel_loop3A_807 = tpu.vector_load %arg9[%parallel_loop3A_805, %parallel_loop3A_806] {strides = array<i32>} : memref<128x128xf32, #tpu.memory_space<vmem>>, vector<1x16xf32>,
        %parallel_loop3A_808 = vector.shape_cast %parallel_loop3A_807 : vector<1x16xf32> to vector<16xf32>
        %parallel_loop3A_809 = arith.mulf %parallel_loop3A_808, %parallel_loop3A_794 : vector<16xf32>
        %parallel_loop3A_810 = arith.addf %parallel_loop3A_755, %parallel_loop3A_809 : vector<16xf32>
        %parallel_loop3A_811 = arith.index_cast %parallel_loop3A_798 : i32 to index
        %parallel_loop3A_812 = arith.constant 32 : index
        %parallel_loop3A_813 = tpu.vector_load %arg9[%parallel_loop3A_811, %parallel_loop3A_812] {strides = array<i32>} : memref<128x128xf32, #tpu.memory_space<vmem>>, vector<1x16xf32>,
        %parallel_loop3A_814 = vector.shape_cast %parallel_loop3A_813 : vector<1x16xf32> to vector<16xf32>
        %parallel_loop3A_815 = arith.mulf %parallel_loop3A_814, %parallel_loop3A_794 : vector<16xf32>
        %parallel_loop3A_816 = arith.addf %parallel_loop3A_761, %parallel_loop3A_815 : vector<16xf32>
        %parallel_loop3A_817 = arith.index_cast %parallel_loop3A_798 : i32 to index
        %parallel_loop3A_818 = arith.constant 48 : index
        %parallel_loop3A_819 = tpu.vector_load %arg9[%parallel_loop3A_817, %parallel_loop3A_818] {strides = array<i32>} : memref<128x128xf32, #tpu.memory_space<vmem>>, vector<1x16xf32>,
        %parallel_loop3A_820 = vector.shape_cast %parallel_loop3A_819 : vector<1x16xf32> to vector<16xf32>
        %parallel_loop3A_821 = arith.mulf %parallel_loop3A_820, %parallel_loop3A_794 : vector<16xf32>
        %parallel_loop3A_822 = arith.addf %parallel_loop3A_767, %parallel_loop3A_821 : vector<16xf32>
        %parallel_loop3A_823 = arith.index_cast %parallel_loop3A_798 : i32 to index
        %parallel_loop3A_824 = arith.constant 64 : index
        %parallel_loop3A_825 = tpu.vector_load %arg9[%parallel_loop3A_823, %parallel_loop3A_824] {strides = array<i32>} : memref<128x128xf32, #tpu.memory_space<vmem>>, vector<1x16xf32>,
        %parallel_loop3A_826 = vector.shape_cast %parallel_loop3A_825 : vector<1x16xf32> to vector<16xf32>
        %parallel_loop3A_827 = arith.mulf %parallel_loop3A_826, %parallel_loop3A_794 : vector<16xf32>
        %parallel_loop3A_828 = arith.addf %parallel_loop3A_773, %parallel_loop3A_827 : vector<16xf32>
        %parallel_loop3A_829 = arith.index_cast %parallel_loop3A_798 : i32 to index
        %parallel_loop3A_830 = arith.constant 80 : index
        %parallel_loop3A_831 = tpu.vector_load %arg9[%parallel_loop3A_829, %parallel_loop3A_830] {strides = array<i32>} : memref<128x128xf32, #tpu.memory_space<vmem>>, vector<1x16xf32>,
        %parallel_loop3A_832 = vector.shape_cast %parallel_loop3A_831 : vector<1x16xf32> to vector<16xf32>
        %parallel_loop3A_833 = arith.mulf %parallel_loop3A_832, %parallel_loop3A_794 : vector<16xf32>
        %parallel_loop3A_834 = arith.addf %parallel_loop3A_779, %parallel_loop3A_833 : vector<16xf32>
        %parallel_loop3A_835 = arith.index_cast %parallel_loop3A_798 : i32 to index
        %parallel_loop3A_836 = arith.constant 96 : index
        %parallel_loop3A_837 = tpu.vector_load %arg9[%parallel_loop3A_835, %parallel_loop3A_836] {strides = array<i32>} : memref<128x128xf32, #tpu.memory_space<vmem>>, vector<1x16xf32>,
        %parallel_loop3A_838 = vector.shape_cast %parallel_loop3A_837 : vector<1x16xf32> to vector<16xf32>
        %parallel_loop3A_839 = arith.mulf %parallel_loop3A_838, %parallel_loop3A_794 : vector<16xf32>
        %parallel_loop3A_840 = arith.addf %parallel_loop3A_785, %parallel_loop3A_839 : vector<16xf32>
        %parallel_loop3A_841 = arith.index_cast %parallel_loop3A_798 : i32 to index
        %parallel_loop3A_842 = arith.constant 112 : index
        %parallel_loop3A_843 = tpu.vector_load %arg9[%parallel_loop3A_841, %parallel_loop3A_842] {strides = array<i32>} : memref<128x128xf32, #tpu.memory_space<vmem>>, vector<1x16xf32>,
        %parallel_loop3A_844 = vector.shape_cast %parallel_loop3A_843 : vector<1x16xf32> to vector<16xf32>
        %parallel_loop3A_845 = arith.mulf %parallel_loop3A_844, %parallel_loop3A_794 : vector<16xf32>
        %parallel_loop3A_846 = arith.addf %parallel_loop3A_791, %parallel_loop3A_845 : vector<16xf32>
        %parallel_loop3A_847 = vector.extract_strided_slice %parallel_loop3A_131 {offsets = [13], sizes = [1], strides = [1]} : vector<16xf32> to vector<1xf32>
        %parallel_loop3A_848 = vector.extract %parallel_loop3A_847[0] : f32 from vector<1xf32>
        %parallel_loop3A_849 = vector.broadcast %parallel_loop3A_848 : f32 to vector<16xf32>
        %parallel_loop3A_850 = arith.constant 16 : i32
        %parallel_loop3A_851 = arith.muli %parallel_loop3A_115, %parallel_loop3A_850 : i32
        %parallel_loop3A_852 = arith.constant 13 : i32
        %parallel_loop3A_853 = arith.addi %parallel_loop3A_851, %parallel_loop3A_852 : i32
        %parallel_loop3A_854 = arith.index_cast %parallel_loop3A_853 : i32 to index
        %parallel_loop3A_855 = arith.constant 0 : index
        %parallel_loop3A_856 = tpu.vector_load %arg9[%parallel_loop3A_854, %parallel_loop3A_855] {strides = array<i32>} : memref<128x128xf32, #tpu.memory_space<vmem>>, vector<1x16xf32>,
        %parallel_loop3A_857 = vector.shape_cast %parallel_loop3A_856 : vector<1x16xf32> to vector<16xf32>
        %parallel_loop3A_858 = arith.mulf %parallel_loop3A_857, %parallel_loop3A_849 : vector<16xf32>
        %parallel_loop3A_859 = arith.addf %parallel_loop3A_804, %parallel_loop3A_858 : vector<16xf32>
        %parallel_loop3A_860 = arith.index_cast %parallel_loop3A_853 : i32 to index
        %parallel_loop3A_861 = arith.constant 16 : index
        %parallel_loop3A_862 = tpu.vector_load %arg9[%parallel_loop3A_860, %parallel_loop3A_861] {strides = array<i32>} : memref<128x128xf32, #tpu.memory_space<vmem>>, vector<1x16xf32>,
        %parallel_loop3A_863 = vector.shape_cast %parallel_loop3A_862 : vector<1x16xf32> to vector<16xf32>
        %parallel_loop3A_864 = arith.mulf %parallel_loop3A_863, %parallel_loop3A_849 : vector<16xf32>
        %parallel_loop3A_865 = arith.addf %parallel_loop3A_810, %parallel_loop3A_864 : vector<16xf32>
        %parallel_loop3A_866 = arith.index_cast %parallel_loop3A_853 : i32 to index
        %parallel_loop3A_867 = arith.constant 32 : index
        %parallel_loop3A_868 = tpu.vector_load %arg9[%parallel_loop3A_866, %parallel_loop3A_867] {strides = array<i32>} : memref<128x128xf32, #tpu.memory_space<vmem>>, vector<1x16xf32>,
        %parallel_loop3A_869 = vector.shape_cast %parallel_loop3A_868 : vector<1x16xf32> to vector<16xf32>
        %parallel_loop3A_870 = arith.mulf %parallel_loop3A_869, %parallel_loop3A_849 : vector<16xf32>
        %parallel_loop3A_871 = arith.addf %parallel_loop3A_816, %parallel_loop3A_870 : vector<16xf32>
        %parallel_loop3A_872 = arith.index_cast %parallel_loop3A_853 : i32 to index
        %parallel_loop3A_873 = arith.constant 48 : index
        %parallel_loop3A_874 = tpu.vector_load %arg9[%parallel_loop3A_872, %parallel_loop3A_873] {strides = array<i32>} : memref<128x128xf32, #tpu.memory_space<vmem>>, vector<1x16xf32>,
        %parallel_loop3A_875 = vector.shape_cast %parallel_loop3A_874 : vector<1x16xf32> to vector<16xf32>
        %parallel_loop3A_876 = arith.mulf %parallel_loop3A_875, %parallel_loop3A_849 : vector<16xf32>
        %parallel_loop3A_877 = arith.addf %parallel_loop3A_822, %parallel_loop3A_876 : vector<16xf32>
        %parallel_loop3A_878 = arith.index_cast %parallel_loop3A_853 : i32 to index
        %parallel_loop3A_879 = arith.constant 64 : index
        %parallel_loop3A_880 = tpu.vector_load %arg9[%parallel_loop3A_878, %parallel_loop3A_879] {strides = array<i32>} : memref<128x128xf32, #tpu.memory_space<vmem>>, vector<1x16xf32>,
        %parallel_loop3A_881 = vector.shape_cast %parallel_loop3A_880 : vector<1x16xf32> to vector<16xf32>
        %parallel_loop3A_882 = arith.mulf %parallel_loop3A_881, %parallel_loop3A_849 : vector<16xf32>
        %parallel_loop3A_883 = arith.addf %parallel_loop3A_828, %parallel_loop3A_882 : vector<16xf32>
        %parallel_loop3A_884 = arith.index_cast %parallel_loop3A_853 : i32 to index
        %parallel_loop3A_885 = arith.constant 80 : index
        %parallel_loop3A_886 = tpu.vector_load %arg9[%parallel_loop3A_884, %parallel_loop3A_885] {strides = array<i32>} : memref<128x128xf32, #tpu.memory_space<vmem>>, vector<1x16xf32>,
        %parallel_loop3A_887 = vector.shape_cast %parallel_loop3A_886 : vector<1x16xf32> to vector<16xf32>
        %parallel_loop3A_888 = arith.mulf %parallel_loop3A_887, %parallel_loop3A_849 : vector<16xf32>
        %parallel_loop3A_889 = arith.addf %parallel_loop3A_834, %parallel_loop3A_888 : vector<16xf32>
        %parallel_loop3A_890 = arith.index_cast %parallel_loop3A_853 : i32 to index
        %parallel_loop3A_891 = arith.constant 96 : index
        %parallel_loop3A_892 = tpu.vector_load %arg9[%parallel_loop3A_890, %parallel_loop3A_891] {strides = array<i32>} : memref<128x128xf32, #tpu.memory_space<vmem>>, vector<1x16xf32>,
        %parallel_loop3A_893 = vector.shape_cast %parallel_loop3A_892 : vector<1x16xf32> to vector<16xf32>
        %parallel_loop3A_894 = arith.mulf %parallel_loop3A_893, %parallel_loop3A_849 : vector<16xf32>
        %parallel_loop3A_895 = arith.addf %parallel_loop3A_840, %parallel_loop3A_894 : vector<16xf32>
        %parallel_loop3A_896 = arith.index_cast %parallel_loop3A_853 : i32 to index
        %parallel_loop3A_897 = arith.constant 112 : index
        %parallel_loop3A_898 = tpu.vector_load %arg9[%parallel_loop3A_896, %parallel_loop3A_897] {strides = array<i32>} : memref<128x128xf32, #tpu.memory_space<vmem>>, vector<1x16xf32>,
        %parallel_loop3A_899 = vector.shape_cast %parallel_loop3A_898 : vector<1x16xf32> to vector<16xf32>
        %parallel_loop3A_900 = arith.mulf %parallel_loop3A_899, %parallel_loop3A_849 : vector<16xf32>
        %parallel_loop3A_901 = arith.addf %parallel_loop3A_846, %parallel_loop3A_900 : vector<16xf32>
        %parallel_loop3A_902 = vector.extract_strided_slice %parallel_loop3A_131 {offsets = [14], sizes = [1], strides = [1]} : vector<16xf32> to vector<1xf32>
        %parallel_loop3A_903 = vector.extract %parallel_loop3A_902[0] : f32 from vector<1xf32>
        %parallel_loop3A_904 = vector.broadcast %parallel_loop3A_903 : f32 to vector<16xf32>
        %parallel_loop3A_905 = arith.constant 16 : i32
        %parallel_loop3A_906 = arith.muli %parallel_loop3A_115, %parallel_loop3A_905 : i32
        %parallel_loop3A_907 = arith.constant 14 : i32
        %parallel_loop3A_908 = arith.addi %parallel_loop3A_906, %parallel_loop3A_907 : i32
        %parallel_loop3A_909 = arith.index_cast %parallel_loop3A_908 : i32 to index
        %parallel_loop3A_910 = arith.constant 0 : index
        %parallel_loop3A_911 = tpu.vector_load %arg9[%parallel_loop3A_909, %parallel_loop3A_910] {strides = array<i32>} : memref<128x128xf32, #tpu.memory_space<vmem>>, vector<1x16xf32>,
        %parallel_loop3A_912 = vector.shape_cast %parallel_loop3A_911 : vector<1x16xf32> to vector<16xf32>
        %parallel_loop3A_913 = arith.mulf %parallel_loop3A_912, %parallel_loop3A_904 : vector<16xf32>
        %parallel_loop3A_914 = arith.addf %parallel_loop3A_859, %parallel_loop3A_913 : vector<16xf32>
        %parallel_loop3A_915 = arith.index_cast %parallel_loop3A_908 : i32 to index
        %parallel_loop3A_916 = arith.constant 16 : index
        %parallel_loop3A_917 = tpu.vector_load %arg9[%parallel_loop3A_915, %parallel_loop3A_916] {strides = array<i32>} : memref<128x128xf32, #tpu.memory_space<vmem>>, vector<1x16xf32>,
        %parallel_loop3A_918 = vector.shape_cast %parallel_loop3A_917 : vector<1x16xf32> to vector<16xf32>
        %parallel_loop3A_919 = arith.mulf %parallel_loop3A_918, %parallel_loop3A_904 : vector<16xf32>
        %parallel_loop3A_920 = arith.addf %parallel_loop3A_865, %parallel_loop3A_919 : vector<16xf32>
        %parallel_loop3A_921 = arith.index_cast %parallel_loop3A_908 : i32 to index
        %parallel_loop3A_922 = arith.constant 32 : index
        %parallel_loop3A_923 = tpu.vector_load %arg9[%parallel_loop3A_921, %parallel_loop3A_922] {strides = array<i32>} : memref<128x128xf32, #tpu.memory_space<vmem>>, vector<1x16xf32>,
        %parallel_loop3A_924 = vector.shape_cast %parallel_loop3A_923 : vector<1x16xf32> to vector<16xf32>
        %parallel_loop3A_925 = arith.mulf %parallel_loop3A_924, %parallel_loop3A_904 : vector<16xf32>
        %parallel_loop3A_926 = arith.addf %parallel_loop3A_871, %parallel_loop3A_925 : vector<16xf32>
        %parallel_loop3A_927 = arith.index_cast %parallel_loop3A_908 : i32 to index
        %parallel_loop3A_928 = arith.constant 48 : index
        %parallel_loop3A_929 = tpu.vector_load %arg9[%parallel_loop3A_927, %parallel_loop3A_928] {strides = array<i32>} : memref<128x128xf32, #tpu.memory_space<vmem>>, vector<1x16xf32>,
        %parallel_loop3A_930 = vector.shape_cast %parallel_loop3A_929 : vector<1x16xf32> to vector<16xf32>
        %parallel_loop3A_931 = arith.mulf %parallel_loop3A_930, %parallel_loop3A_904 : vector<16xf32>
        %parallel_loop3A_932 = arith.addf %parallel_loop3A_877, %parallel_loop3A_931 : vector<16xf32>
        %parallel_loop3A_933 = arith.index_cast %parallel_loop3A_908 : i32 to index
        %parallel_loop3A_934 = arith.constant 64 : index
        %parallel_loop3A_935 = tpu.vector_load %arg9[%parallel_loop3A_933, %parallel_loop3A_934] {strides = array<i32>} : memref<128x128xf32, #tpu.memory_space<vmem>>, vector<1x16xf32>,
        %parallel_loop3A_936 = vector.shape_cast %parallel_loop3A_935 : vector<1x16xf32> to vector<16xf32>
        %parallel_loop3A_937 = arith.mulf %parallel_loop3A_936, %parallel_loop3A_904 : vector<16xf32>
        %parallel_loop3A_938 = arith.addf %parallel_loop3A_883, %parallel_loop3A_937 : vector<16xf32>
        %parallel_loop3A_939 = arith.index_cast %parallel_loop3A_908 : i32 to index
        %parallel_loop3A_940 = arith.constant 80 : index
        %parallel_loop3A_941 = tpu.vector_load %arg9[%parallel_loop3A_939, %parallel_loop3A_940] {strides = array<i32>} : memref<128x128xf32, #tpu.memory_space<vmem>>, vector<1x16xf32>,
        %parallel_loop3A_942 = vector.shape_cast %parallel_loop3A_941 : vector<1x16xf32> to vector<16xf32>
        %parallel_loop3A_943 = arith.mulf %parallel_loop3A_942, %parallel_loop3A_904 : vector<16xf32>
        %parallel_loop3A_944 = arith.addf %parallel_loop3A_889, %parallel_loop3A_943 : vector<16xf32>
        %parallel_loop3A_945 = arith.index_cast %parallel_loop3A_908 : i32 to index
        %parallel_loop3A_946 = arith.constant 96 : index
        %parallel_loop3A_947 = tpu.vector_load %arg9[%parallel_loop3A_945, %parallel_loop3A_946] {strides = array<i32>} : memref<128x128xf32, #tpu.memory_space<vmem>>, vector<1x16xf32>,
        %parallel_loop3A_948 = vector.shape_cast %parallel_loop3A_947 : vector<1x16xf32> to vector<16xf32>
        %parallel_loop3A_949 = arith.mulf %parallel_loop3A_948, %parallel_loop3A_904 : vector<16xf32>
        %parallel_loop3A_950 = arith.addf %parallel_loop3A_895, %parallel_loop3A_949 : vector<16xf32>
        %parallel_loop3A_951 = arith.index_cast %parallel_loop3A_908 : i32 to index
        %parallel_loop3A_952 = arith.constant 112 : index
        %parallel_loop3A_953 = tpu.vector_load %arg9[%parallel_loop3A_951, %parallel_loop3A_952] {strides = array<i32>} : memref<128x128xf32, #tpu.memory_space<vmem>>, vector<1x16xf32>,
        %parallel_loop3A_954 = vector.shape_cast %parallel_loop3A_953 : vector<1x16xf32> to vector<16xf32>
        %parallel_loop3A_955 = arith.mulf %parallel_loop3A_954, %parallel_loop3A_904 : vector<16xf32>
        %parallel_loop3A_956 = arith.addf %parallel_loop3A_901, %parallel_loop3A_955 : vector<16xf32>
        %parallel_loop3A_957 = vector.extract_strided_slice %parallel_loop3A_131 {offsets = [15], sizes = [1], strides = [1]} : vector<16xf32> to vector<1xf32>
        %parallel_loop3A_958 = vector.extract %parallel_loop3A_957[0] : f32 from vector<1xf32>
        %parallel_loop3A_959 = vector.broadcast %parallel_loop3A_958 : f32 to vector<16xf32>
        %parallel_loop3A_960 = arith.constant 16 : i32
        %parallel_loop3A_961 = arith.muli %parallel_loop3A_115, %parallel_loop3A_960 : i32
        %parallel_loop3A_962 = arith.constant 15 : i32
        %parallel_loop3A_963 = arith.addi %parallel_loop3A_961, %parallel_loop3A_962 : i32
        %parallel_loop3A_964 = arith.index_cast %parallel_loop3A_963 : i32 to index
        %parallel_loop3A_965 = arith.constant 0 : index
        %parallel_loop3A_966 = tpu.vector_load %arg9[%parallel_loop3A_964, %parallel_loop3A_965] {strides = array<i32>} : memref<128x128xf32, #tpu.memory_space<vmem>>, vector<1x16xf32>,
        %parallel_loop3A_967 = vector.shape_cast %parallel_loop3A_966 : vector<1x16xf32> to vector<16xf32>
        %parallel_loop3A_968 = arith.mulf %parallel_loop3A_967, %parallel_loop3A_959 : vector<16xf32>
        %parallel_loop3A_969 = arith.addf %parallel_loop3A_914, %parallel_loop3A_968 : vector<16xf32>
        %parallel_loop3A_970 = arith.index_cast %parallel_loop3A_963 : i32 to index
        %parallel_loop3A_971 = arith.constant 16 : index
        %parallel_loop3A_972 = tpu.vector_load %arg9[%parallel_loop3A_970, %parallel_loop3A_971] {strides = array<i32>} : memref<128x128xf32, #tpu.memory_space<vmem>>, vector<1x16xf32>,
        %parallel_loop3A_973 = vector.shape_cast %parallel_loop3A_972 : vector<1x16xf32> to vector<16xf32>
        %parallel_loop3A_974 = arith.mulf %parallel_loop3A_973, %parallel_loop3A_959 : vector<16xf32>
        %parallel_loop3A_975 = arith.addf %parallel_loop3A_920, %parallel_loop3A_974 : vector<16xf32>
        %parallel_loop3A_976 = arith.index_cast %parallel_loop3A_963 : i32 to index
        %parallel_loop3A_977 = arith.constant 32 : index
        %parallel_loop3A_978 = tpu.vector_load %arg9[%parallel_loop3A_976, %parallel_loop3A_977] {strides = array<i32>} : memref<128x128xf32, #tpu.memory_space<vmem>>, vector<1x16xf32>,
        %parallel_loop3A_979 = vector.shape_cast %parallel_loop3A_978 : vector<1x16xf32> to vector<16xf32>
        %parallel_loop3A_980 = arith.mulf %parallel_loop3A_979, %parallel_loop3A_959 : vector<16xf32>
        %parallel_loop3A_981 = arith.addf %parallel_loop3A_926, %parallel_loop3A_980 : vector<16xf32>
        %parallel_loop3A_982 = arith.index_cast %parallel_loop3A_963 : i32 to index
        %parallel_loop3A_983 = arith.constant 48 : index
        %parallel_loop3A_984 = tpu.vector_load %arg9[%parallel_loop3A_982, %parallel_loop3A_983] {strides = array<i32>} : memref<128x128xf32, #tpu.memory_space<vmem>>, vector<1x16xf32>,
        %parallel_loop3A_985 = vector.shape_cast %parallel_loop3A_984 : vector<1x16xf32> to vector<16xf32>
        %parallel_loop3A_986 = arith.mulf %parallel_loop3A_985, %parallel_loop3A_959 : vector<16xf32>
        %parallel_loop3A_987 = arith.addf %parallel_loop3A_932, %parallel_loop3A_986 : vector<16xf32>
        %parallel_loop3A_988 = arith.index_cast %parallel_loop3A_963 : i32 to index
        %parallel_loop3A_989 = arith.constant 64 : index
        %parallel_loop3A_990 = tpu.vector_load %arg9[%parallel_loop3A_988, %parallel_loop3A_989] {strides = array<i32>} : memref<128x128xf32, #tpu.memory_space<vmem>>, vector<1x16xf32>,
        %parallel_loop3A_991 = vector.shape_cast %parallel_loop3A_990 : vector<1x16xf32> to vector<16xf32>
        %parallel_loop3A_992 = arith.mulf %parallel_loop3A_991, %parallel_loop3A_959 : vector<16xf32>
        %parallel_loop3A_993 = arith.addf %parallel_loop3A_938, %parallel_loop3A_992 : vector<16xf32>
        %parallel_loop3A_994 = arith.index_cast %parallel_loop3A_963 : i32 to index
        %parallel_loop3A_995 = arith.constant 80 : index
        %parallel_loop3A_996 = tpu.vector_load %arg9[%parallel_loop3A_994, %parallel_loop3A_995] {strides = array<i32>} : memref<128x128xf32, #tpu.memory_space<vmem>>, vector<1x16xf32>,
        %parallel_loop3A_997 = vector.shape_cast %parallel_loop3A_996 : vector<1x16xf32> to vector<16xf32>
        %parallel_loop3A_998 = arith.mulf %parallel_loop3A_997, %parallel_loop3A_959 : vector<16xf32>
        %parallel_loop3A_999 = arith.addf %parallel_loop3A_944, %parallel_loop3A_998 : vector<16xf32>
        %parallel_loop3A_1000 = arith.index_cast %parallel_loop3A_963 : i32 to index
        %parallel_loop3A_1001 = arith.constant 96 : index
        %parallel_loop3A_1002 = tpu.vector_load %arg9[%parallel_loop3A_1000, %parallel_loop3A_1001] {strides = array<i32>} : memref<128x128xf32, #tpu.memory_space<vmem>>, vector<1x16xf32>,
        %parallel_loop3A_1003 = vector.shape_cast %parallel_loop3A_1002 : vector<1x16xf32> to vector<16xf32>
        %parallel_loop3A_1004 = arith.mulf %parallel_loop3A_1003, %parallel_loop3A_959 : vector<16xf32>
        %parallel_loop3A_1005 = arith.addf %parallel_loop3A_950, %parallel_loop3A_1004 : vector<16xf32>
        %parallel_loop3A_1006 = arith.index_cast %parallel_loop3A_963 : i32 to index
        %parallel_loop3A_1007 = arith.constant 112 : index
        %parallel_loop3A_1008 = tpu.vector_load %arg9[%parallel_loop3A_1006, %parallel_loop3A_1007] {strides = array<i32>} : memref<128x128xf32, #tpu.memory_space<vmem>>, vector<1x16xf32>,
        %parallel_loop3A_1009 = vector.shape_cast %parallel_loop3A_1008 : vector<1x16xf32> to vector<16xf32>
        %parallel_loop3A_1010 = arith.mulf %parallel_loop3A_1009, %parallel_loop3A_959 : vector<16xf32>
        %parallel_loop3A_1011 = arith.addf %parallel_loop3A_956, %parallel_loop3A_1010 : vector<16xf32>
        scf.yield %parallel_loop3A_969, %parallel_loop3A_975, %parallel_loop3A_981, %parallel_loop3A_987, %parallel_loop3A_993, %parallel_loop3A_999, %parallel_loop3A_1005, %parallel_loop3A_1011 : vector<16xf32>, vector<16xf32>, vector<16xf32>, vector<16xf32>, vector<16xf32>, vector<16xf32>, vector<16xf32>, vector<16xf32>
      } {sc.loop_unroll_factor = 1 : i64, sc.parallel_access}
      %add3A_108 = arith.constant 2 : i32
      %add3A_109 = arith.addi %add3A_97, %add3A_108 : i32
      %lt3A_110 = arith.constant 4 : i32
      %lt3A_111 = arith.cmpi slt, %add3A_109, %lt3A_110 : i32
      %convert_element_type3A_112 = arith.extui %lt3A_111 : i1 to i32
      %cond3A_113 = arith.constant 0 : i32
      %cond3A_114 = arith.cmpi ne, %convert_element_type3A_112, %cond3A_113 : i32
      scf.if %cond3A_114 {
        %add3A_115 = arith.constant 2 : i32
        %add3A_116 = arith.addi %add3A_97, %add3A_115 : i32
        %dma_start3A_117 = arith.constant 0 : i32
        %dma_start3A_118 = tpu.memref_slice %arg6[%add3A_116, %dma_start3A_117] : memref<4x128xi32, #tpu.memory_space<vmem>> -> memref<1x128xi32, #tpu.memory_space<vmem>>
        %dma_start3A_119 = tpu.memref_squeeze %dma_start3A_118 : memref<1x128xi32, #tpu.memory_space<vmem>> -> memref<128xi32, #tpu.memory_space<vmem>>
        %dma_start3A_120 = arith.constant 0 : i32
        %dma_start3A_121 = arith.constant 0 : i32
        %dma_start3A_122 = tpu.memref_slice %arg4[%dma_start3A_120, %dma_start3A_121] : memref<100000x128xf32, #tpu.memory_space<hbm>> -> memref<100000x128xf32, #tpu.memory_space<hbm>>
        tpu.enqueue_indirect_dma source(%dma_start3A_122 : memref<100000x128xf32, #tpu.memory_space<hbm>>) target(%arg9 : memref<128x128xf32, #tpu.memory_space<vmem>>) offsets(%dma_start3A_119 : memref<128xi32, #tpu.memory_space<vmem>>) semaphore(%arg12 : memref<!tpu.dma_semaphore, #tpu.memory_space<semaphore_mem>>)
      } else {
      }
      scf.yield %parallel_loop3A_107#0, %parallel_loop3A_107#1, %parallel_loop3A_107#2, %parallel_loop3A_107#3, %parallel_loop3A_107#4, %parallel_loop3A_107#5, %parallel_loop3A_107#6, %parallel_loop3A_107#7 : vector<16xf32>, vector<16xf32>, vector<16xf32>, vector<16xf32>, vector<16xf32>, vector<16xf32>, vector<16xf32>, vector<16xf32>
    }
    %scan3A_37 = arith.constant 2 : i32
    %swap3A = arith.constant 0 : index
    %swap3A_38 = tpu.vector_load %arg10[%swap3A] {strides = array<i32>} : memref<128xf32, #tpu.memory_space<vmem>>, vector<16xf32>,
    %swap3A_39 = vector.shape_cast %swap3A_38 : vector<16xf32> to vector<16xf32>
    %swap3A_40 = vector.shape_cast %scan3A_36#0 : vector<16xf32> to vector<16xf32>
    tpu.vector_store %arg10[%swap3A], %swap3A_40 {strides = array<i32>} : memref<128xf32, #tpu.memory_space<vmem>>, vector<16xf32>,
    %swap3A_41 = arith.constant 16 : index
    %swap3A_42 = tpu.vector_load %arg10[%swap3A_41] {strides = array<i32>} : memref<128xf32, #tpu.memory_space<vmem>>, vector<16xf32>,
    %swap3A_43 = vector.shape_cast %swap3A_42 : vector<16xf32> to vector<16xf32>
    %swap3A_44 = vector.shape_cast %scan3A_36#1 : vector<16xf32> to vector<16xf32>
    tpu.vector_store %arg10[%swap3A_41], %swap3A_44 {strides = array<i32>} : memref<128xf32, #tpu.memory_space<vmem>>, vector<16xf32>,
    %swap3A_45 = arith.constant 32 : index
    %swap3A_46 = tpu.vector_load %arg10[%swap3A_45] {strides = array<i32>} : memref<128xf32, #tpu.memory_space<vmem>>, vector<16xf32>,
    %swap3A_47 = vector.shape_cast %swap3A_46 : vector<16xf32> to vector<16xf32>
    %swap3A_48 = vector.shape_cast %scan3A_36#2 : vector<16xf32> to vector<16xf32>
    tpu.vector_store %arg10[%swap3A_45], %swap3A_48 {strides = array<i32>} : memref<128xf32, #tpu.memory_space<vmem>>, vector<16xf32>,
    %swap3A_49 = arith.constant 48 : index
    %swap3A_50 = tpu.vector_load %arg10[%swap3A_49] {strides = array<i32>} : memref<128xf32, #tpu.memory_space<vmem>>, vector<16xf32>,
    %swap3A_51 = vector.shape_cast %swap3A_50 : vector<16xf32> to vector<16xf32>
    %swap3A_52 = vector.shape_cast %scan3A_36#3 : vector<16xf32> to vector<16xf32>
    tpu.vector_store %arg10[%swap3A_49], %swap3A_52 {strides = array<i32>} : memref<128xf32, #tpu.memory_space<vmem>>, vector<16xf32>,
    %swap3A_53 = arith.constant 64 : index
    %swap3A_54 = tpu.vector_load %arg10[%swap3A_53] {strides = array<i32>} : memref<128xf32, #tpu.memory_space<vmem>>, vector<16xf32>,
    %swap3A_55 = vector.shape_cast %swap3A_54 : vector<16xf32> to vector<16xf32>
    %swap3A_56 = vector.shape_cast %scan3A_36#4 : vector<16xf32> to vector<16xf32>
    tpu.vector_store %arg10[%swap3A_53], %swap3A_56 {strides = array<i32>} : memref<128xf32, #tpu.memory_space<vmem>>, vector<16xf32>,
    %swap3A_57 = arith.constant 80 : index
    %swap3A_58 = tpu.vector_load %arg10[%swap3A_57] {strides = array<i32>} : memref<128xf32, #tpu.memory_space<vmem>>, vector<16xf32>,
    %swap3A_59 = vector.shape_cast %swap3A_58 : vector<16xf32> to vector<16xf32>
    %swap3A_60 = vector.shape_cast %scan3A_36#5 : vector<16xf32> to vector<16xf32>
    tpu.vector_store %arg10[%swap3A_57], %swap3A_60 {strides = array<i32>} : memref<128xf32, #tpu.memory_space<vmem>>, vector<16xf32>,
    %swap3A_61 = arith.constant 96 : index
    %swap3A_62 = tpu.vector_load %arg10[%swap3A_61] {strides = array<i32>} : memref<128xf32, #tpu.memory_space<vmem>>, vector<16xf32>,
    %swap3A_63 = vector.shape_cast %swap3A_62 : vector<16xf32> to vector<16xf32>
    %swap3A_64 = vector.shape_cast %scan3A_36#6 : vector<16xf32> to vector<16xf32>
    tpu.vector_store %arg10[%swap3A_61], %swap3A_64 {strides = array<i32>} : memref<128xf32, #tpu.memory_space<vmem>>, vector<16xf32>,
    %swap3A_65 = arith.constant 112 : index
    %swap3A_66 = tpu.vector_load %arg10[%swap3A_65] {strides = array<i32>} : memref<128xf32, #tpu.memory_space<vmem>>, vector<16xf32>,
    %swap3A_67 = vector.shape_cast %swap3A_66 : vector<16xf32> to vector<16xf32>
    %swap3A_68 = vector.shape_cast %scan3A_36#7 : vector<16xf32> to vector<16xf32>
    tpu.vector_store %arg10[%swap3A_65], %swap3A_68 {strides = array<i32>} : memref<128xf32, #tpu.memory_space<vmem>>, vector<16xf32>,
    "tpu.region"() ({
      %run_scoped3A = tpu.sem_alloc : memref<!tpu.dma_semaphore, #tpu.memory_space<semaphore_mem>>
      %dma_start3A_69 = arith.constant 0 : i32
      %dma_start3A_70 = tpu.memref_slice %arg5[%add3A, %dma_start3A_69] : memref<32x128xf32, #tpu.memory_space<hbm>> -> memref<1x128xf32, #tpu.memory_space<hbm>>
      %dma_start3A_71 = tpu.memref_squeeze %dma_start3A_70 : memref<1x128xf32, #tpu.memory_space<hbm>> -> memref<128xf32, #tpu.memory_space<hbm>>
      %dma_start3A_72 = arith.constant 0 : i32
      %dma_start3A_73 = tpu.memref_slice %arg5[%add3A, %dma_start3A_72] : memref<32x128xf32, #tpu.memory_space<hbm>> -> memref<1x128xf32, #tpu.memory_space<hbm>>
      %dma_start3A_74 = tpu.memref_squeeze %dma_start3A_73 : memref<1x128xf32, #tpu.memory_space<hbm>> -> memref<128xf32, #tpu.memory_space<hbm>>
      tpu.enqueue_dma source(%arg10 : memref<128xf32, #tpu.memory_space<vmem>>) target(%dma_start3A_74 : memref<128xf32, #tpu.memory_space<hbm>>) target_semaphore(%run_scoped3A : memref<!tpu.dma_semaphore, #tpu.memory_space<semaphore_mem>>)
      %dma_wait3A = arith.constant 0 : i32
      %dma_wait3A_75 = tpu.memref_slice %arg5[%add3A, %dma_wait3A] : memref<32x128xf32, #tpu.memory_space<hbm>> -> memref<1x128xf32, #tpu.memory_space<hbm>>
      %dma_wait3A_76 = tpu.memref_squeeze %dma_wait3A_75 : memref<1x128xf32, #tpu.memory_space<hbm>> -> memref<128xf32, #tpu.memory_space<hbm>>
      %dma_wait3A_77 = arith.constant 0 : i32
      %dma_wait3A_78 = tpu.memref_slice %arg5[%add3A, %dma_wait3A_77] : memref<32x128xf32, #tpu.memory_space<hbm>> -> memref<1x128xf32, #tpu.memory_space<hbm>>
      %dma_wait3A_79 = tpu.memref_squeeze %dma_wait3A_78 : memref<1x128xf32, #tpu.memory_space<hbm>> -> memref<128xf32, #tpu.memory_space<hbm>>
      tpu.wait_dma2 semaphore(%run_scoped3A : memref<!tpu.dma_semaphore, #tpu.memory_space<semaphore_mem>>) src(%arg10 : memref<128xf32, #tpu.memory_space<vmem>>) dst(%dma_wait3A_79 : memref<128xf32, #tpu.memory_space<hbm>>)
      tpu.yield
    }) : () -> ()
    return
  }
}

module attributes {stable_mosaic.version = 14 : i64} {
  func.func @body(%arg0: memref<32x128xf32, #tpu.memory_space<vmem>>, %arg1: memref<1x128xf32, #tpu.memory_space<vmem>>, %arg2: memref<1x1xf32, #tpu.memory_space<vmem>>, %arg3: memref<1x1xf32, #tpu.memory_space<vmem>>) attributes {dimension_semantics = [], scalar_prefetch = 0 : i64, scratch_operands = 0 : i64, tpu.core_type = #tpu.core_type<tc>} {
    %get3A = arith.constant 0 : index
    %get3A_0 = arith.constant 0 : index
    %get3A_1 = vector.load %arg0[%get3A, %get3A_0] : memref<32x128xf32, #tpu.memory_space<vmem>>, vector<32x128xf32>
    %reduce_sum3A = arith.constant dense<0.000000e+00> : vector<128xf32>
    %reduce_sum3A_2 = vector.multi_reduction <add>, %get3A_1, %reduce_sum3A [0] : vector<32x128xf32> to vector<128xf32>
    %broadcast_in_dim3A = vector.shape_cast %reduce_sum3A_2 : vector<128xf32> to vector<1x128xf32>
    %mul3A = arith.constant 6.10351563E-5 : f32
    %mul3A_3 = vector.broadcast %mul3A : f32 to vector<1x128xf32>
    %mul3A_4 = arith.mulf %broadcast_in_dim3A, %mul3A_3 : vector<1x128xf32>
    %get3A_5 = arith.constant 0 : index
    %get3A_6 = arith.constant 0 : index
    %get3A_7 = vector.load %arg1[%get3A_5, %get3A_6] : memref<1x128xf32, #tpu.memory_space<vmem>>, vector<1x128xf32>
    %mul3A_8 = arith.mulf %mul3A_4, %get3A_7 : vector<1x128xf32>
    %reduce_sum3A_9 = vector.shape_cast %mul3A_8 : vector<1x128xf32> to vector<1x1x128xf32>
    %reduce_sum3A_10 = arith.constant dense<0.000000e+00> : vector<1xf32>
    %reduce_sum3A_11 = vector.multi_reduction <add>, %reduce_sum3A_9, %reduce_sum3A_10 [1, 2] : vector<1x1x128xf32> to vector<1xf32>
    %reduce_sum3A_12 = vector.shape_cast %reduce_sum3A_11 : vector<1xf32> to vector<1x1x1xf32>
    %reduce_sum3A_13 = vector.extract %reduce_sum3A_12[0, 0, 0] : f32 from vector<1x1x1xf32>
    %reshape3A = vector.broadcast %reduce_sum3A_13 : f32 to vector<1x1xf32>
    %get3A_14 = arith.constant 0 : index
    %get3A_15 = arith.constant 0 : index
    %get3A_16 = vector.load %arg2[%get3A_14, %get3A_15] : memref<1x1xf32, #tpu.memory_space<vmem>>, vector<1x1xf32>
    %add3A = arith.addf %reshape3A, %get3A_16 : vector<1x1xf32>
    %logistic3A = arith.negf %add3A : vector<1x1xf32>
    %logistic3A_17 = math.exp %logistic3A : vector<1x1xf32>
    %logistic3A_18 = arith.constant 1.000000e+00 : f32
    %logistic3A_19 = vector.broadcast %logistic3A_18 : f32 to vector<1x1xf32>
    %logistic3A_20 = arith.addf %logistic3A_19, %logistic3A_17 : vector<1x1xf32>
    %logistic3A_21 = arith.divf %logistic3A_19, %logistic3A_20 : vector<1x1xf32>
    %swap3A = arith.constant 0 : index
    %swap3A_22 = arith.constant 0 : index
    %swap3A_23 = vector.load %arg3[%swap3A, %swap3A_22] : memref<1x1xf32, #tpu.memory_space<vmem>>, vector<1x1xf32>
    tpu.vector_store %arg3[%swap3A, %swap3A_22], %logistic3A_21 {strides = array<i32>} : memref<1x1xf32, #tpu.memory_space<vmem>>, vector<1x1xf32>,
    return
  }
}

</mosaic_0001>

<sc_bundles>
// kernel: kernel.4.cloned.1.call-start
scs
__scs_entry_jumppad:
0x0: {  	(pc) =	sbr.rel $0x88, $3  }
0x1: {  	(tag) =	ssettag $0x0;
	lr =	simm.s32 $0x1  }
0x2: {  	[smem:$0x3F9C] =	sst lr;
	_ =	strace $0xD0000000  }
0x3: {  	_ = 	snop  }
0x4: {  	_ = 	snop  }
0x5: {  	_ = 	snop  }
0x6: {  	_ = 	snop  }
0x7: {  	_ = 	snop  }
__scs_overlays_trampoline_lowered:
0x8: {  	[smem:$0x3FAB] =	sst s0  }
0x9: {  	[smem:$0x3FAC] =	sst s1  }
0xa: {  	[smem:$0x3FAD] =	sst s2  }
0xb: {  	[smem:$0x3FAE] =	sst s3  }
0xc: {  	[smem:$0x3FAF] =	sst s4  }
0xd: {  	[smem:$0x3FB0] =	sst s5  }
0xe: {  	[smem:$0x3FB1] =	sst s6  }
0xf: {  	[smem:$0x3FB2] =	sst s7  }
0x10: {  	[smem:$0x3FB3] =	sst s8  }
0x11: {  	[smem:$0x3FB4] =	sst s9;
	s0 =	simm.s32 @!p0 $0x0  }
0x12: {  	s1 =	sld [smem:$0x3F9A];
	s0 =	simm.s32 @p0 $0x1  }
0x13: {  	[smem:$0x3FB5] =	sst s0;
	s0 =	simm.s32 @!p1 $0x0  }
0x14: {  	s2 =	sld [smem:$0x3F99];
	s0 =	simm.s32 @p1 $0x1  }
0x15: {  	[smem:$0x3FB6] =	sst s0;
	s0 =	simm.s32 @!p2 $0x0  }
0x16: {  	s3 =	sld [smem:$0x3FDB];
	s0 =	simm.s32 @p2 $0x1  }
0x17: {  	s4 =	simm.s32 $0x1BF5;
	[smem:$0x3FB8] =	sst s0  }
0x18: {  	s0 =	sld [smem:$0x3F9B];
	_ =	swait.ge [sflag:s4], $0x0  }
0x19: {  	s7 =	sld [smem:$0x3F9C]  }
0x1a: {  	s8 =	sadd.s32 $0xFFFFE003, lr  }
0x1b: {  	s9 =	sadd.s32 $0xFFFFFEF7, lr;
	s5 =	simm.s32 $0xFFFFFFFF;
	p2 =	slt.u32 s8, $0xFFFFF086  }
0x1c: {  	p1 =	slt.u32 s9, $0xF7A;
	s5 =	simm.s32 @!p2 $0x0  }
0x1d: {  	s5 =	simm.s32 @p1 $0x1;
	p0 =	seq.s32 s7, s2  }
0x1e: {  	s7 =	smul.u32 @!p0 $0xF7A, s2;
	p2 =	seq.s32 @!p0 s5, $0x0  }
0x1f: {  	s9 =	smul.u32 $0xF7A, s1;
	s8 =	simm.s32 @!p0 $0x1BF5;
	p2 =	por !p2, p0  }
0x20: {  	[sflag:s8] =	ssyncset.s32 @!p0 $0xFFFFF086;
	s6 =	sadd.s32 @!p0 s3, s7;
	s7 =	simm.s32 @!p0 $0x108  }
0x21: {  	s3 =	sadd.s32 s3, s9;
	s6 =	sadd.s32 @!p0 $0x88, s6;
	s7 =	simm.s32 @p2 $0x1082  }
0x22: {  	[simem:s7], [sflag:s8] =	dma.local @!p0 [hbm:s6], $0xF7A  }
0x23: {  	s9 =	sor.u32 $0xD0000000, s2;
	s6 =	simm.s32 $0x108;
	_ =	swait.ge @!p0 [sflag:s8], $0x0  }
0x24: {  	s3 =	sadd.s32 $0x88, s3;
	s6 =	simm.s32 @!p1 $0x1082;
	[sflag:s4] =	ssyncset.s32 $0xFFFFF086  }
0x25: {  	[simem:s6], [sflag:s4] =	dma.local [hbm:s3], $0xF7A  }
0x26: {  	[smem:$0x3F9C] =	sst s1;
	(tag) =	ssettag s2;
	_ =	strace s9  }
0x27: {  	s1 =	sld [smem:$0x3FAC]  }
0x28: {  	s2 =	sld [smem:$0x3FAD]  }
0x29: {  	s4 =	sld [smem:$0x3FAF]  }
0x2a: {  	p0 =	seq.s32 s5, $0x0;
	s5 =	sld [smem:$0x3FB0]  }
0x2b: {  	s6 =	sld [smem:$0x3FB1]  }
0x2c: {  	s7 =	sld [smem:$0x3FB2]  }
0x2d: {  	s3 =	simm.s32 $0x108;
	s8 =	sld [smem:$0x3FB3]  }
0x2e: {  	s3 =	simm.s32 @!p0 $0x1082;
	s9 =	sld [smem:$0x3FB4]  }
0x2f: {  	lr =	sadd.s32 s0, s3;
	s0 =	sld [smem:$0x3FAB]  }
0x30: {  	s3 =	sld [smem:$0x3FAE]  }
0x31: {  	[smem:$0x3FB7] =	sst s10  }
0x32: {  	s10 =	sld [smem:$0x3FB5];
	_ =	sdelay $0x3  }
0x33: {  	p0 =	seq.s32 s10, $0x1;
	s10 =	sld [smem:$0x3FB7];
	_ =	sdelay $0x3  }
0x34: {  	[smem:$0x3FB7] =	sst s10  }
0x35: {  	s10 =	sld [smem:$0x3FB6];
	_ =	sdelay $0x3  }
0x36: {  	p1 =	seq.s32 s10, $0x1;
	s10 =	sld [smem:$0x3FB7];
	_ =	sdelay $0x3  }
0x37: {  	[smem:$0x3FB7] =	sst s10  }
0x38: {  	s10 =	sld [smem:$0x3FB8]  }
0x39: {  	_ = 	snop;
	(pc) =	sbr.ind lr, $3  }
0x3a: {  	_ = 	snop  }
0x3b: {  	_ = 	snop  }
0x3c: {  	p2 =	seq.s32 s10, $0x1;
	s10 =	sld [smem:$0x3FB7]  }
0x3d: {  	_ =	shalt  }
0x3e: {  	_ =	shalt  }
0x3f: {  	_ =	shalt  }
0x40: {  	_ =	shalt  }
0x41: {  	_ =	shalt  }
0x42: {  	_ =	shalt  }
0x43: {  	_ =	shalt  }
0x44: {  	_ =	shalt  }
0x45: {  	_ =	shalt  }
0x46: {  	_ =	shalt  }
0x47: {  	_ =	shalt  }
0x48: {  	_ =	shalt  }
0x49: {  	_ =	shalt  }
0x4a: {  	_ =	shalt  }
0x4b: {  	_ =	shalt  }
0x4c: {  	_ =	shalt  }
0x4d: {  	_ =	shalt  }
0x4e: {  	_ =	shalt  }
0x4f: {  	_ =	shalt  }
0x50: {  	_ =	shalt  }
0x51: {  	_ =	shalt  }
0x52: {  	_ =	shalt  }
0x53: {  	_ =	shalt  }
0x54: {  	_ =	shalt  }
0x55: {  	_ =	shalt  }
0x56: {  	_ =	shalt  }
0x57: {  	_ =	shalt  }
0x58: {  	_ =	shalt  }
0x59: {  	_ =	shalt  }
0x5a: {  	_ =	shalt  }
0x5b: {  	_ =	shalt  }
0x5c: {  	_ =	shalt  }
0x5d: {  	_ =	shalt  }
0x5e: {  	_ =	shalt  }
0x5f: {  	_ =	shalt  }
0x60: {  	_ =	shalt  }
0x61: {  	_ =	shalt  }
0x62: {  	_ =	shalt  }
0x63: {  	_ =	shalt  }
0x64: {  	_ =	shalt  }
0x65: {  	_ =	shalt  }
0x66: {  	_ =	shalt  }
0x67: {  	_ =	shalt  }
0x68: {  	_ =	shalt  }
0x69: {  	_ =	shalt  }
0x6a: {  	_ =	shalt  }
0x6b: {  	_ =	shalt  }
0x6c: {  	_ =	shalt  }
0x6d: {  	_ =	shalt  }
0x6e: {  	_ =	shalt  }
0x6f: {  	_ =	shalt  }
0x70: {  	_ =	shalt  }
0x71: {  	_ =	shalt  }
0x72: {  	_ =	shalt  }
0x73: {  	_ =	shalt  }
0x74: {  	_ =	shalt  }
0x75: {  	_ =	shalt  }
0x76: {  	_ =	shalt  }
0x77: {  	_ =	shalt  }
0x78: {  	_ =	shalt  }
0x79: {  	_ =	shalt  }
0x7a: {  	_ =	shalt  }
0x7b: {  	_ =	shalt  }
0x7c: {  	_ =	shalt  }
0x7d: {  	_ =	shalt  }
0x7e: {  	_ =	shalt  }
0x7f: {  	_ =	shalt  }
0x80: {  	_ =	shalt  }
0x81: {  	_ =	shalt  }
0x82: {  	_ =	shalt  }
0x83: {  	_ =	shalt  }
0x84: {  	_ =	shalt  }
0x85: {  	_ =	shalt  }
0x86: {  	_ =	shalt  }
0x87: {  	_ =	shalt  }
.Lfunc_end0:
.L_simem_size_0:
called_computation_lowered:
.L_overlay_start_0:
0x88: {  	s2 =	sld [smem:$0x3FD9]  }
0x89: {  	s3 =	sld [smem:$0x3FFE];
	_ =	sdelay $0x1  }
0x8a: {  	s1 =	srdreg.scid  }
0x8b: {  	s0 =	sand.u32 $0x1, s1  }
0x8c: {  	s17 =	sshll.u32 s0, $0xA;
	s2 =	sadd.s32 s3, s2  }
0x8d: {  	s2 =	sadd.s32 s2, s17  }
0x8e: {  	[smem:$0x3FC3] =	sst s2  }
0x8f: {  	_ = 	snop  }
0x90: {  	s2 =	sld [smem:$0x3FC9]  }
0x91: {  	s18 =	sld [smem:$0x3FC8]  }
0x92: {  	s4 =	sld [smem:$0x3FC7];
	(tm) =	ssettm $0x1  }
0x93: {  	s5 =	sld [smem:$0x3FFB];
	_ =	sdelay $0x3  }
0x94: {  	_ =	strace s5  }
0x95: {  	s5 =	sld [smem:$0x3FFC];
	_ =	sdelay $0x3  }
0x96: {  	_ =	strace s5  }
0x97: {  	s5 =	sld [smem:$0x3FFD];
	_ =	sdelay $0x3  }
0x98: {  	_ =	strace s5  }
0x99: {  	_ =	strace $0x8FFFFFFF  }
0x9a: {  	s19 =	sld [smem:$0x3FDB];
	_ =	sdelay $0x1  }
0x9b: {  	s6 =	simm.s32 $_scs_section_size  }
0x9c: {  	s7 =	simm.s32 $_size__tile_overlayer_lowered;
	s8 =	simm.s32 $_tile_overlayer_lowered  }
0x9d: {  	s22 =	simm.s32 $0x1BFF;
	s21 =	sshll.u32 s8, $0x1;
	s5 =	sadd.s32 s6, s19  }
0x9e: {  	s9 =	simm.s32 $0x0;
	s20 =	sshll.u32 s7, $0x1;
	s7 =	sadd.s32 s21, s5  }
0x9f: {  	[timem:s9], [sflag:s22] =	dma.local [hbm:s7], s20  }
0xa0: {  	_ =	swait.ge [sflag:s22], s20  }
0xa1: {  	s6 =	ssub.s32 $0x0, s20;
	[sflag:s22] =	ssyncset.done $0x0  }
0xa2: {  	[sflag:s22] =	ssyncadd.s32 s6;
	_ =	sdelay $0x1  }
0xa3: {  	s23 =	simm.s32 $0x1B8B  }
0xa4: {  	_ =	swait.ge [sflag:s23], $0x1  }
0xa5: {  	[sflag:s23] =	ssyncset.done $0x0  }
0xa6: {  	s25 =	simm.s32 $0x1B8E;
	s24 =	sld [smem:$0x3FFE];
	[sflag:s23] =	ssyncadd.s32 $0xFFFFFFFF  }
0xa7: {  	s26 =	simm.s32 $execute0_lowered;
	[smem:$0x3FD2] =	sst s25  }
0xa8: {  	s7 =	sshll.u32 s26, $0x1;
	_ =	strace $0x80000046;
	[dreg:$0x1] =	wrdreg $0xFFFFFFFF  }
0xa9: {  	s28 =	simm.s32 $_size_execute0_lowered;
	s5 =	sadd.s32 s5, s7;
	[dreg:$0x0] =	wrdreg $0x0  }
0xaa: {  	s7 =	sshll.u32 s28, $0x1;
	[dreg:$0x2] =	wrdreg s5  }
0xab: {  	[dreg:$0x3] =	wrdreg s7  }
0xac: {  	[dreg:$0x4] =	wrdreg $0xC0  }
0xad: {  	_ =	task [dreg:s9], $0x5FFFF  }
0xae: {  	[dreg:$0x1] =	wrdreg $0xFFFFFFFF  }
0xaf: {  	[dreg:$0x0] =	wrdreg $0x60  }
0xb0: {  	[dreg:$0x2] =	wrdreg s2  }
0xb1: {  	[dreg:$0x3] =	wrdreg s18  }
0xb2: {  	[dreg:$0x4] =	wrdreg s4  }
0xb3: {  	[dreg:$0x5] =	wrdreg s24  }
0xb4: {  	[dreg:$0x6] =	wrdreg $0x9  }
0xb5: {  	_ =	task.clear_ibuf [dreg:s9], $0x7FFFF;
	_ =	strace $0x90000046  }
0xb6: {  	s29 =	simm.s32 $0x9;
	_ =	strace $0x80000048  }
0xb7: {  	_ =	swait.ge [sflag:s29], $0x1  }
0xb8: {  	[sflag:s29] =	ssyncadd.s32 $0xFFFFFFFF  }
0xb9: {  	_ =	strace $0x90000048  }
0xba: {  	_ =	sfence  }
0xbb: {  	s30 =	sld [smem:$0x0];
	_ =	sdelay $0x2  }
0xbc: {  	s31 =	sshll.u32 s1, $0xD;
	s1 =	sshrl.u32 s1, $0x2  }
0xbd: {  	s3 =	sand.u32 $0x4000, s31;
	s1 =	sadd.s32 s1, s30  }
0xbe: {  	s0 =	sor.u32 s3, s0;
	s1 =	sshll.u32 s1, $0x11  }
0xbf: {  	s0 =	sor.u32 s1, s0  }
0xc0: {  	s0 =	sadd.s32 $0x8F2B, s0  }
0xc1: {  	[sflag:s0] =	ssyncadd.remote.s32 $0x1  }
0xc2: {  	_ =	sfence.sel $0xFFFF  }
0xc3: {  	[dreg:$0x0] =	wrdreg $0xFFFFFFFF;
	(pc) =	sbr.abs _section_cstart, $3  }
0xc4: {  	[dreg:$0x1] =	wrdreg $0xFFFFFFFF  }
0xc5: {  	_ =	task.clear_ibuf [dreg:s9], $0x2FFFF;
	_ =	strace $0x9FFFFFFF  }
0xc6: {  	(tm) =	ssettm $0x7FFFFFFF  }
0xc7: {  	_ =	shalt  }
tec
execute0_lowered:
.L_overlay_start_1:
0x0: {  	(tag) =	ssettag $0x1  }
0x1: {  	s4 =	rddreg [dreg:$0x0]  }
0x2: {  	s5 =	rddreg [dreg:$0x1]  }
0x3: {  	s2 =	rddreg [dreg:$0x2]  }
0x4: {  	s6 =	rddreg [dreg:$0x3]  }
0x5: {  	s0 =	rddreg [dreg:$0x4]  }
0x6: {  	s7 =	srdreg.scid;
	s1 =	stileid.u32  }
0x7: {  	s3 =	simm.s32 $0x0;
	s12 =	simm.s32 $0x200;
	s13 =	simm.s32 $0x1  }
0x8: {  	s14 =	simm.s32 $0x2;
	s15 =	simm.s32 $0x180;
	s16 =	simm.s32 $0x8400  }
0x9: {  	s17 =	simm.s32 $0x0;
	s7 =	sand.u32 $0x1, s7;
	s8 =	sshll.u32 s1, $0x1  }
0xa: {  	[smem:$0x7FF] =	sst s3;
	s11 =	sshll.u32 s1, $0x7;
	s8 =	sor.u32 s7, s8  }
0xb: {  	_ =	strace $0x80000047;
	s10 =	ssub.s32 $0x2, s7;
	s7 =	sshll.u32 s7, $0x6  }
.Ltmp0:
0xc: {  	s9 =	sshll.u32 s8, $0x4;
	s29 =	sshrl.u32 s10, $0x1;
	(pc) =	sbr.rel .LBB2_1-.Ltmp0, $4  }
0xd: {  	s4 =	sadd.s32 s4, s7;
	s30 =	sshll.u32 s8, $0x6;
	s8 =	simm.s32 $0x3  }
0xe: {  	s6 =	sadd.s32 s9, s6;
	s31 =	ssub.s32 s10, s29;
	s4 =	sadd.s32 s11, s4  }
0xf: {  	s5 =	sadd.s32 s5, s30;
	s9 =	simm.s32 $0x80;
	s10 =	simm.s32 $0x400  }
0x10: {  	s11 =	simm.s32 $0x4400;
	s6 =	sadd.s32 $0x800, s6;
	s7 =	smax.u32 s31, $0x1  }
.LBB2_8:
0x11: {  	[tilespmem:$0x8400] =	vst v39  }
0x12: {  	[tilespmem:$0x8410] =	vst v35  }
0x13: {  	[tilespmem:$0x8420] =	vst v34  }
0x14: {  	[tilespmem:$0x8430] =	vst v49  }
0x15: {  	[tilespmem:$0x8440] =	vst v6  }
0x16: {  	[tilespmem:$0x8450] =	vst v3;
	s17 =	sadd.s32 $0x1, s17  }
0x17: {  	[tilespmem:$0x8460] =	vst v2;
	p0 =	sne.s32 s17, s7  }
.Ltmp1:
0x18: {  	[tilespmem:$0x8470] =	vst v0;
	(pc) =	sbr.rel @!p0 .LBB2_9-.Ltmp1, $4  }
0x19: {  	[hbm4b:s6+s3] =	stream.linear.scatter [tilespmem:s16], [sflag:$0x3], $0x80, $0x38;
	[tilespmem:$0x8480] =	vst v63  }
0x1a: {  	_ =	swait.ge [sflag:s8], $0x80  }
0x1b: {  	[sflag:s8] =	ssyncset.done $0x0  }
0x1c: {  	[sflag:s8] =	ssyncadd.s32 $0xFFFFFF80  }
.LBB2_1:
0x1d: {  	[tilespmem:s3], [sflag:$0x3] =	stream.linear.gather [hbm4b:s4+s3], $0x200, $0x38;
	[tilespmem:$0x8480] =	vst v63  }
0x1e: {  	_ =	swait.ge [sflag:s8], $0x200  }
0x1f: {  	[sflag:s8] =	ssyncset.done $0x0  }
0x20: {  	[sflag:s8] =	ssyncadd.s32 $0xFFFFFE00  }
0x21: {  	[tilespmem:s10], [sflag:$0x1] =	stream.indirect.gather [hbm4b:s2+s9], $0x80, s3, s9, $0xb8;
	[tilespmem:$0x8480] =	vst v63  }
0x22: {  	_ = 	snop  }
0x23: {  	[tilespmem:s11], [sflag:$0x2] =	stream.indirect.gather [hbm4b:s2+s9], $0x80, s9, s9, $0xb8;
	[tilespmem:$0x8480] =	vst v63  }
0x24: {  	_ = 	snop  }
0x25: {  	[tilespmem:s12], [sflag:$0x3] =	stream.linear.gather [hbm4b:s5+s3], $0x200, $0x38;
	[tilespmem:$0x8480] =	vst v63  }
0x26: {  	v0 =	vimm.f32 $0.0e+00;
	_ =	swait.ge [sflag:s8], $0x200  }
0x27: {  	v61 =	vimm.f32 $0.0e+00;
	[tilespmem:$0x1FFC0] =	vst v0  }
0x28: {  	v62 =	vimm.f32 $0.0e+00;
	[tilespmem:$0x1FFD0] =	vst v61  }
0x29: {  	v63 =	vimm.f32 $0.0e+00;
	v49 =	vimm.f32 $0.0e+00;
	[sflag:s8] =	ssyncset.done $0x0;
	[tilespmem:$0x1FFE0] =	vst v62  }
0x2a: {  	p0 =	por $0x1, $0x1;
	v34 =	vimm.f32 $0.0e+00;
	v35 =	vimm.f32 $0.0e+00;
	v39 =	vimm.f32 $0.0e+00;
	s19 =	simm.s32 $0x0;
	[tilespmem:$0x1FFF0] =	vst v63;
	[sflag:s8] =	ssyncadd.s32 $0xFFFFFE00  }
.LBB2_2:
0x2b: {  	s19 =	sshra.s32 s19, $0x2  }
0x2c: {  	s20 =	sadd.s32 $0x200, s19  }
0x2d: {  	v0 =	vmov s20;
	_ =	sdelay $0x1  }
0x2e: {  	_ =	swait.ge [sflag:s13], $0x4000  }
0x2f: {  	[sflag:s13] =	ssyncset.done $0x0  }
0x30: {  	s31 =	simm.s32 $0x0;
	[sflag:s13] =	ssyncadd.s32 $0xFFFFC000  }
0x31: {  	s18 =	simm.s32 $0x800;
	v25 =	vld.idx.msk [tilespmem:v0+s31+$0x0 ss:$0x1], $0xffff  }
0x32: {  	[tilespmem:$0x1FDB0] =	vst v0;
	v0 =	vld [tilespmem:s18+$0x100];
	_ =	sdelay $0x1  }
0x33: {  	v15 =	vld [tilespmem:s18+$0x380]  }
0x34: {  	v36 =	vld [tilespmem:s18+$0x390]  }
0x35: {  	v40 =	vld [tilespmem:s18+$0x3A0]  }
0x36: {  	[tilespmem:$0x1FEF0] =	vst v0;
	v0 =	vld [tilespmem:s18+$0x110]  }
0x37: {  	v41 =	vld [tilespmem:s18+$0x3B0]  }
0x38: {  	v42 =	vld [tilespmem:s18+$0x3C0]  }
0x39: {  	v45 =	vld [tilespmem:s18+$0x3D0]  }
0x3a: {  	v46 =	vld [tilespmem:s18+$0x300]  }
0x3b: {  	[tilespmem:$0x1FF00] =	vst v0;
	v0 =	vld [tilespmem:s18+$0x120]  }
0x3c: {  	v47 =	vld [tilespmem:s18+$0x310]  }
0x3d: {  	v54 =	vld [tilespmem:s18+$0x320]  }
0x3e: {  	v55 =	vld [tilespmem:s18+$0x330]  }
0x3f: {  	v56 =	vld [tilespmem:s18+$0x340]  }
0x40: {  	[tilespmem:$0x1FF20] =	vst v0;
	v0 =	vld [tilespmem:s18+$0x130]  }
0x41: {  	v58 =	vld [tilespmem:s18+$0x350]  }
0x42: {  	v59 =	vld [tilespmem:s18+$0x280]  }
0x43: {  	v60 =	vld [tilespmem:s18+$0x290]  }
0x44: {  	v13 =	vld [tilespmem:s18+$0x2A0]  }
0x45: {  	[tilespmem:$0x1FF30] =	vst v0;
	v0 =	vld [tilespmem:s18+$0x140]  }
0x46: {  	v48 =	vld [tilespmem:s18+$0x2B0]  }
0x47: {  	v19 =	vld [tilespmem:s18+$0x2C0]  }
0x48: {  	v17 =	vld [tilespmem:s18+$0xFFFFFC80]  }
0x49: {  	v21 =	vld [tilespmem:s18+$0xFFFFFC90]  }
0x4a: {  	[tilespmem:$0x1FF40] =	vst v0;
	v0 =	vld [tilespmem:s18+$0x150]  }
0x4b: {  	v18 =	vld [tilespmem:s18+$0xFFFFFC00]  }
0x4c: {  	v22 =	vld [tilespmem:s18+$0xFFFFFC10]  }
0x4d: {  	v26 =	vld [tilespmem:s18+$0xFFFFFC20];
	v1 =	vbroadcast v25, $0xE;
	v4 =	vbroadcast v25, $0xC  }
0x4e: {  	v61 =	vld [tilespmem:s18+$0xFFFFFC30];
	v2 =	vbroadcast v25, $0xD;
	v8 =	vbroadcast v25, $0xA  }
0x4f: {  	v7 =	vbroadcast v25, $0xB;
	v30 =	vbroadcast v25, $0x0;
	[tilespmem:$0x1FF60] =	vst v0;
	v0 =	vld [tilespmem:s18+$0xA0]  }
0x50: {  	v63 =	vld [tilespmem:s18+$0xFFFFFCA0];
	v16 =	vbroadcast v25, $0x8;
	v10 =	vbroadcast v25, $0x9  }
0x51: {  	v9 =	vld [tilespmem:s18+$0xFFFFFCB0];
	v27 =	vbroadcast v25, $0x1;
	v62 =	vmul.f32 v30, v18  }
0x52: {  	v5 =	vld [tilespmem:s18+$0xFFFFFD10];
	v18 =	vbroadcast v25, $0x6;
	v22 =	vmul.f32 v22, v30  }
0x53: {  	v20 =	vld [tilespmem:s18+$0x2D0];
	v43 =	vmul.f32 v17, v27;
	v17 =	vmul.f32 v26, v30  }
0x54: {  	v53 =	vld [tilespmem:s18+$0x200];
	v33 =	vmul.f32 v21, v27;
	v39 =	vadd.f32 v62, v39;
	[tilespmem:$0x1FF10] =	vst v0;
	v0 =	vbroadcast v25, $0xF  }
0x55: {  	v21 =	vmul.f32 v61, v30;
	v61 =	vld [tilespmem:s18+$0xFFFFFD00];
	v26 =	vbroadcast v25, $0x2;
	v35 =	vadd.f32 v22, v35  }
0x56: {  	v39 =	vadd.f32 v43, v39;
	v43 =	vmul.f32 v63, v27;
	v63 =	vld [tilespmem:s18+$0xFFFFFD30];
	v11 =	vmul.f32 v15, v0  }
0x57: {  	v23 =	vld [tilespmem:s18+$0x210];
	v9 =	vmul.f32 v9, v27;
	v5 =	vmul.f32 v5, v26;
	v3 =	vadd.f32 v33, v35  }
0x58: {  	v14 =	vld [tilespmem:s18+$0x220];
	v34 =	vadd.f32 v17, v34;
	v17 =	vbroadcast v25, $0x7;
	[tilespmem:$0x1FDC0] =	vst v11;
	v11 =	vmul.f32 v36, v0  }
0x59: {  	v12 =	vld [tilespmem:s18+$0x230];
	v49 =	vadd.f32 v21, v49;
	v3 =	vadd.f32 v5, v3;
	v5 =	vmul.f32 v42, v0  }
0x5a: {  	v35 =	vmul.f32 v61, v26;
	v61 =	vld [tilespmem:s18+$0xFFFFFD90];
	[tilespmem:$0x1FDD0] =	vst v11;
	v11 =	vmul.f32 v40, v0  }
0x5b: {  	v24 =	vld [tilespmem:s18+$0x240];
	v22 =	vbroadcast v25, $0x4;
	v9 =	vadd.f32 v9, v49;
	[tilespmem:$0x1FE00] =	vst v5;
	v5 =	vmul.f32 v63, v26  }
0x5c: {  	v28 =	vld [tilespmem:s18+$0x250];
	v21 =	vbroadcast v25, $0x5;
	[tilespmem:$0x1FDE0] =	vst v11;
	v11 =	vmul.f32 v41, v0  }
0x5d: {  	v57 =	vld [tilespmem:s18+$0x180];
	v25 =	vbroadcast v25, $0x3;
	v5 =	vadd.f32 v5, v9;
	v9 =	vmul.f32 v46, v1  }
0x5e: {  	[tilespmem:$0x1FDF0] =	vst v11;
	v11 =	vld [tilespmem:s18+$0xFFFFFDB0]  }
0x5f: {  	v51 =	vld [tilespmem:s18+$0x190];
	[tilespmem:$0x1FE20] =	vst v9;
	v9 =	vmul.f32 v61, v25  }
0x60: {  	v50 =	vld [tilespmem:s18+$0x1A0]  }
0x61: {  	v29 =	vld [tilespmem:s18+$0x1B0];
	v3 =	vadd.f32 v9, v3;
	v9 =	vmul.f32 v54, v1  }
0x62: {  	v40 =	vadd.f32 v35, v39;
	v39 =	vld [tilespmem:s18+$0xFFFFFE10]  }
0x63: {  	v31 =	vld [tilespmem:s18+$0x1C0];
	[tilespmem:$0x1FE40] =	vst v9;
	v9 =	vmul.f32 v11, v25  }
0x64: {  	v32 =	vld [tilespmem:s18+$0x1D0]  }
0x65: {  	v6 =	vld [tilespmem:s18+$0xFFFFFD20];
	v5 =	vadd.f32 v9, v5;
	v9 =	vmul.f32 v56, v1  }
0x66: {  	v36 =	vmul.f32 v45, v0;
	v61 =	vld [tilespmem:s18+$0xFFFFFE30]  }
0x67: {  	v49 =	vld [tilespmem:s18+$0xFFFFFDA0];
	[tilespmem:$0x1FE60] =	vst v9;
	v9 =	vmul.f32 v39, v22  }
0x68: {  	[tilespmem:$0x1FE10] =	vst v36;
	v36 =	vld [tilespmem:s18+$0xFFFFFE90]  }
0x69: {  	v15 =	vld [tilespmem:s18+$0xFFFFFD80];
	v3 =	vadd.f32 v9, v3;
	v9 =	vmul.f32 v59, v2  }
0x6a: {  	v63 =	vld [tilespmem:s18+$0xFFFFFE00]  }
0x6b: {  	v46 =	vld [tilespmem:s18+$0xFFFFFE20];
	[tilespmem:$0x1FE80] =	vst v9;
	v9 =	vmul.f32 v61, v22  }
0x6c: {  	v6 =	vmul.f32 v6, v26;
	v62 =	vadd.f32 v43, v34;
	v41 =	vld [tilespmem:s18+$0xFFFFFEB0]  }
0x6d: {  	v11 =	vld [tilespmem:s18+$0xFFFFFE80];
	v5 =	vadd.f32 v9, v5;
	v9 =	vmul.f32 v36, v21  }
0x6e: {  	v47 =	vmul.f32 v47, v1;
	v43 =	vld [tilespmem:s18+$0xFFFFFF10];
	v6 =	vadd.f32 v6, v62;
	v15 =	vmul.f32 v15, v25  }
0x6f: {  	v49 =	vmul.f32 v49, v25;
	v39 =	vld [tilespmem:s18+$0xFFFFFEA0];
	v3 =	vadd.f32 v9, v3;
	v9 =	vmul.f32 v19, v2  }
0x70: {  	[tilespmem:$0x1FE30] =	vst v47;
	v45 =	vld [tilespmem:s18+$0xFFFFFF30];
	v15 =	vadd.f32 v15, v40;
	v35 =	vmul.f32 v63, v22  }
0x71: {  	v44 =	vld [tilespmem:s18+$0x80];
	v47 =	vmul.f32 v13, v2;
	v6 =	vadd.f32 v49, v6;
	[tilespmem:$0x1FE90] =	vst v9;
	v9 =	vmul.f32 v41, v21  }
0x72: {  	v13 =	vld [tilespmem:s18+$0xFFFFFF20];
	v15 =	vadd.f32 v35, v15;
	v46 =	vmul.f32 v46, v22;
	v11 =	vmul.f32 v11, v21  }
0x73: {  	v42 =	vld [tilespmem:s18+$0xFFFFFF00];
	v5 =	vadd.f32 v9, v5;
	v9 =	vmul.f32 v43, v18  }
0x74: {  	v34 =	vld [tilespmem:s18+$0xFFFFFF90];
	v6 =	vadd.f32 v46, v6;
	v11 =	vadd.f32 v11, v15;
	v15 =	vmul.f32 v39, v21  }
0x75: {  	v19 =	vld [tilespmem:$0x1FF40];
	v3 =	vadd.f32 v9, v3;
	v9 =	vmul.f32 v45, v18  }
0x76: {  	v38 =	vld [tilespmem:s18+$0x90];
	v6 =	vadd.f32 v15, v6;
	v15 =	vmul.f32 v20, v2  }
0x77: {  	v37 =	vld [tilespmem:s18+$0xC0];
	v5 =	vadd.f32 v9, v5;
	v9 =	vmul.f32 v24, v4  }
0x78: {  	v33 =	vld [tilespmem:s18+$0xFFFFFF80];
	[tilespmem:$0x1FEA0] =	vst v15;
	v15 =	vmul.f32 v42, v18  }
0x79: {  	v13 =	vmul.f32 v13, v18;
	v35 =	vld [tilespmem:s18+$0xFFFFFFA0];
	[tilespmem:$0x1FEB0] =	vst v9;
	v9 =	vmul.f32 v34, v17  }
0x7a: {  	v11 =	vadd.f32 v15, v11;
	v15 =	vld [tilespmem:s18+$0xFFFFFFB0];
	v19 =	vmul.f32 v19, v8  }
0x7b: {  	v6 =	vadd.f32 v13, v6;
	v13 =	vld [tilespmem:s18+$0x10];
	v3 =	vadd.f32 v9, v3;
	v9 =	vmul.f32 v31, v7  }
0x7c: {  	v56 =	vmul.f32 v12, v4;
	v39 =	vld [tilespmem:s18+$0x30];
	[tilespmem:$0x1FF50] =	vst v19  }
0x7d: {  	v12 =	vmul.f32 v33, v17;
	v19 =	vld [tilespmem:$0x1FF60];
	[tilespmem:$0x1FED0] =	vst v9;
	v9 =	vmul.f32 v32, v7  }
0x7e: {  	v62 =	vmul.f32 v55, v1;
	v55 =	vmul.f32 v14, v4;
	v14 =	vld [tilespmem:s18+$0x0]  }
0x7f: {  	v11 =	vadd.f32 v12, v11;
	v12 =	vmul.f32 v28, v4;
	v15 =	vmul.f32 v15, v17;
	[tilespmem:$0x1FEE0] =	vst v9;
	v9 =	vld [tilespmem:$0x1FEF0]  }
0x80: {  	v36 =	vld [tilespmem:s18+$0x20];
	v13 =	vmul.f32 v13, v16  }
0x81: {  	v52 =	vld [tilespmem:s18+$0xB0];
	v59 =	vmul.f32 v50, v7;
	[tilespmem:$0x1FEC0] =	vst v12;
	v12 =	vmul.f32 v35, v17;
	v5 =	vadd.f32 v15, v5  }
0x82: {  	v50 =	vld [tilespmem:s18+$0xFFFFFFD0];
	v19 =	vmul.f32 v19, v8;
	v3 =	vadd.f32 v13, v3;
	v13 =	vmul.f32 v39, v16  }
0x83: {  	v61 =	vld [tilespmem:s18+$0xFFFFFF40];
	v6 =	vadd.f32 v12, v6;
	v12 =	vmul.f32 v14, v16  }
0x84: {  	[tilespmem:$0x1FF70] =	vst v19;
	v19 =	vmul.f32 v37, v10;
	v5 =	vadd.f32 v13, v5;
	v13 =	vmul.f32 v9, v8;
	v9 =	vld [tilespmem:$0x1FF00]  }
0x85: {  	v42 =	vld [tilespmem:s18+$0xFFFFFE50];
	v11 =	vadd.f32 v12, v11;
	v12 =	vmul.f32 v36, v16  }
0x86: {  	[tilespmem:$0x1FF80] =	vst v19;
	v19 =	vld [tilespmem:$0x1FFC0]  }
0x87: {  	v43 =	vld [tilespmem:s18+$0x40];
	v6 =	vadd.f32 v12, v6;
	v12 =	vmul.f32 v44, v10  }
0x88: {  	v45 =	vld [tilespmem:s18+$0xD0]  }
0x89: {  	v11 =	vadd.f32 v12, v11;
	v12 =	vmul.f32 v9, v8;
	v9 =	vld [tilespmem:$0x1FF10]  }
0x8a: {  	v24 =	vld [tilespmem:s18+$0xFFFFFED0]  }
0x8b: {  	[tilespmem:$0x1FFC0] =	vst v19;
	v19 =	vld [tilespmem:$0x1FFD0]  }
0x8c: {  	v14 =	vld [tilespmem:s18+$0xFFFFFFC0]  }
0x8d: {  	v48 =	vmul.f32 v48, v2;
	v15 =	vld [tilespmem:s18+$0x50]  }
0x8e: {  	v53 =	vmul.f32 v53, v4;
	v31 =	vmul.f32 v9, v10;
	v9 =	vld [tilespmem:$0x1FF20]  }
0x8f: {  	v40 =	vmul.f32 v58, v1;
	v36 =	vmul.f32 v38, v10;
	v38 =	vld [tilespmem:s18+$0xFFFFFF50]  }
0x90: {  	v54 =	vmul.f32 v23, v4;
	v23 =	vmul.f32 v51, v7;
	[tilespmem:$0x1FFD0] =	vst v19;
	v19 =	vld [tilespmem:$0x1FFE0]  }
0x91: {  	v46 =	vmul.f32 v60, v2;
	v60 =	vmul.f32 v29, v7;
	v44 =	vld [tilespmem:s18+$0xFFFFFDC0]  }
0x92: {  	v20 =	vmul.f32 v57, v7;
	v39 =	vld [tilespmem:s18+$0xFFFFFEC0];
	v13 =	vadd.f32 v13, v11;
	v11 =	vmul.f32 v45, v10  }
0x93: {  	[tilespmem:$0x1FE70] =	vst v40;
	v58 =	vmul.f32 v50, v17;
	v40 =	vmul.f32 v9, v8;
	v9 =	vld [tilespmem:$0x1FF30]  }
0x94: {  	v61 =	vmul.f32 v61, v18;
	v41 =	vmul.f32 v52, v10;
	v28 =	vld [tilespmem:s18+$0xFFFFFE40];
	v3 =	vadd.f32 v36, v3;
	[tilespmem:$0x1FF90] =	vst v11  }
0x95: {  	v57 =	vmul.f32 v14, v17;
	v11 =	vmul.f32 v43, v16;
	[tilespmem:$0x1FFE0] =	vst v19;
	v19 =	vld [tilespmem:$0x1FFF0]  }
0x96: {  	[tilespmem:$0x1FE50] =	vst v62;
	v52 =	vld [tilespmem:s18+$0xFFFFFCD0];
	v62 =	vmul.f32 v38, v18;
	v45 =	vadd.f32 v12, v3;
	v3 =	vmul.f32 v15, v16  }
0x97: {  	v14 =	vld [tilespmem:s18+$0xFFFFFDD0];
	v51 =	vmul.f32 v44, v25;
	v63 =	vmul.f32 v39, v21;
	[tilespmem:$0x1FFA0] =	vst v11;
	v6 =	vadd.f32 v31, v6  }
0x98: {  	v5 =	vadd.f32 v41, v5;
	v11 =	vld [tilespmem:s18+$0xFFFFFD50];
	[tilespmem:$0x1FFB0] =	vst v3;
	v3 =	vmul.f32 v24, v21;
	v9 =	vmul.f32 v9, v8  }
0x99: {  	v12 =	vld [tilespmem:s18+$0xFFFFFD40];
	v49 =	vadd.f32 v23, v45;
	v15 =	vadd.f32 v40, v6;
	v6 =	vmul.f32 v42, v22  }
0x9a: {  	s20 =	simm.s32 $0x40;
	[tilespmem:$0x1FFF0] =	vst v19;
	v50 =	vadd.f32 v9, v5;
	v9 =	vadd.f32 v20, v13;
	v5 =	vmul.f32 v28, v22;
	v13 =	vld [tilespmem:s18+$0xFFFFFCC0]  }
.LBB2_3:
0x9b: {  	v20 =	vld [tilespmem:$0x1FE80];
	_ =	sdelay $0x2  }
0x9c: {  	v9 =	vadd.f32 v53, v9;
	_ =	sdelay $0x1  }
0x9d: {  	v9 =	vadd.f32 v20, v9;
	v20 =	vld [tilespmem:$0x1FE20];
	_ =	sdelay $0x4  }
0x9e: {  	v9 =	vadd.f32 v20, v9;
	v20 =	vld [tilespmem:$0x1FE30]  }
0x9f: {  	v49 =	vadd.f32 v54, v49;
	_ =	sdelay $0x1  }
0xa0: {  	v45 =	vadd.f32 v46, v49  }
0xa1: {  	v15 =	vadd.f32 v59, v15  }
0xa2: {  	v39 =	vadd.f32 v20, v45;
	v20 =	vld [tilespmem:$0x1FE40]  }
0xa3: {  	v15 =	vadd.f32 v55, v15;
	_ =	sdelay $0x1  }
0xa4: {  	v15 =	vadd.f32 v47, v15  }
0xa5: {  	v50 =	vadd.f32 v60, v50  }
0xa6: {  	v15 =	vadd.f32 v20, v15;
	v20 =	vld [tilespmem:$0x1FE50]  }
0xa7: {  	v50 =	vadd.f32 v56, v50;
	_ =	sdelay $0x1  }
0xa8: {  	v55 =	vadd.f32 v48, v50;
	_ =	sdelay $0x1  }
0xa9: {  	v41 =	vadd.f32 v20, v55;
	v20 =	vld [tilespmem:$0x1FDC0];
	_ =	sdelay $0x4  }
0xaa: {  	v9 =	vadd.f32 v20, v9;
	v20 =	vld [tilespmem:$0x1FDE0];
	_ =	sdelay $0x4  }
0xab: {  	v15 =	vadd.f32 v20, v15;
	_ =	sdelay $0x1  }
0xac: {  	[tilespmem:$0x1FD90] =	vst v15;
	v15 =	vld [tilespmem:$0x1FDF0];
	_ =	sdelay $0x2  }
0xad: {  	v19 =	vld [tilespmem:s18+$0xFFFFFC40]  }
0xae: {  	v34 =	vld [tilespmem:s18+$0xFFFFFC60]  }
0xaf: {  	v35 =	vld [tilespmem:s18+$0xFFFFFC70];
	v15 =	vadd.f32 v15, v41  }
0xb0: {  	[tilespmem:$0x1FD70] =	vst v9;
	v9 =	vld [tilespmem:$0x1FDD0]  }
0xb1: {  	[tilespmem:$0x1FDA0] =	vst v15;
	v15 =	vld [tilespmem:$0x1FFF0]  }
0xb2: {  	v20 =	vld [tilespmem:$0x1FFD0]  }
0xb3: {  	v33 =	vld [tilespmem:s18+$0xFFFFFC50]  }
0xb4: {  	v56 =	vld [tilespmem:s18+$0xFFFFFCF0];
	v19 =	vmul.f32 v19, v30  }
0xb5: {  	v46 =	vmul.f32 v52, v27;
	v52 =	vld [tilespmem:s18+$0xFFFFFCE0];
	v42 =	vmul.f32 v34, v30;
	v9 =	vadd.f32 v9, v39  }
0xb6: {  	v15 =	vadd.f32 v19, v15;
	v19 =	vld [tilespmem:$0x1FFE0]  }
0xb7: {  	[tilespmem:$0x1FD80] =	vst v9;
	v9 =	vmul.f32 v35, v30;
	v35 =	vadd.f32 v42, v20;
	v20 =	vld [tilespmem:$0x1FFC0]  }
0xb8: {  	v60 =	vld [tilespmem:s18+$0xFFFFFD60]  }
0xb9: {  	v43 =	vld [tilespmem:s18+$0xFFFFFD70];
	v14 =	vmul.f32 v14, v25;
	v40 =	vmul.f32 v33, v30  }
0xba: {  	v12 =	vmul.f32 v12, v26;
	v13 =	vmul.f32 v13, v27;
	v30 =	vld [tilespmem:s18+$0xFFFFFDE0]  }
0xbb: {  	v11 =	vmul.f32 v11, v26;
	v34 =	vld [tilespmem:s18+$0xFFFFFDF0];
	v33 =	vmul.f32 v52, v27;
	v19 =	vadd.f32 v40, v19  }
0xbc: {  	v36 =	vld [tilespmem:s18+$0xFFFFFE60];
	v27 =	vmul.f32 v56, v27;
	v9 =	vadd.f32 v9, v20;
	v13 =	vadd.f32 v13, v15  }
0xbd: {  	v44 =	vld [tilespmem:s18+$0xFFFFFE70];
	v33 =	vadd.f32 v33, v35;
	v15 =	vadd.f32 v46, v19;
	v19 =	vmul.f32 v60, v26  }
0xbe: {  	v9 =	vadd.f32 v27, v9;
	v27 =	vld [tilespmem:s18+$0xFFFFFEE0];
	v12 =	vadd.f32 v12, v13;
	v26 =	vmul.f32 v43, v26  }
0xbf: {  	v13 =	vmul.f32 v30, v25;
	v11 =	vadd.f32 v11, v15;
	v15 =	vld [tilespmem:s18+$0xFFFFFEF0];
	v19 =	vadd.f32 v19, v33  }
0xc0: {  	v25 =	vmul.f32 v34, v25;
	v12 =	vadd.f32 v51, v12;
	v9 =	vadd.f32 v26, v9;
	v26 =	vld [tilespmem:s18+$0xFFFFFF60]  }
0xc1: {  	v30 =	vld [tilespmem:s18+$0xFFFFFF70];
	v11 =	vadd.f32 v14, v11;
	v14 =	vmul.f32 v36, v22;
	v13 =	vadd.f32 v13, v19  }
0xc2: {  	v5 =	vadd.f32 v5, v12;
	v9 =	vadd.f32 v25, v9;
	v19 =	vmul.f32 v44, v22;
	v22 =	vld [tilespmem:s18+$0xFFFFFFE0]  }
0xc3: {  	v12 =	vld [tilespmem:s18+$0xFFFFFFF0];
	v6 =	vadd.f32 v6, v11;
	v11 =	vmul.f32 v27, v21;
	v13 =	vadd.f32 v14, v13  }
0xc4: {  	v9 =	vadd.f32 v19, v9;
	v14 =	vmul.f32 v15, v21;
	v15 =	vld [tilespmem:s18+$0x60]  }
0xc5: {  	v3 =	vadd.f32 v3, v6;
	v6 =	vmul.f32 v26, v18;
	v11 =	vadd.f32 v11, v13  }
0xc6: {  	v5 =	vadd.f32 v63, v5;
	v19 =	vld [tilespmem:s18+$0x70];
	v13 =	vmul.f32 v30, v18  }
0xc7: {  	v9 =	vadd.f32 v14, v9;
	v14 =	vld [tilespmem:s18+$0xE0];
	v18 =	vmul.f32 v22, v17;
	v6 =	vadd.f32 v6, v11  }
0xc8: {  	v5 =	vadd.f32 v61, v5;
	v11 =	vmul.f32 v12, v17;
	v17 =	vld [tilespmem:$0x1FFA0]  }
0xc9: {  	v21 =	vld [tilespmem:s18+$0xF0];
	v9 =	vadd.f32 v13, v9;
	v13 =	vmul.f32 v15, v16;
	v6 =	vadd.f32 v18, v6  }
0xca: {  	v12 =	vld [tilespmem:s18+$0x160]  }
0xcb: {  	v5 =	vadd.f32 v57, v5;
	v6 =	vadd.f32 v13, v6;
	v13 =	vld [tilespmem:$0x1FF80]  }
0xcc: {  	v15 =	vld [tilespmem:s18+$0x170];
	v14 =	vmul.f32 v14, v10  }
0xcd: {  	v5 =	vadd.f32 v17, v5;
	v17 =	vld [tilespmem:$0x1FFB0]  }
0xce: {  	v3 =	vadd.f32 v62, v3;
	v6 =	vadd.f32 v14, v6;
	v14 =	vld [tilespmem:$0x1FF50]  }
0xcf: {  	v9 =	vadd.f32 v11, v9;
	v11 =	vmul.f32 v19, v16;
	v16 =	vld [tilespmem:s18+$0x1E0]  }
0xd0: {  	v3 =	vadd.f32 v58, v3;
	v5 =	vadd.f32 v13, v5;
	v13 =	vld [tilespmem:$0x1FF90]  }
0xd1: {  	v9 =	vadd.f32 v11, v9;
	v11 =	vld [tilespmem:s18+$0x260]  }
0xd2: {  	v10 =	vmul.f32 v21, v10;
	v3 =	vadd.f32 v17, v3;
	v17 =	vld [tilespmem:s18+$0x1F0]  }
0xd3: {  	v5 =	vadd.f32 v14, v5;
	v14 =	vld [tilespmem:$0x1FF70]  }
0xd4: {  	v12 =	vmul.f32 v12, v8;
	v9 =	vadd.f32 v10, v9;
	v10 =	vld [tilespmem:s18+$0x2E0]  }
0xd5: {  	v8 =	vmul.f32 v15, v8;
	v3 =	vadd.f32 v13, v3;
	v13 =	vld [tilespmem:s18+$0x270]  }
0xd6: {  	v6 =	vadd.f32 v12, v6;
	v12 =	vld [tilespmem:$0x1FED0]  }
0xd7: {  	v15 =	vld [tilespmem:s18+$0x2F0];
	v8 =	vadd.f32 v8, v9  }
0xd8: {  	v3 =	vadd.f32 v14, v3;
	v14 =	vmul.f32 v16, v7;
	v7 =	vmul.f32 v17, v7;
	_ =	sdelay $0x1  }
0xd9: {  	v11 =	vmul.f32 v11, v4;
	v7 =	vadd.f32 v7, v8;
	v4 =	vmul.f32 v13, v4;
	v13 =	vld [tilespmem:$0x1FEB0]  }
0xda: {  	v5 =	vadd.f32 v12, v5;
	v12 =	vld [tilespmem:$0x1FEE0]  }
0xdb: {  	v10 =	vmul.f32 v10, v2;
	v2 =	vmul.f32 v15, v2;
	v4 =	vadd.f32 v4, v7;
	v7 =	vld [tilespmem:$0x1FE90]  }
0xdc: {  	v9 =	vld [tilespmem:s18+$0x360]  }
0xdd: {  	v2 =	vadd.f32 v2, v4;
	v4 =	vld [tilespmem:$0x1FE60]  }
0xde: {  	v5 =	vadd.f32 v13, v5;
	v13 =	vld [tilespmem:$0x1FEC0]  }
0xdf: {  	v3 =	vadd.f32 v12, v3;
	v12 =	vld [tilespmem:s18+$0x370]  }
0xe0: {  	v8 =	vld [tilespmem:s18+$0x3E0];
	v5 =	vadd.f32 v7, v5  }
0xe1: {  	v7 =	vld [tilespmem:$0x1FEA0]  }
0xe2: {  	v4 =	vadd.f32 v4, v5;
	v5 =	vld [tilespmem:$0x1FE70]  }
0xe3: {  	v6 =	vadd.f32 v14, v6;
	v3 =	vadd.f32 v13, v3;
	v13 =	vld [tilespmem:s18+$0x3F0];
	s18 =	sadd.s32 $0x800, s18  }
0xe4: {  	v14 =	vld [tilespmem:s18+$0x380]  }
0xe5: {  	v6 =	vadd.f32 v11, v6;
	v11 =	vld [tilespmem:s18+$0x390]  }
0xe6: {  	v15 =	vld [tilespmem:s18+$0x3C0]  }
0xe7: {  	v19 =	vld [tilespmem:s18+$0x330]  }
0xe8: {  	v20 =	vld [tilespmem:s18+$0x340]  }
0xe9: {  	v23 =	vld [tilespmem:s18+$0x350]  }
0xea: {  	v24 =	vld [tilespmem:s18+$0x280]  }
0xeb: {  	v28 =	vld [tilespmem:s18+$0x290]  }
0xec: {  	v29 =	vld [tilespmem:s18+$0x2A0]  }
0xed: {  	v31 =	vld [tilespmem:s18+$0x2B0]  }
0xee: {  	v32 =	vld [tilespmem:s18+$0x2C0]  }
0xef: {  	v37 =	vld [tilespmem:s18+$0x2D0]  }
0xf0: {  	v38 =	vld [tilespmem:s18+$0x200]  }
0xf1: {  	v43 =	vld [tilespmem:s18+$0x210]  }
0xf2: {  	v44 =	vld [tilespmem:s18+$0x220]  }
0xf3: {  	v49 =	vld [tilespmem:s18+$0x230]  }
0xf4: {  	v50 =	vld [tilespmem:s18+$0x240]  }
0xf5: {  	v51 =	vld [tilespmem:s18+$0x250]  }
0xf6: {  	v52 =	vld [tilespmem:s18+$0x180]  }
0xf7: {  	v57 =	vld [tilespmem:s18+$0x190];
	v3 =	vadd.f32 v7, v3  }
0xf8: {  	v58 =	vld [tilespmem:s18+$0x1A0];
	v7 =	vmul.f32 v9, v1;
	v1 =	vmul.f32 v12, v1  }
0xf9: {  	v60 =	vld [tilespmem:s18+$0x1B0];
	v3 =	vadd.f32 v5, v3  }
0xfa: {  	v61 =	vld [tilespmem:s18+$0x1C0];
	v5 =	vmul.f32 v8, v0;
	v1 =	vadd.f32 v1, v2;
	v0 =	vmul.f32 v13, v0  }
0xfb: {  	v62 =	vld [tilespmem:s18+$0x1D0]  }
0xfc: {  	v2 =	vld [tilespmem:$0x1FE00];
	v0 =	vadd.f32 v0, v1  }
0xfd: {  	v63 =	vld [tilespmem:s18+$0x100]  }
0xfe: {  	[tilespmem:$0x1FFC0] =	vst v0;
	v0 =	vld [tilespmem:$0x1FDB0]  }
0xff: {  	v33 =	vld [tilespmem:s18+$0x110]  }
0x100: {  	v34 =	vld [tilespmem:s18+$0x120]  }
0x101: {  	v35 =	vld [tilespmem:s18+$0x130];
	v2 =	vadd.f32 v2, v4  }
0x102: {  	v36 =	vld [tilespmem:s18+$0x140]  }
0x103: {  	[tilespmem:$0x1FFF0] =	vst v2;
	v2 =	vld [tilespmem:$0x1FE10]  }
0x104: {  	v39 =	vld [tilespmem:s18+$0x150]  }
0x105: {  	s21 =	sshra.s32 s20, $0x2;
	v40 =	vld [tilespmem:s18+$0x80]  }
0x106: {  	v6 =	vadd.f32 v10, v6;
	v27 =	vld.idx.msk [tilespmem:v0+s21+$0x0 ss:$0x1], $0xffff  }
0x107: {  	v41 =	vld [tilespmem:s18+$0x90]  }
0x108: {  	v42 =	vld [tilespmem:s18+$0xA0];
	v6 =	vadd.f32 v7, v6;
	v2 =	vadd.f32 v2, v3  }
0x109: {  	v45 =	vld [tilespmem:s18+$0xFFFFFE80]  }
0x10a: {  	v9 =	vld [tilespmem:s18+$0x3A0];
	[tilespmem:$0x1FFE0] =	vst v2;
	v2 =	vadd.f32 v5, v6  }
0x10b: {  	v12 =	vld [tilespmem:s18+$0x3B0];
	v1 =	vbroadcast v27, $0xE;
	v0 =	vbroadcast v27, $0xF  }
0x10c: {  	v13 =	vld [tilespmem:s18+$0x3D0];
	[tilespmem:$0x1FFD0] =	vst v2;
	v4 =	vbroadcast v27, $0xC;
	v2 =	vbroadcast v27, $0xD  }
0x10d: {  	v3 =	vld [tilespmem:s18+$0x300];
	v8 =	vbroadcast v27, $0xA;
	v7 =	vbroadcast v27, $0xB  }
0x10e: {  	v5 =	vld [tilespmem:s18+$0x310];
	v16 =	vbroadcast v27, $0x8;
	v10 =	vbroadcast v27, $0x9  }
0x10f: {  	v6 =	vld [tilespmem:s18+$0x320];
	v18 =	vbroadcast v27, $0x6;
	v14 =	vmul.f32 v14, v0  }
0x110: {  	v11 =	vmul.f32 v11, v0;
	v46 =	vmul.f32 v28, v2;
	v28 =	vld [tilespmem:s18+$0x50]  }
0x111: {  	v9 =	vmul.f32 v9, v0;
	v47 =	vmul.f32 v29, v2;
	v29 =	vld [tilespmem:s18+$0xFFFFFF80]  }
0x112: {  	v3 =	vmul.f32 v3, v1;
	v48 =	vmul.f32 v31, v2;
	v31 =	vld [tilespmem:s18+$0xFFFFFF90];
	[tilespmem:$0x1FDC0] =	vst v14  }
0x113: {  	v56 =	vmul.f32 v49, v4;
	v49 =	vmul.f32 v57, v7;
	v57 =	vld [tilespmem:s18+$0xFFFFFF10];
	[tilespmem:$0x1FDD0] =	vst v11  }
0x114: {  	v55 =	vmul.f32 v44, v4;
	v44 =	vld [tilespmem:s18+$0xFFFFFE90];
	[tilespmem:$0x1FE20] =	vst v3;
	v3 =	vmul.f32 v5, v1  }
0x115: {  	v59 =	vmul.f32 v58, v7;
	v58 =	vld [tilespmem:s18+$0xFFFFFCA0];
	[tilespmem:$0x1FDE0] =	vst v9;
	v9 =	vmul.f32 v12, v0  }
0x116: {  	v53 =	vmul.f32 v38, v4;
	v38 =	vld [tilespmem:s18+$0xFFFFFD30];
	[tilespmem:$0x1FE30] =	vst v3;
	v3 =	vmul.f32 v6, v1  }
0x117: {  	v54 =	vmul.f32 v43, v4;
	v43 =	vld [tilespmem:s18+$0xFFFFFDA0];
	[tilespmem:$0x1FDF0] =	vst v9;
	v9 =	vmul.f32 v15, v0  }
0x118: {  	v17 =	vbroadcast v27, $0x7;
	v11 =	vld [tilespmem:s18+$0xB0];
	[tilespmem:$0x1FE40] =	vst v3;
	v3 =	vmul.f32 v19, v1  }
0x119: {  	v22 =	vbroadcast v27, $0x4;
	v21 =	vbroadcast v27, $0x5;
	v14 =	vld [tilespmem:s18+$0xC0];
	[tilespmem:$0x1FE00] =	vst v9  }
0x11a: {  	v9 =	vmul.f32 v13, v0;
	v13 =	vld [tilespmem:s18+$0xD0];
	[tilespmem:$0x1FE50] =	vst v3;
	v3 =	vmul.f32 v20, v1  }
0x11b: {  	v12 =	vmul.f32 v41, v10;
	v41 =	vmul.f32 v45, v21;
	v45 =	vld [tilespmem:s18+$0xFFFFFC30]  }
0x11c: {  	v26 =	vbroadcast v27, $0x2;
	v19 =	vld [tilespmem:s18+$0x10];
	[tilespmem:$0x1FE60] =	vst v3;
	v3 =	vmul.f32 v23, v1  }
0x11d: {  	v30 =	vbroadcast v27, $0x0;
	v5 =	vmul.f32 v42, v10;
	v20 =	vld [tilespmem:s18+$0x20]  }
0x11e: {  	v6 =	vmul.f32 v63, v8;
	[tilespmem:$0x1FE70] =	vst v3;
	v3 =	vmul.f32 v24, v2;
	v24 =	vld [tilespmem:s18+$0x40]  }
0x11f: {  	v42 =	vmul.f32 v44, v21;
	[tilespmem:$0x1FE10] =	vst v9;
	v23 =	vld [tilespmem:s18+$0x30];
	v13 =	vmul.f32 v13, v10  }
0x120: {  	v15 =	vld [tilespmem:s18+$0x0];
	v14 =	vmul.f32 v14, v10;
	[tilespmem:$0x1FE80] =	vst v3;
	v3 =	vmul.f32 v32, v2  }
0x121: {  	v9 =	vmul.f32 v52, v7;
	v52 =	vmul.f32 v33, v8;
	[tilespmem:$0x1FF90] =	vst v13;
	v32 =	vld [tilespmem:s18+$0xFFFFFF00]  }
0x122: {  	v44 =	vld [tilespmem:$0x1FD70];
	v13 =	vmul.f32 v19, v16;
	[tilespmem:$0x1FE90] =	vst v3;
	v3 =	vmul.f32 v37, v2  }
0x123: {  	v33 =	vld [tilespmem:s18+$0xFFFFFE00];
	[tilespmem:$0x1FF80] =	vst v14;
	v14 =	vmul.f32 v20, v16;
	v20 =	vmul.f32 v24, v16  }
0x124: {  	v19 =	vld [tilespmem:s18+$0xFFFFFC90];
	v63 =	vmul.f32 v23, v16;
	[tilespmem:$0x1FEA0] =	vst v3;
	v3 =	vmul.f32 v50, v4  }
0x125: {  	v23 =	vmul.f32 v29, v17;
	v37 =	vld [tilespmem:s18+$0xFFFFFD20];
	[tilespmem:$0x1FFA0] =	vst v20;
	v20 =	vmul.f32 v28, v16  }
0x126: {  	v29 =	vmul.f32 v32, v18;
	v32 =	vld [tilespmem:s18+$0xFFFFFC20];
	[tilespmem:$0x1FEB0] =	vst v3;
	v3 =	vmul.f32 v51, v4  }
0x127: {  	v24 =	vmul.f32 v31, v17;
	v31 =	vmul.f32 v57, v18;
	[tilespmem:$0x1FFB0] =	vst v20;
	v20 =	vld [tilespmem:s18+$0xFFFFFC00]  }
0x128: {  	v57 =	vmul.f32 v45, v30;
	v45 =	vld [tilespmem:$0x1FD90];
	[tilespmem:$0x1FEC0] =	vst v3;
	v3 =	vmul.f32 v61, v7  }
0x129: {  	v25 =	vbroadcast v27, $0x3;
	v50 =	vmul.f32 v35, v8;
	v35 =	vld [tilespmem:s18+$0xFFFFFD80]  }
0x12a: {  	v27 =	vbroadcast v27, $0x1;
	v28 =	vld [tilespmem:s18+$0xFFFFFC10];
	[tilespmem:$0x1FED0] =	vst v3;
	v3 =	vmul.f32 v62, v7  }
0x12b: {  	v61 =	vld [tilespmem:s18+$0xFFFFFCB0];
	v62 =	vmul.f32 v15, v16;
	v32 =	vmul.f32 v32, v30  }
0x12c: {  	v15 =	vld [tilespmem:s18+$0xFFFFFC80];
	[tilespmem:$0x1FEE0] =	vst v3;
	v3 =	vmul.f32 v36, v8;
	v20 =	vmul.f32 v30, v20  }
0x12d: {  	v60 =	vmul.f32 v60, v7;
	v58 =	vmul.f32 v58, v27;
	v32 =	vadd.f32 v32, v45;
	v45 =	vld [tilespmem:$0x1FDA0]  }
0x12e: {  	v38 =	vmul.f32 v38, v26;
	[tilespmem:$0x1FF50] =	vst v3;
	v3 =	vmul.f32 v39, v8;
	v20 =	vadd.f32 v20, v44;
	v44 =	vld [tilespmem:$0x1FD80]  }
0x12f: {  	v11 =	vmul.f32 v11, v10;
	v33 =	vmul.f32 v33, v22;
	v39 =	vld [tilespmem:s18+$0xFFFFFD00]  }
0x130: {  	v19 =	vmul.f32 v19, v27;
	[tilespmem:$0x1FF70] =	vst v3;
	v3 =	vmul.f32 v40, v10;
	v40 =	vld [tilespmem:s18+$0xFFFFFD10]  }
0x131: {  	v51 =	vmul.f32 v34, v8;
	v28 =	vmul.f32 v28, v30;
	v36 =	vld [tilespmem:s18+$0xFFFFFD90]  }
0x132: {  	v34 =	vld [tilespmem:s18+$0xFFFFFE10];
	v35 =	vmul.f32 v35, v25;
	v15 =	vmul.f32 v15, v27  }
0x133: {  	v61 =	vmul.f32 v61, v27;
	v57 =	vadd.f32 v57, v45;
	v45 =	vld [tilespmem:s18+$0xFFFFFE20];
	v28 =	vadd.f32 v28, v44  }
0x134: {  	v32 =	vadd.f32 v58, v32;
	v15 =	vadd.f32 v15, v20;
	v39 =	vmul.f32 v39, v26;
	v44 =	vld [tilespmem:s18+$0xFFFFFDB0]  }
0x135: {  	v61 =	vadd.f32 v61, v57;
	v57 =	vld [tilespmem:s18+$0xFFFFFEA0];
	v40 =	vmul.f32 v40, v26;
	v19 =	vadd.f32 v19, v28  }
0x136: {  	v36 =	vmul.f32 v36, v25;
	v20 =	vmul.f32 v37, v26;
	v28 =	vld [tilespmem:s18+$0xFFFFFE30];
	v15 =	vadd.f32 v39, v15  }
0x137: {  	v39 =	vmul.f32 v43, v25;
	v43 =	vadd.f32 v38, v61;
	v38 =	vld [tilespmem:s18+$0xFFFFFF20];
	v19 =	vadd.f32 v40, v19  }
0x138: {  	v34 =	vmul.f32 v34, v22;
	v20 =	vadd.f32 v20, v32;
	v40 =	vld [tilespmem:s18+$0xFFFFFEB0];
	v15 =	vadd.f32 v35, v15  }
0x139: {  	v61 =	vmul.f32 v45, v22;
	v45 =	vld [tilespmem:s18+$0xFFFFFFB0];
	v58 =	vmul.f32 v44, v25;
	v19 =	vadd.f32 v36, v19  }
0x13a: {  	v20 =	vadd.f32 v39, v20;
	v44 =	vmul.f32 v57, v21;
	v36 =	vld [tilespmem:s18+$0xFFFFFF30];
	v15 =	vadd.f32 v33, v15  }
0x13b: {  	v32 =	vadd.f32 v58, v43;
	v28 =	vmul.f32 v28, v22;
	v43 =	vld [tilespmem:s18+$0xFFFFFFA0];
	v19 =	vadd.f32 v34, v19  }
0x13c: {  	v20 =	vadd.f32 v61, v20;
	v58 =	vld [tilespmem:s18+$0xFFFFFFC0];
	v38 =	vmul.f32 v38, v18;
	v15 =	vadd.f32 v41, v15  }
0x13d: {  	v61 =	vld [tilespmem:s18+$0xFFFFFFD0];
	v28 =	vadd.f32 v28, v32;
	v57 =	vmul.f32 v40, v21;
	v19 =	vadd.f32 v42, v19  }
0x13e: {  	v20 =	vadd.f32 v44, v20;
	v44 =	vmul.f32 v45, v17;
	v42 =	vld [tilespmem:s18+$0xFFFFFF40];
	v15 =	vadd.f32 v29, v15  }
0x13f: {  	v29 =	vld [tilespmem:s18+$0xFFFFFF50];
	v28 =	vadd.f32 v57, v28;
	v41 =	vmul.f32 v36, v18;
	v19 =	vadd.f32 v31, v19  }
0x140: {  	v45 =	vld [tilespmem:s18+$0xFFFFFED0];
	v20 =	vadd.f32 v38, v20;
	v31 =	vmul.f32 v43, v17;
	v15 =	vadd.f32 v23, v15  }
0x141: {  	v57 =	vmul.f32 v58, v17;
	v23 =	vld [tilespmem:s18+$0xFFFFFE40];
	v28 =	vadd.f32 v41, v28;
	v19 =	vadd.f32 v24, v19  }
0x142: {  	v43 =	vld [tilespmem:s18+$0xFFFFFEC0];
	v58 =	vmul.f32 v61, v17;
	v20 =	vadd.f32 v31, v20;
	v15 =	vadd.f32 v62, v15  }
0x143: {  	v24 =	vadd.f32 v44, v28;
	v28 =	vld [tilespmem:s18+$0xFFFFFE50];
	v61 =	vmul.f32 v42, v18;
	v13 =	vadd.f32 v13, v19  }
0x144: {  	p1 =	sne.s32 s20, $0x1C0;
	v62 =	vmul.f32 v29, v18;
	v19 =	vld [tilespmem:s18+$0xFFFFFDC0];
	v20 =	vadd.f32 v14, v20;
	v15 =	vadd.f32 v3, v15  }
.Ltmp2:
0x145: {  	v14 =	vld [tilespmem:s18+$0xFFFFFDD0];
	v3 =	vmul.f32 v45, v21;
	v24 =	vadd.f32 v63, v24;
	v13 =	vadd.f32 v12, v13;
	(pc) =	sbr.rel @p1 .LBB2_3-.Ltmp2, $4  }
0x146: {  	v12 =	vld [tilespmem:s18+$0xFFFFFD40];
	v20 =	vadd.f32 v5, v20;
	v5 =	vmul.f32 v23, v22;
	v23 =	vadd.f32 v6, v15  }
0x147: {  	v63 =	vmul.f32 v43, v21;
	v24 =	vadd.f32 v11, v24;
	v11 =	vld [tilespmem:s18+$0xFFFFFD50];
	v29 =	vadd.f32 v52, v13  }
0x148: {  	v13 =	vld [tilespmem:s18+$0xFFFFFCC0];
	v6 =	vmul.f32 v28, v22;
	v15 =	vadd.f32 v51, v20;
	v9 =	vadd.f32 v9, v23  }
0x149: {  	s20 =	sadd.s32 $0x40, s20;
	v52 =	vld [tilespmem:s18+$0xFFFFFCD0];
	v50 =	vadd.f32 v50, v24;
	v51 =	vmul.f32 v19, v25;
	v49 =	vadd.f32 v49, v29  }
0x14a: {  	v35 =	vld [tilespmem:s18+$0xE0];
	_ =	sdelay $0x4  }
0x14b: {  	[tilespmem:$0x1FAA0] =	vst v35;
	v35 =	vld [tilespmem:s18+$0xF0];
	_ =	sdelay $0x4  }
0x14c: {  	[tilespmem:$0x1FAB0] =	vst v35;
	v35 =	vld [tilespmem:s18+$0x160];
	_ =	sdelay $0x4  }
0x14d: {  	[tilespmem:$0x1FAC0] =	vst v35;
	v35 =	vld [tilespmem:s18+$0x170];
	_ =	sdelay $0x4  }
0x14e: {  	[tilespmem:$0x1FAD0] =	vst v35;
	v35 =	vld [tilespmem:s18+$0x1E0];
	_ =	sdelay $0x4  }
0x14f: {  	[tilespmem:$0x1FAE0] =	vst v35;
	v35 =	vld [tilespmem:s18+$0x1F0];
	_ =	sdelay $0x4  }
0x150: {  	[tilespmem:$0x1FAF0] =	vst v35;
	v35 =	vld [tilespmem:s18+$0x260];
	_ =	sdelay $0x4  }
0x151: {  	[tilespmem:$0x1FB00] =	vst v35;
	v35 =	vld [tilespmem:s18+$0x270];
	_ =	sdelay $0x4  }
0x152: {  	[tilespmem:$0x1FB10] =	vst v35;
	v35 =	vld [tilespmem:s18+$0x2E0];
	_ =	sdelay $0x4  }
0x153: {  	[tilespmem:$0x1FB20] =	vst v35;
	v35 =	vld [tilespmem:s18+$0x2F0]  }
0x154: {  	v19 =	vld [tilespmem:s18+$0xFFFFFC40]  }
0x155: {  	v20 =	vld [tilespmem:s18+$0xFFFFFC50]  }
0x156: {  	v23 =	vld [tilespmem:s18+$0xFFFFFC60]  }
0x157: {  	v24 =	vld [tilespmem:s18+$0xFFFFFC70]  }
0x158: {  	[tilespmem:$0x1FB30] =	vst v35;
	v35 =	vld [tilespmem:s18+$0x360]  }
0x159: {  	v28 =	vld [tilespmem:s18+$0xFFFFFCE0]  }
0x15a: {  	v29 =	vld [tilespmem:s18+$0xFFFFFCF0]  }
0x15b: {  	v31 =	vld [tilespmem:s18+$0xFFFFFD60]  }
0x15c: {  	v32 =	vld [tilespmem:s18+$0xFFFFFD70]  }
0x15d: {  	[tilespmem:$0x1FB40] =	vst v35;
	v35 =	vld [tilespmem:s18+$0x370]  }
0x15e: {  	v36 =	vld [tilespmem:s18+$0xFFFFFDE0]  }
0x15f: {  	v37 =	vld [tilespmem:s18+$0xFFFFFDF0]  }
0x160: {  	v38 =	vld [tilespmem:s18+$0xFFFFFE60]  }
0x161: {  	v43 =	vld [tilespmem:s18+$0xFFFFFE70]  }
0x162: {  	[tilespmem:$0x1FB50] =	vst v35;
	v35 =	vld [tilespmem:s18+$0x3E0]  }
0x163: {  	v44 =	vld [tilespmem:s18+$0xFFFFFEE0]  }
0x164: {  	v45 =	vld [tilespmem:s18+$0xFFFFFEF0]  }
0x165: {  	v41 =	vld [tilespmem:s18+$0xFFFFFF60]  }
0x166: {  	v42 =	vld [tilespmem:s18+$0xFFFFFF70]  }
0x167: {  	[tilespmem:$0x1FB60] =	vst v35;
	v35 =	vld [tilespmem:s18+$0x3F0]  }
0x168: {  	v40 =	vld [tilespmem:s18+$0xFFFFFFE0]  }
0x169: {  	v39 =	vld [tilespmem:s18+$0xFFFFFFF0]  }
0x16a: {  	v33 =	vld [tilespmem:s18+$0x60];
	s20 =	simm.s32 @p0 $0x80;
	s21 =	simm.s32 @p0 $0x100;
	s22 =	simm.s32 @p0 $0x400  }
0x16b: {  	v34 =	vld [tilespmem:s18+$0x70];
	[tilespmem:s22], [sflag:$0x1] =	stream.indirect.gather @p0 [hbm4b:s2+s20], $0x80, s21, s20, $0xb8  }
0x16c: {  	[tilespmem:$0x1FB70] =	vst v35  }
0x16d: {  	_ =	swait.ge [sflag:s14], $0x4000  }
0x16e: {  	[sflag:s14] =	ssyncset.done $0x0  }
0x16f: {  	s18 =	simm.s32 $0x4800;
	[sflag:s14] =	ssyncadd.s32 $0xFFFFC000  }
0x170: {  	v15 =	vadd.f32 v59, v15;
	v59 =	vld [tilespmem:s18+$0x380];
	_ =	sdelay $0x4  }
0x171: {  	[tilespmem:$0x1FBC0] =	vst v59;
	v59 =	vadd.f32 v60, v50;
	_ =	sdelay $0x1  }
0x172: {  	v35 =	vadd.f32 v56, v59;
	v59 =	vld [tilespmem:$0x1FE80];
	_ =	sdelay $0x1  }
0x173: {  	v35 =	vadd.f32 v48, v35;
	v48 =	vld [tilespmem:$0x1FE20]  }
0x174: {  	v9 =	vadd.f32 v53, v9;
	_ =	sdelay $0x1  }
0x175: {  	v9 =	vadd.f32 v59, v9  }
0x176: {  	v59 =	vld [tilespmem:$0x1FE50]  }
0x177: {  	v9 =	vadd.f32 v48, v9;
	v48 =	vld [tilespmem:$0x1FDC0];
	_ =	sdelay $0x1  }
0x178: {  	v15 =	vadd.f32 v55, v15;
	_ =	sdelay $0x1  }
0x179: {  	v15 =	vadd.f32 v47, v15  }
0x17a: {  	v47 =	vadd.f32 v59, v35;
	v59 =	vadd.f32 v48, v9;
	v9 =	vld [tilespmem:s18+$0x310]  }
0x17b: {  	v49 =	vadd.f32 v54, v49;
	_ =	sdelay $0x1  }
0x17c: {  	v46 =	vadd.f32 v46, v49;
	v49 =	vld [tilespmem:$0x1FE30];
	_ =	sdelay $0x1  }
0x17d: {  	[tilespmem:$0x1FBF0] =	vst v9;
	v9 =	vld [tilespmem:$0x1FDD0];
	_ =	sdelay $0x2  }
0x17e: {  	v46 =	vadd.f32 v49, v46;
	_ =	sdelay $0x1  }
0x17f: {  	v35 =	vadd.f32 v9, v46;
	v9 =	vmul.f32 v19, v30;
	v19 =	vmul.f32 v20, v30;
	v20 =	vld [tilespmem:s18+$0x320];
	_ =	sdelay $0x2  }
0x180: {  	v56 =	vld [tilespmem:$0x1FE40];
	_ =	sdelay $0x1  }
0x181: {  	[tilespmem:$0x1FC00] =	vst v20;
	v20 =	vld [tilespmem:$0x1FDE0];
	_ =	sdelay $0x2  }
0x182: {  	v15 =	vadd.f32 v56, v15;
	_ =	sdelay $0x1  }
0x183: {  	v24 =	vmul.f32 v24, v30;
	v48 =	vadd.f32 v20, v15;
	v20 =	vmul.f32 v23, v30;
	v30 =	vld [tilespmem:$0x1FFF0];
	_ =	sdelay $0x4  }
0x184: {  	v9 =	vadd.f32 v9, v30;
	v30 =	vld [tilespmem:$0x1FFE0];
	_ =	sdelay $0x4  }
0x185: {  	v19 =	vadd.f32 v19, v30;
	v30 =	vld [tilespmem:s18+$0x340];
	_ =	sdelay $0x4  }
0x186: {  	[tilespmem:$0x1FC10] =	vst v30;
	v30 =	vld [tilespmem:$0x1FFD0];
	_ =	sdelay $0x4  }
0x187: {  	v13 =	vmul.f32 v13, v27;
	v20 =	vadd.f32 v20, v30;
	v30 =	vmul.f32 v52, v27  }
0x188: {  	v56 =	vld [tilespmem:$0x1FFC0]  }
0x189: {  	v12 =	vmul.f32 v12, v26;
	v9 =	vadd.f32 v13, v9;
	v13 =	vadd.f32 v30, v19;
	v19 =	vld [tilespmem:s18+$0x290]  }
0x18a: {  	v11 =	vmul.f32 v11, v26  }
0x18b: {  	v9 =	vadd.f32 v12, v9;
	v12 =	vld [tilespmem:s18+$0x2B0]  }
0x18c: {  	v28 =	vmul.f32 v28, v27;
	v11 =	vadd.f32 v11, v13;
	v13 =	vmul.f32 v14, v25;
	v14 =	vld [tilespmem:s18+$0x2C0]  }
0x18d: {  	v46 =	vadd.f32 v24, v56;
	v27 =	vmul.f32 v29, v27  }
0x18e: {  	v11 =	vadd.f32 v13, v11;
	v13 =	vld [tilespmem:s18+$0x200];
	[tilespmem:$0x1FC40] =	vst v19;
	v19 =	vadd.f32 v28, v20;
	v20 =	vmul.f32 v31, v26  }
0x18f: {  	v27 =	vadd.f32 v27, v46;
	v26 =	vmul.f32 v32, v26  }
0x190: {  	[tilespmem:$0x1FC60] =	vst v12;
	v12 =	vadd.f32 v20, v19  }
0x191: {  	[tilespmem:$0x1FC70] =	vst v14;
	v14 =	vadd.f32 v26, v27;
	v19 =	vmul.f32 v36, v25;
	v20 =	vmul.f32 v37, v25  }
0x192: {  	v9 =	vadd.f32 v51, v9  }
0x193: {  	[tilespmem:$0x1FCB0] =	vst v13;
	v12 =	vadd.f32 v19, v12;
	v13 =	vadd.f32 v20, v14;
	v14 =	vmul.f32 v38, v22  }
0x194: {  	v5 =	vadd.f32 v5, v9  }
0x195: {  	v6 =	vadd.f32 v6, v11;
	v11 =	vmul.f32 v44, v21;
	v9 =	vadd.f32 v14, v12;
	_ =	sdelay $0x1  }
0x196: {  	v3 =	vadd.f32 v3, v6;
	v6 =	vadd.f32 v11, v9;
	v9 =	vmul.f32 v41, v18;
	v11 =	vld [tilespmem:s18+$0x250]  }
0x197: {  	v19 =	vmul.f32 v43, v22  }
0x198: {  	v6 =	vadd.f32 v9, v6;
	v9 =	vmul.f32 v40, v17  }
0x199: {  	v12 =	vadd.f32 v19, v13;
	v13 =	vmul.f32 v45, v21  }
0x19a: {  	v6 =	vadd.f32 v9, v6  }
0x19b: {  	v9 =	vmul.f32 v33, v16;
	[tilespmem:$0x1FCD0] =	vst v11;
	v11 =	vadd.f32 v13, v12;
	v12 =	vmul.f32 v42, v18;
	_ =	sdelay $0x1  }
0x19c: {  	v6 =	vadd.f32 v9, v6;
	v9 =	vld [tilespmem:$0x1FAA0];
	v11 =	vadd.f32 v12, v11;
	v12 =	vmul.f32 v39, v17;
	_ =	sdelay $0x1  }
0x19d: {  	v11 =	vadd.f32 v12, v11;
	v12 =	vmul.f32 v34, v16;
	_ =	sdelay $0x1  }
0x19e: {  	v11 =	vadd.f32 v12, v11;
	v12 =	vld [tilespmem:$0x1FAB0]  }
0x19f: {  	v9 =	vmul.f32 v9, v10;
	_ =	sdelay $0x1  }
0x1a0: {  	v6 =	vadd.f32 v9, v6;
	v9 =	vld [tilespmem:$0x1FAC0];
	_ =	sdelay $0x1  }
0x1a1: {  	v10 =	vmul.f32 v12, v10;
	_ =	sdelay $0x1  }
0x1a2: {  	v10 =	vadd.f32 v10, v11;
	v11 =	vld [tilespmem:$0x1FAD0]  }
0x1a3: {  	v13 =	vld [tilespmem:s18+$0x180];
	v9 =	vmul.f32 v9, v8;
	_ =	sdelay $0x1  }
0x1a4: {  	v6 =	vadd.f32 v9, v6;
	v9 =	vld [tilespmem:$0x1FAE0];
	_ =	sdelay $0x1  }
0x1a5: {  	v8 =	vmul.f32 v11, v8  }
0x1a6: {  	v5 =	vadd.f32 v63, v5;
	[tilespmem:$0x1FCF0] =	vst v13;
	v13 =	vld [tilespmem:$0x1FFA0]  }
0x1a7: {  	v8 =	vadd.f32 v8, v10;
	v10 =	vld [tilespmem:$0x1FAF0]  }
0x1a8: {  	v5 =	vadd.f32 v61, v5;
	v9 =	vmul.f32 v9, v7  }
0x1a9: {  	v12 =	vld [tilespmem:$0x1FF80]  }
0x1aa: {  	v5 =	vadd.f32 v57, v5;
	v6 =	vadd.f32 v9, v6;
	v9 =	vld [tilespmem:s18+$0x140]  }
0x1ab: {  	v11 =	vld [tilespmem:$0x1FF50]  }
0x1ac: {  	v5 =	vadd.f32 v13, v5;
	v13 =	vld [tilespmem:s18+$0x1B0];
	v7 =	vmul.f32 v10, v7;
	_ =	sdelay $0x1  }
0x1ad: {  	v5 =	vadd.f32 v12, v5;
	v7 =	vadd.f32 v7, v8;
	v8 =	vld [tilespmem:$0x1FB00]  }
0x1ae: {  	[tilespmem:$0x1FD50] =	vst v9;
	v9 =	vld [tilespmem:$0x1FB10]  }
0x1af: {  	v5 =	vadd.f32 v11, v5;
	v11 =	vld [tilespmem:s18+$0x110]  }
0x1b0: {  	[tilespmem:$0x1FD00] =	vst v13;
	v13 =	vld [tilespmem:$0x1FFB0]  }
0x1b1: {  	v3 =	vadd.f32 v62, v3;
	v10 =	vld [tilespmem:$0x1FED0]  }
0x1b2: {  	v12 =	vld [tilespmem:$0x1FF90]  }
0x1b3: {  	v3 =	vadd.f32 v58, v3;
	v8 =	vmul.f32 v8, v4;
	v4 =	vmul.f32 v9, v4;
	v9 =	vld [tilespmem:$0x1FEB0]  }
0x1b4: {  	[tilespmem:$0x1FD40] =	vst v11;
	v11 =	vld [tilespmem:$0x1FF70]  }
0x1b5: {  	v3 =	vadd.f32 v13, v3  }
0x1b6: {  	v5 =	vadd.f32 v10, v5;
	v10 =	vld [tilespmem:$0x1FEE0]  }
0x1b7: {  	v3 =	vadd.f32 v12, v3  }
0x1b8: {  	v5 =	vadd.f32 v9, v5;
	v9 =	vld [tilespmem:$0x1FEC0]  }
0x1b9: {  	v3 =	vadd.f32 v11, v3;
	_ =	sdelay $0x1  }
0x1ba: {  	v3 =	vadd.f32 v10, v3  }
0x1bb: {  	v4 =	vadd.f32 v4, v7;
	v7 =	vld [tilespmem:$0x1FB30]  }
0x1bc: {  	v3 =	vadd.f32 v9, v3;
	v9 =	vld [tilespmem:$0x1FB20];
	_ =	sdelay $0x4  }
0x1bd: {  	v9 =	vmul.f32 v9, v2;
	v2 =	vmul.f32 v7, v2;
	v7 =	vld [tilespmem:$0x1FE90];
	_ =	sdelay $0x4  }
0x1be: {  	v5 =	vadd.f32 v7, v5;
	v7 =	vld [tilespmem:$0x1FEA0];
	_ =	sdelay $0x3  }
0x1bf: {  	v2 =	vadd.f32 v2, v4;
	v4 =	vld [tilespmem:$0x1FB50]  }
0x1c0: {  	v3 =	vadd.f32 v7, v3;
	v7 =	vld [tilespmem:$0x1FB40];
	_ =	sdelay $0x4  }
0x1c1: {  	v11 =	vmul.f32 v4, v1;
	v7 =	vmul.f32 v7, v1;
	v1 =	vld [tilespmem:$0x1FE60];
	_ =	sdelay $0x4  }
0x1c2: {  	v5 =	vadd.f32 v1, v5;
	v1 =	vld [tilespmem:$0x1FB60];
	_ =	sdelay $0x2  }
0x1c3: {  	v53 =	vld [tilespmem:s18+$0x390]  }
0x1c4: {  	v54 =	vld [tilespmem:s18+$0x3B0]  }
0x1c5: {  	v12 =	vmul.f32 v1, v0;
	v1 =	vld [tilespmem:$0x1FE70]  }
0x1c6: {  	v55 =	vld [tilespmem:s18+$0x3C0]  }
0x1c7: {  	v49 =	vld [tilespmem:s18+$0x300]  }
0x1c8: {  	v60 =	vld [tilespmem:s18+$0x3A0]  }
0x1c9: {  	v15 =	vld [tilespmem:$0x1FDF0]  }
0x1ca: {  	v16 =	vadd.f32 v1, v3;
	v3 =	vld [tilespmem:$0x1FE00]  }
0x1cb: {  	v50 =	vld [tilespmem:s18+$0x3D0]  }
0x1cc: {  	v24 =	vld [tilespmem:s18+$0x280]  }
0x1cd: {  	v56 =	vld [tilespmem:s18+$0x220]  }
0x1ce: {  	v23 =	vld [tilespmem:s18+$0x330]  }
0x1cf: {  	s19 =	sadd.s32 $0x280, s19;
	v15 =	vadd.f32 v15, v47;
	v47 =	vld [tilespmem:s18+$0x80];
	v3 =	vadd.f32 v3, v5  }
0x1d0: {  	v20 =	vmov s19;
	v13 =	vld [tilespmem:s18+$0x1C0]  }
0x1d1: {  	[tilespmem:$0x1FB80] =	vst v3;
	v3 =	vld [tilespmem:$0x1FE10]  }
0x1d2: {  	v51 =	vld [tilespmem:s18+$0xFFFFFD10];
	v6 =	vadd.f32 v8, v6  }
0x1d3: {  	v1 =	vld [tilespmem:$0x1FB70]  }
0x1d4: {  	s31 =	simm.s32 $0x0;
	v25 =	vld [tilespmem:s18+$0x2D0];
	v6 =	vadd.f32 v9, v6  }
0x1d5: {  	v14 =	vld.idx.msk [tilespmem:v20+s31+$0x0 ss:$0x1], $0xffff  }
0x1d6: {  	[tilespmem:$0x1FD10] =	vst v13;
	v13 =	vld [tilespmem:s18+$0xFFFFFC10];
	v19 =	vadd.f32 v7, v6;
	v3 =	vadd.f32 v3, v16  }
0x1d7: {  	v8 =	vld [tilespmem:s18+$0xFFFFFC80]  }
0x1d8: {  	v9 =	vld [tilespmem:s18+$0xFFFFFC00];
	v11 =	vadd.f32 v11, v2;
	v17 =	vmul.f32 v1, v0;
	[tilespmem:$0x1FB90] =	vst v3;
	v3 =	vadd.f32 v12, v19  }
0x1d9: {  	v63 =	vld [tilespmem:s18+$0x100]  }
0x1da: {  	v21 =	vld [tilespmem:s18+$0xFFFFFC30];
	v26 =	vbroadcast v14, $0x1;
	v30 =	vbroadcast v14, $0x0;
	[tilespmem:$0x1FBA0] =	vst v3;
	v3 =	vadd.f32 v17, v11  }
0x1db: {  	[tilespmem:$0x1FC90] =	vst v25;
	v18 =	vld [tilespmem:s18+$0xFFFFFC20];
	v22 =	vbroadcast v14, $0x4;
	v27 =	vbroadcast v14, $0x2  }
0x1dc: {  	v25 =	vmul.f32 v8, v26;
	v4 =	vbroadcast v14, $0xC;
	[tilespmem:$0x1FBB0] =	vst v3;
	v3 =	vld [tilespmem:$0x1FBC0]  }
0x1dd: {  	v61 =	vld [tilespmem:s18+$0x1D0];
	v8 =	vmul.f32 v30, v9;
	v9 =	vmul.f32 v13, v30  }
0x1de: {  	v57 =	vld [tilespmem:s18+$0x190];
	v13 =	vbroadcast v14, $0x7;
	v2 =	vbroadcast v14, $0xD  }
0x1df: {  	v52 =	vld [tilespmem:s18+$0x350];
	v29 =	vadd.f32 v8, v59;
	v8 =	vbroadcast v14, $0xB;
	v0 =	vbroadcast v14, $0xF  }
0x1e0: {  	v46 =	vld [tilespmem:s18+$0x120];
	v11 =	vmul.f32 v18, v30;
	v17 =	vmul.f32 v21, v30  }
0x1e1: {  	v18 =	vld [tilespmem:s18+$0xFFFFFCA0];
	v33 =	vmul.f32 v3, v0;
	v3 =	vmul.f32 v55, v0  }
0x1e2: {  	v28 =	vld [tilespmem:s18+$0x2A0];
	v42 =	vadd.f32 v9, v35;
	v9 =	vbroadcast v14, $0x9;
	v29 =	vadd.f32 v25, v29  }
0x1e3: {  	v25 =	vbroadcast v14, $0x3;
	v15 =	vadd.f32 v17, v15;
	v17 =	vld [tilespmem:s18+$0xFFFFFD20];
	[tilespmem:$0x1FBD0] =	vst v3;
	v3 =	vmul.f32 v50, v0  }
0x1e4: {  	v40 =	vld [tilespmem:s18+$0xFFFFFD80];
	v7 =	vbroadcast v14, $0xA;
	v1 =	vbroadcast v14, $0xE  }
0x1e5: {  	v16 =	vbroadcast v14, $0x6;
	v12 =	vbroadcast v14, $0x8;
	[tilespmem:$0x1FBE0] =	vst v3;
	v3 =	vld [tilespmem:$0x1FBF0]  }
0x1e6: {  	v31 =	vld [tilespmem:s18+$0x90];
	v21 =	vbroadcast v14, $0x5;
	v11 =	vadd.f32 v11, v48;
	v14 =	vmul.f32 v18, v26  }
0x1e7: {  	v32 =	vld [tilespmem:s18+$0xA0]  }
0x1e8: {  	v44 =	vld [tilespmem:s18+$0x240];
	v11 =	vadd.f32 v14, v11;
	v17 =	vmul.f32 v17, v27  }
0x1e9: {  	v37 =	vld [tilespmem:s18+$0xB0]  }
0x1ea: {  	v11 =	vadd.f32 v17, v11;
	v17 =	vmul.f32 v40, v25;
	v40 =	vmul.f32 v3, v1;
	v3 =	vld [tilespmem:$0x1FC00]  }
0x1eb: {  	v38 =	vld [tilespmem:s18+$0x210]  }
0x1ec: {  	v43 =	vld [tilespmem:s18+$0x230]  }
0x1ed: {  	v62 =	vld [tilespmem:s18+$0x130]  }
0x1ee: {  	v10 =	vld [tilespmem:s18+$0xFFFFFC90]  }
0x1ef: {  	v41 =	vmul.f32 v3, v1;
	v3 =	vld [tilespmem:$0x1FC10]  }
0x1f0: {  	v6 =	vld [tilespmem:$0x1FCD0]  }
0x1f1: {  	v45 =	vld [tilespmem:s18+$0x150]  }
0x1f2: {  	v58 =	vld [tilespmem:s18+$0x1A0]  }
0x1f3: {  	v39 =	vmul.f32 v51, v27;
	v51 =	vld [tilespmem:s18+$0xFFFFFE30]  }
0x1f4: {  	v34 =	vld [tilespmem:s18+$0xFFFFFCB0];
	v3 =	vmul.f32 v3, v1  }
0x1f5: {  	[tilespmem:$0x1FC50] =	vst v28;
	v28 =	vmul.f32 v10, v26;
	v10 =	vld [tilespmem:s18+$0xC0];
	v6 =	vmul.f32 v6, v4  }
0x1f6: {  	v59 =	vld [tilespmem:s18+$0xFFFFFD00];
	[tilespmem:$0x1FC20] =	vst v3;
	v3 =	vmul.f32 v52, v1  }
0x1f7: {  	[tilespmem:$0x1FCE0] =	vst v6;
	v6 =	vld [tilespmem:$0x1FCF0]  }
0x1f8: {  	[tilespmem:$0x1FC30] =	vst v3;
	v3 =	vld [tilespmem:$0x1FC40]  }
0x1f9: {  	v5 =	vmul.f32 v44, v4;
	v44 =	vld [tilespmem:s18+$0x50]  }
0x1fa: {  	v35 =	vmul.f32 v53, v0;
	v53 =	vld [tilespmem:s18+$0xFFFFFD90]  }
0x1fb: {  	v36 =	vmul.f32 v54, v0;
	v54 =	vld [tilespmem:s18+$0xFFFFFE10]  }
0x1fc: {  	v28 =	vadd.f32 v28, v42;
	v42 =	vmul.f32 v23, v1;
	v23 =	vld [tilespmem:s18+$0xFFFFFE90]  }
0x1fd: {  	v50 =	vmul.f32 v3, v2;
	v3 =	vld [tilespmem:$0x1FC50]  }
0x1fe: {  	[tilespmem:$0x1FCC0] =	vst v5;
	v5 =	vld [tilespmem:s18+$0x20]  }
0x1ff: {  	v34 =	vmul.f32 v34, v26;
	v18 =	vld [tilespmem:s18+$0xFFFFFD30]  }
0x200: {  	v28 =	vadd.f32 v39, v28;
	v39 =	vmul.f32 v49, v1;
	v19 =	vmul.f32 v6, v8;
	v6 =	vld [tilespmem:$0x1FD00]  }
0x201: {  	v49 =	vmul.f32 v24, v2;
	v14 =	vmul.f32 v59, v27;
	v59 =	vld [tilespmem:s18+$0xFFFFFDA0]  }
0x202: {  	v24 =	vmul.f32 v51, v22;
	v51 =	vmul.f32 v3, v2;
	v3 =	vld [tilespmem:$0x1FC60]  }
0x203: {  	v14 =	vadd.f32 v14, v29;
	v29 =	vld [tilespmem:s18+$0xFFFFFDB0]  }
0x204: {  	v15 =	vadd.f32 v34, v15;
	v34 =	vmul.f32 v60, v0;
	v60 =	vld [tilespmem:s18+$0xFFFFFE00];
	v18 =	vmul.f32 v18, v27  }
0x205: {  	v48 =	vld [tilespmem:s18+$0xFFFFFF30]  }
0x206: {  	v55 =	vld [tilespmem:s18+$0xFFFFFE20];
	v15 =	vadd.f32 v18, v15;
	v18 =	vmul.f32 v53, v25  }
0x207: {  	v14 =	vadd.f32 v17, v14;
	v17 =	vmul.f32 v59, v25;
	v52 =	vmul.f32 v3, v2;
	v3 =	vld [tilespmem:$0x1FC70]  }
0x208: {  	v59 =	vld [tilespmem:s18+$0xFFFFFEA0];
	v18 =	vadd.f32 v18, v28;
	v28 =	vmul.f32 v29, v25  }
0x209: {  	v53 =	vld [tilespmem:s18+$0x0];
	v11 =	vadd.f32 v17, v11;
	v17 =	vmul.f32 v60, v22  }
0x20a: {  	v29 =	vld [tilespmem:s18+$0xFFFFFE80];
	v15 =	vadd.f32 v28, v15  }
0x20b: {  	v60 =	vld [tilespmem:s18+$0xFFFFFEB0];
	v28 =	vmul.f32 v54, v22;
	v14 =	vadd.f32 v17, v14;
	v17 =	vmul.f32 v55, v22  }
0x20c: {  	v55 =	vmul.f32 v38, v4;
	v38 =	vld [tilespmem:s18+$0xFFFFFFB0];
	v3 =	vmul.f32 v3, v2  }
0x20d: {  	v18 =	vadd.f32 v28, v18;
	v28 =	vld [tilespmem:s18+$0xFFFFFF00]  }
0x20e: {  	v31 =	vmul.f32 v31, v9;
	[tilespmem:$0x1FC80] =	vst v3;
	v3 =	vld [tilespmem:$0x1FC90]  }
0x20f: {  	v23 =	vmul.f32 v23, v21;
	v11 =	vadd.f32 v17, v11;
	v17 =	vmul.f32 v29, v21;
	v29 =	vld [tilespmem:s18+$0xFFFFFF10]  }
0x210: {  	v32 =	vmul.f32 v32, v9;
	v37 =	vmul.f32 v37, v9;
	v54 =	vld [tilespmem:s18+$0x40]  }
0x211: {  	v15 =	vadd.f32 v24, v15;
	v24 =	vld [tilespmem:s18+$0xFFFFFF20];
	v18 =	vadd.f32 v23, v18;
	v23 =	vmul.f32 v60, v21  }
0x212: {  	v60 =	vmul.f32 v6, v8;
	v6 =	vld [tilespmem:$0x1FD10];
	v14 =	vadd.f32 v17, v14;
	v17 =	vmul.f32 v59, v21  }
0x213: {  	v10 =	vmul.f32 v10, v9;
	v59 =	vld [tilespmem:s18+$0xFFFFFF80];
	v15 =	vadd.f32 v23, v15;
	v3 =	vmul.f32 v3, v2  }
0x214: {  	v11 =	vadd.f32 v17, v11;
	v17 =	vmul.f32 v28, v16;
	v23 =	vmul.f32 v29, v16;
	v29 =	vld [tilespmem:s18+$0xFFFFFFA0]  }
0x215: {  	v46 =	vmul.f32 v46, v7;
	v62 =	vmul.f32 v62, v7;
	[tilespmem:$0x1FCA0] =	vst v3;
	v3 =	vld [tilespmem:$0x1FCB0]  }
0x216: {  	v5 =	vmul.f32 v5, v12;
	v28 =	vld [tilespmem:s18+$0xFFFFFF90];
	v14 =	vadd.f32 v17, v14;
	v17 =	vmul.f32 v24, v16  }
0x217: {  	v6 =	vmul.f32 v6, v8;
	v18 =	vadd.f32 v23, v18;
	v23 =	vmul.f32 v48, v16;
	v48 =	vld [tilespmem:s18+$0xFFFFFF40]  }
0x218: {  	v11 =	vadd.f32 v17, v11;
	v17 =	vmul.f32 v59, v13;
	v59 =	vmul.f32 v58, v8;
	v58 =	vld [tilespmem:s18+$0xFFFFFFD0]  }
0x219: {  	v44 =	vmul.f32 v44, v12;
	[tilespmem:$0x1FD20] =	vst v6;
	v6 =	vmul.f32 v61, v8;
	v61 =	vld [tilespmem:s18+$0xFFFFFF50]  }
0x21a: {  	[tilespmem:$0x1FA90] =	vst v20;
	v14 =	vadd.f32 v17, v14;
	v17 =	vmul.f32 v29, v13;
	v20 =	vmul.f32 v3, v4;
	v3 =	vld [tilespmem:s18+$0x10]  }
0x21b: {  	v24 =	vmul.f32 v56, v4;
	v28 =	vmul.f32 v28, v13;
	[tilespmem:$0x1FD30] =	vst v6;
	v6 =	vld [tilespmem:$0x1FD40]  }
0x21c: {  	v15 =	vadd.f32 v23, v15;
	v29 =	vld [tilespmem:s18+$0x30];
	v11 =	vadd.f32 v17, v11;
	v17 =	vmul.f32 v53, v12  }
0x21d: {  	v23 =	vmul.f32 v57, v8;
	v57 =	vld [tilespmem:s18+$0xFFFFFFC0];
	v18 =	vadd.f32 v28, v18;
	v28 =	vmul.f32 v38, v13  }
0x21e: {  	v38 =	vld [tilespmem:s18+$0xD0];
	v14 =	vadd.f32 v17, v14;
	v5 =	vadd.f32 v5, v11;
	v11 =	vmul.f32 v47, v9  }
0x21f: {  	v56 =	vmul.f32 v43, v4;
	v17 =	vld [tilespmem:s18+$0xFFFFFE40];
	v3 =	vmul.f32 v3, v12  }
0x220: {  	v43 =	vmul.f32 v54, v12;
	v11 =	vadd.f32 v11, v14;
	v14 =	vmul.f32 v6, v7;
	v6 =	vld [tilespmem:$0x1FD50]  }
0x221: {  	v53 =	vld [tilespmem:s18+$0xFFFFFED0];
	v15 =	vadd.f32 v28, v15;
	v3 =	vadd.f32 v3, v18;
	v18 =	vmul.f32 v29, v12  }
0x222: {  	v28 =	vld [tilespmem:s18+$0xFFFFFE50];
	v58 =	vmul.f32 v58, v13;
	v61 =	vmul.f32 v61, v16  }
0x223: {  	v57 =	vmul.f32 v57, v13;
	v5 =	vadd.f32 v32, v5;
	v29 =	vld [tilespmem:s18+$0xFFFFFDC0];
	v15 =	vadd.f32 v18, v15  }
0x224: {  	v38 =	vmul.f32 v38, v9;
	v18 =	vmul.f32 v63, v7;
	v63 =	vld [tilespmem:s18+$0xFFFFFEC0];
	v3 =	vadd.f32 v31, v3  }
0x225: {  	v47 =	vmul.f32 v17, v22;
	v17 =	vld [tilespmem:s18+$0xFFFFFCC0];
	v32 =	vmul.f32 v6, v7;
	v6 =	vadd.f32 v37, v15  }
0x226: {  	[tilespmem:$0x1FD60] =	vst v10;
	v37 =	vmul.f32 v45, v7;
	v10 =	vadd.f32 v18, v11;
	v54 =	vadd.f32 v14, v3;
	v15 =	vld [tilespmem:s18+$0xFFFFFDD0]  }
0x227: {  	v18 =	vadd.f32 v46, v5;
	v3 =	vmul.f32 v48, v16;
	v14 =	vld [tilespmem:s18+$0xFFFFFD40];
	v48 =	vadd.f32 v62, v6  }
0x228: {  	v11 =	vld [tilespmem:s18+$0xFFFFFD50];
	v5 =	vadd.f32 v19, v10;
	v6 =	vmul.f32 v28, v22;
	v10 =	vmul.f32 v29, v25  }
0x229: {  	s19 =	simm.s32 $0x40;
	v46 =	vld [tilespmem:s18+$0xFFFFFCD0];
	v45 =	vadd.f32 v23, v54;
	v62 =	vmul.f32 v63, v21;
	v63 =	vmul.f32 v53, v21  }
.LBB2_5:
0x22a: {  	_ = 	snop  }
0x22b: {  	v18 =	vadd.f32 v59, v18;
	_ =	sdelay $0x1  }
0x22c: {  	v48 =	vadd.f32 v60, v48;
	v18 =	vadd.f32 v24, v18;
	_ =	sdelay $0x1  }
0x22d: {  	v48 =	vadd.f32 v56, v48;
	v18 =	vadd.f32 v51, v18;
	_ =	sdelay $0x1  }
0x22e: {  	v48 =	vadd.f32 v52, v48;
	v18 =	vadd.f32 v41, v18;
	_ =	sdelay $0x1  }
0x22f: {  	v56 =	vadd.f32 v42, v48;
	v18 =	vadd.f32 v34, v18  }
0x230: {  	v53 =	vld [tilespmem:s18+$0xFFFFFC60]  }
0x231: {  	v19 =	vld [tilespmem:s18+$0xFFFFFC40];
	v5 =	vadd.f32 v20, v5;
	[tilespmem:$0x1F990] =	vst v18;
	v18 =	vadd.f32 v36, v56  }
0x232: {  	v45 =	vadd.f32 v55, v45;
	v20 =	vld [tilespmem:$0x1FBA0]  }
0x233: {  	v5 =	vadd.f32 v49, v5;
	[tilespmem:$0x1F9A0] =	vst v18;
	v18 =	vld [tilespmem:$0x1FB80]  }
0x234: {  	v54 =	vld [tilespmem:s18+$0xFFFFFC70];
	v45 =	vadd.f32 v50, v45  }
0x235: {  	v60 =	vld [tilespmem:s18+$0xFFFFFC50];
	v59 =	vmul.f32 v53, v30;
	v5 =	vadd.f32 v39, v5  }
0x236: {  	v50 =	vld [tilespmem:s18+$0xFFFFFCF0];
	v19 =	vmul.f32 v19, v30;
	v39 =	vadd.f32 v40, v45  }
0x237: {  	v53 =	vadd.f32 v59, v20;
	v20 =	vld [tilespmem:$0x1FBB0];
	v5 =	vadd.f32 v33, v5  }
0x238: {  	v18 =	vadd.f32 v19, v18;
	v19 =	vld [tilespmem:$0x1FB90]  }
0x239: {  	v49 =	vld [tilespmem:s18+$0xFFFFFCE0];
	[tilespmem:$0x1F970] =	vst v5;
	v5 =	vadd.f32 v35, v39  }
0x23a: {  	v15 =	vmul.f32 v15, v25;
	v52 =	vmul.f32 v60, v30;
	v60 =	vld [tilespmem:s18+$0xFFFFFD70]  }
0x23b: {  	v55 =	vld [tilespmem:s18+$0xFFFFFD60];
	v14 =	vmul.f32 v14, v27;
	[tilespmem:$0x1F980] =	vst v5;
	v5 =	vmul.f32 v54, v30  }
0x23c: {  	v17 =	vmul.f32 v17, v26;
	v46 =	vmul.f32 v46, v26;
	v30 =	vld [tilespmem:s18+$0xFFFFFDE0]  }
0x23d: {  	v5 =	vadd.f32 v5, v20;
	v20 =	vmul.f32 v50, v26;
	v19 =	vadd.f32 v52, v19;
	v52 =	vld [tilespmem:s18+$0xFFFFFDF0]  }
0x23e: {  	v11 =	vmul.f32 v11, v27;
	v51 =	vmul.f32 v49, v26;
	v26 =	vld [tilespmem:s18+$0xFFFFFE60];
	v17 =	vadd.f32 v17, v18  }
0x23f: {  	v54 =	vld [tilespmem:s18+$0xFFFFFE70];
	v5 =	vadd.f32 v20, v5;
	v20 =	vmul.f32 v60, v27;
	v18 =	vadd.f32 v46, v19  }
0x240: {  	v33 =	vadd.f32 v51, v53;
	v14 =	vadd.f32 v14, v17;
	v19 =	vmul.f32 v55, v27;
	v27 =	vld [tilespmem:s18+$0xFFFFFEE0]  }
0x241: {  	v5 =	vadd.f32 v20, v5;
	v17 =	vmul.f32 v30, v25;
	v11 =	vadd.f32 v11, v18;
	v18 =	vld [tilespmem:s18+$0xFFFFFEF0]  }
0x242: {  	v10 =	vadd.f32 v10, v14;
	v19 =	vadd.f32 v19, v33;
	v20 =	vmul.f32 v52, v25;
	v25 =	vld [tilespmem:s18+$0xFFFFFF60]  }
0x243: {  	v14 =	vmul.f32 v26, v22;
	v11 =	vadd.f32 v15, v11;
	v15 =	vld [tilespmem:s18+$0xFFFFFF70]  }
0x244: {  	v10 =	vadd.f32 v47, v10;
	v17 =	vadd.f32 v17, v19;
	v19 =	vmul.f32 v54, v22;
	v22 =	vld [tilespmem:s18+$0xFFFFFFF0]  }
0x245: {  	v5 =	vadd.f32 v20, v5;
	v20 =	vld [tilespmem:s18+$0xFFFFFFE0];
	v6 =	vadd.f32 v6, v11  }
0x246: {  	v11 =	vmul.f32 v27, v21;
	v14 =	vadd.f32 v14, v17;
	v17 =	vmul.f32 v18, v21;
	v18 =	vld [tilespmem:s18+$0x60]  }
0x247: {  	v10 =	vadd.f32 v62, v10;
	v5 =	vadd.f32 v19, v5;
	v21 =	vld [tilespmem:s18+$0x70]  }
0x248: {  	v19 =	vmul.f32 v25, v16;
	v11 =	vadd.f32 v11, v14;
	v14 =	vmul.f32 v15, v16;
	v15 =	vld [tilespmem:s18+$0xE0]  }
0x249: {  	v5 =	vadd.f32 v17, v5;
	v16 =	vld [tilespmem:s18+$0xF0]  }
0x24a: {  	v3 =	vadd.f32 v3, v10;
	v10 =	vmul.f32 v20, v13;
	v11 =	vadd.f32 v19, v11  }
0x24b: {  	v13 =	vmul.f32 v22, v13;
	v5 =	vadd.f32 v14, v5;
	v14 =	vld [tilespmem:s18+$0x160]  }
0x24c: {  	v17 =	vmul.f32 v18, v12;
	v18 =	vld [tilespmem:s18+$0x170];
	v10 =	vadd.f32 v10, v11  }
0x24d: {  	v11 =	vmul.f32 v21, v12;
	v12 =	vld [tilespmem:s18+$0x1E0];
	v5 =	vadd.f32 v13, v5  }
0x24e: {  	v13 =	vmul.f32 v15, v9;
	v10 =	vadd.f32 v17, v10;
	v9 =	vmul.f32 v16, v9;
	v16 =	vld [tilespmem:$0x1FD60]  }
0x24f: {  	v3 =	vadd.f32 v57, v3;
	v5 =	vadd.f32 v11, v5;
	v11 =	vld [tilespmem:s18+$0x260]  }
0x250: {  	v6 =	vadd.f32 v63, v6;
	v15 =	vld [tilespmem:s18+$0x1F0];
	v14 =	vmul.f32 v14, v7;
	v10 =	vadd.f32 v13, v10  }
0x251: {  	v3 =	vadd.f32 v43, v3;
	v13 =	vld [tilespmem:s18+$0x2F0]  }
0x252: {  	v6 =	vadd.f32 v61, v6;
	v12 =	vmul.f32 v12, v8;
	v10 =	vadd.f32 v14, v10;
	v14 =	vld [tilespmem:$0x1FD20]  }
0x253: {  	v3 =	vadd.f32 v16, v3;
	v16 =	vld [tilespmem:s18+$0x270]  }
0x254: {  	v6 =	vadd.f32 v58, v6;
	v11 =	vmul.f32 v11, v4;
	v10 =	vadd.f32 v12, v10;
	v12 =	vld [tilespmem:$0x1FCC0]  }
0x255: {  	v5 =	vadd.f32 v9, v5;
	v7 =	vmul.f32 v18, v7;
	v9 =	vld [tilespmem:s18+$0x2E0];
	v3 =	vadd.f32 v32, v3  }
0x256: {  	v6 =	vadd.f32 v44, v6;
	v10 =	vadd.f32 v11, v10;
	v11 =	vld [tilespmem:$0x1FC80]  }
0x257: {  	v5 =	vadd.f32 v7, v5;
	v7 =	vmul.f32 v15, v8;
	v3 =	vadd.f32 v14, v3;
	v14 =	vld [tilespmem:$0x1FD30]  }
0x258: {  	v6 =	vadd.f32 v38, v6;
	v8 =	vld [tilespmem:s18+$0x360]  }
0x259: {  	v5 =	vadd.f32 v7, v5;
	v4 =	vmul.f32 v16, v4;
	v3 =	vadd.f32 v12, v3;
	v12 =	vld [tilespmem:$0x1FCE0]  }
0x25a: {  	v6 =	vadd.f32 v37, v6;
	v7 =	vld [tilespmem:s18+$0x3E0];
	v9 =	vmul.f32 v9, v2  }
0x25b: {  	v2 =	vmul.f32 v13, v2;
	v4 =	vadd.f32 v4, v5;
	v3 =	vadd.f32 v11, v3;
	v11 =	vld [tilespmem:$0x1FCA0]  }
0x25c: {  	v6 =	vadd.f32 v14, v6;
	v14 =	vld [tilespmem:s18+$0x370]  }
0x25d: {  	v2 =	vadd.f32 v2, v4;
	v4 =	vld [tilespmem:$0x1FC20]  }
0x25e: {  	v6 =	vadd.f32 v12, v6;
	v12 =	vld [tilespmem:s18+$0x3F0];
	s18 =	sadd.s32 $0x800, s18  }
0x25f: {  	v15 =	vld [tilespmem:s18+$0x380]  }
0x260: {  	v5 =	vld [tilespmem:s18+$0x390]  }
0x261: {  	v9 =	vadd.f32 v9, v10;
	v10 =	vld [tilespmem:s18+$0x3B0]  }
0x262: {  	v17 =	vld [tilespmem:s18+$0x3D0]  }
0x263: {  	v18 =	vld [tilespmem:s18+$0x320]  }
0x264: {  	v19 =	vld [tilespmem:s18+$0x330]  }
0x265: {  	v23 =	vld [tilespmem:s18+$0x340]  }
0x266: {  	v24 =	vld [tilespmem:s18+$0x350]  }
0x267: {  	v28 =	vld [tilespmem:s18+$0x280]  }
0x268: {  	v29 =	vld [tilespmem:s18+$0x290]  }
0x269: {  	v31 =	vld [tilespmem:s18+$0x2A0]  }
0x26a: {  	v55 =	vld [tilespmem:s18+$0x2B0]  }
0x26b: {  	v37 =	vld [tilespmem:s18+$0x2C0]  }
0x26c: {  	v3 =	vadd.f32 v4, v3;
	v4 =	vld [tilespmem:$0x1FC30]  }
0x26d: {  	v38 =	vld [tilespmem:s18+$0x2D0]  }
0x26e: {  	v8 =	vmul.f32 v8, v1;
	v43 =	vld [tilespmem:s18+$0x200];
	v1 =	vmul.f32 v14, v1  }
0x26f: {  	v44 =	vld [tilespmem:s18+$0x210];
	v6 =	vadd.f32 v11, v6  }
0x270: {  	v45 =	vld [tilespmem:s18+$0x220];
	v1 =	vadd.f32 v1, v2  }
0x271: {  	v46 =	vld [tilespmem:s18+$0x230];
	v4 =	vadd.f32 v4, v6;
	v6 =	vmul.f32 v7, v0;
	v0 =	vmul.f32 v12, v0  }
0x272: {  	v47 =	vld [tilespmem:s18+$0x240]  }
0x273: {  	v2 =	vld [tilespmem:$0x1FBD0];
	v0 =	vadd.f32 v0, v1  }
0x274: {  	v48 =	vld [tilespmem:s18+$0x250]  }
0x275: {  	[tilespmem:$0x1FBB0] =	vst v0;
	v0 =	vld [tilespmem:$0x1FA90]  }
0x276: {  	v57 =	vld [tilespmem:s18+$0x180]  }
0x277: {  	v58 =	vld [tilespmem:s18+$0x190]  }
0x278: {  	v59 =	vld [tilespmem:s18+$0x1A0];
	v2 =	vadd.f32 v2, v3  }
0x279: {  	v60 =	vld [tilespmem:s18+$0x1B0]  }
0x27a: {  	[tilespmem:$0x1FB80] =	vst v2;
	v2 =	vld [tilespmem:$0x1FBE0]  }
0x27b: {  	v61 =	vld [tilespmem:s18+$0x1C0]  }
0x27c: {  	s20 =	sshra.s32 s19, $0x2;
	v62 =	vld [tilespmem:s18+$0x1D0]  }
0x27d: {  	v26 =	vld.idx.msk [tilespmem:v0+s20+$0x0 ss:$0x1], $0xffff  }
0x27e: {  	v49 =	vld [tilespmem:s18+$0x100]  }
0x27f: {  	v7 =	vadd.f32 v8, v9;
	v3 =	vld [tilespmem:s18+$0x300];
	v2 =	vadd.f32 v2, v4  }
0x280: {  	v20 =	vld [tilespmem:s18+$0x110]  }
0x281: {  	[tilespmem:$0x1FB90] =	vst v2;
	v2 =	vadd.f32 v6, v7;
	v6 =	vld [tilespmem:s18+$0x310]  }
0x282: {  	v50 =	vld [tilespmem:s18+$0x120];
	v1 =	vbroadcast v26, $0xE  }
0x283: {  	v51 =	vld [tilespmem:s18+$0x130]  }
0x284: {  	v35 =	vld [tilespmem:s18+$0x140];
	v3 =	vmul.f32 v3, v1  }
0x285: {  	v36 =	vld [tilespmem:s18+$0x150]  }
0x286: {  	v39 =	vld [tilespmem:s18+$0x80];
	[tilespmem:$0x1F9C0] =	vst v3;
	v3 =	vmul.f32 v6, v1;
	v6 =	vmul.f32 v18, v1  }
0x287: {  	v40 =	vld [tilespmem:s18+$0x90]  }
0x288: {  	v41 =	vld [tilespmem:s18+$0xA0];
	v0 =	vbroadcast v26, $0xF;
	[tilespmem:$0x1F9D0] =	vst v6;
	v6 =	vmul.f32 v23, v1  }
0x289: {  	v32 =	vld [tilespmem:s18+$0xFFFFFF90];
	[tilespmem:$0x1FBA0] =	vst v2;
	v4 =	vbroadcast v26, $0xC;
	v2 =	vbroadcast v26, $0xD  }
0x28a: {  	v11 =	vld [tilespmem:s18+$0x3A0];
	v7 =	vbroadcast v26, $0xA;
	[tilespmem:$0x1FC20] =	vst v6;
	v6 =	vmul.f32 v24, v1  }
0x28b: {  	v42 =	vld [tilespmem:s18+$0xFFFFFE80];
	v9 =	vbroadcast v26, $0x9;
	v15 =	vmul.f32 v15, v0  }
0x28c: {  	v33 =	vld [tilespmem:s18+$0xFFFFFE10];
	v21 =	vbroadcast v26, $0x5;
	[tilespmem:$0x1FC30] =	vst v6;
	v6 =	vmul.f32 v29, v2  }
0x28d: {  	v34 =	vld [tilespmem:s18+$0xFFFFFD80];
	v5 =	vmul.f32 v5, v0;
	v54 =	vmul.f32 v55, v2;
	[tilespmem:$0x1FA30] =	vst v15  }
0x28e: {  	v14 =	vld [tilespmem:s18+$0x3C0];
	v55 =	vmul.f32 v44, v4;
	[tilespmem:$0x1F9E0] =	vst v6;
	v6 =	vmul.f32 v31, v2  }
0x28f: {  	v56 =	vmul.f32 v46, v4;
	v44 =	vld [tilespmem:s18+$0xFFFFFD00];
	[tilespmem:$0x1FA20] =	vst v5;
	v5 =	vmul.f32 v11, v0  }
0x290: {  	v46 =	vmul.f32 v49, v7;
	v49 =	vld [tilespmem:s18+$0xFFFFFC30];
	[tilespmem:$0x1FA10] =	vst v6;
	v6 =	vmul.f32 v37, v2  }
0x291: {  	v63 =	vmul.f32 v39, v9;
	v39 =	vmul.f32 v42, v21;
	v42 =	vld [tilespmem:s18+$0xFFFFFD30];
	[tilespmem:$0x1FA00] =	vst v5  }
0x292: {  	v15 =	vld [tilespmem:s18+$0xB0];
	[tilespmem:$0x1FC80] =	vst v6;
	v6 =	vmul.f32 v38, v2  }
0x293: {  	v18 =	vld [tilespmem:s18+$0x10];
	v5 =	vmul.f32 v10, v0;
	[tilespmem:$0x1F9B0] =	vst v3  }
0x294: {  	v3 =	vld [tilespmem:s18+$0x0];
	[tilespmem:$0x1FCA0] =	vst v6;
	v6 =	vmul.f32 v43, v4  }
0x295: {  	v30 =	vbroadcast v26, $0x0;
	v10 =	vmul.f32 v14, v0;
	v23 =	vld [tilespmem:s18+$0x20];
	[tilespmem:$0x1F9F0] =	vst v5  }
0x296: {  	v5 =	vld [tilespmem:s18+$0xC0];
	[tilespmem:$0x1FA70] =	vst v6;
	v6 =	vmul.f32 v45, v4  }
0x297: {  	v14 =	vmul.f32 v40, v9;
	v40 =	vmul.f32 v49, v30;
	v49 =	vld [tilespmem:$0x1F970];
	[tilespmem:$0x1FBD0] =	vst v10  }
0x298: {  	v10 =	vmul.f32 v17, v0;
	v17 =	vld [tilespmem:s18+$0xD0];
	[tilespmem:$0x1FA50] =	vst v6;
	v6 =	vmul.f32 v47, v4  }
0x299: {  	v24 =	vld [tilespmem:s18+$0x30]  }
0x29a: {  	v8 =	vbroadcast v26, $0xB;
	v29 =	vld [tilespmem:s18+$0x50];
	[tilespmem:$0x1FCC0] =	vst v6;
	v6 =	vmul.f32 v48, v4  }
0x29b: {  	[tilespmem:$0x1FBE0] =	vst v10;
	v31 =	vld [tilespmem:s18+$0xFFFFFF80];
	v5 =	vmul.f32 v5, v9  }
0x29c: {  	v12 =	vbroadcast v26, $0x8;
	v37 =	vld [tilespmem:s18+$0xFFFFFF00];
	[tilespmem:$0x1FCE0] =	vst v6;
	v6 =	vmul.f32 v57, v8  }
0x29d: {  	v16 =	vbroadcast v26, $0x6;
	v10 =	vmul.f32 v28, v2;
	v28 =	vld [tilespmem:s18+$0x40];
	[tilespmem:$0x1FD60] =	vst v5  }
0x29e: {  	v13 =	vbroadcast v26, $0x7;
	v5 =	vld [tilespmem:s18+$0xFFFFFD10];
	[tilespmem:$0x1FA60] =	vst v6;
	v6 =	vmul.f32 v58, v8  }
0x29f: {  	v11 =	vmul.f32 v15, v9;
	v52 =	vmul.f32 v29, v12;
	v29 =	vld [tilespmem:s18+$0xFFFFFC10]  }
0x2a0: {  	v15 =	vmul.f32 v24, v12;
	v43 =	vld [tilespmem:s18+$0xFFFFFE90];
	[tilespmem:$0x1FA80] =	vst v6;
	v6 =	vmul.f32 v61, v8  }
0x2a1: {  	v24 =	vmul.f32 v31, v13;
	v31 =	vmul.f32 v37, v16;
	v37 =	vld [tilespmem:s18+$0xFFFFFC20]  }
0x2a2: {  	[tilespmem:$0x1FD20] =	vst v6;
	v6 =	vmul.f32 v62, v8;
	v62 =	vmul.f32 v23, v12;
	v23 =	vld [tilespmem:s18+$0xFFFFFC00]  }
0x2a3: {  	v22 =	vbroadcast v26, $0x4;
	v45 =	vmul.f32 v20, v7;
	v20 =	vld [tilespmem:s18+$0xFFFFFE00]  }
0x2a4: {  	v27 =	vbroadcast v26, $0x2;
	v47 =	vmul.f32 v41, v9;
	v41 =	vld [tilespmem:s18+$0xFFFFFCA0]  }
0x2a5: {  	v25 =	vbroadcast v26, $0x3;
	v26 =	vbroadcast v26, $0x1;
	v57 =	vld [tilespmem:s18+$0xFFFFFF10]  }
0x2a6: {  	v38 =	vmul.f32 v43, v21;
	v61 =	vmul.f32 v3, v12;
	v3 =	vld [tilespmem:s18+$0xFFFFFC80]  }
0x2a7: {  	v43 =	vld [tilespmem:s18+$0xFFFFFDA0];
	v48 =	vmul.f32 v51, v7;
	v23 =	vmul.f32 v30, v23  }
0x2a8: {  	v51 =	vmul.f32 v17, v9;
	v17 =	vmul.f32 v18, v12;
	v18 =	vld [tilespmem:s18+$0xFFFFFC90]  }
0x2a9: {  	v53 =	vmul.f32 v28, v12;
	v28 =	vmul.f32 v32, v13;
	v23 =	vadd.f32 v23, v49;
	v49 =	vld [tilespmem:$0x1F980]  }
0x2aa: {  	v29 =	vmul.f32 v29, v30;
	v58 =	vld [tilespmem:s18+$0xFFFFFD20];
	v32 =	vmul.f32 v57, v16  }
0x2ab: {  	v57 =	vld [tilespmem:s18+$0xFFFFFCB0];
	[tilespmem:$0x1FD30] =	vst v6;
	v6 =	vmul.f32 v50, v7;
	v3 =	vmul.f32 v3, v26  }
0x2ac: {  	v50 =	vmul.f32 v36, v7;
	v36 =	vmul.f32 v44, v27;
	v44 =	vld [tilespmem:s18+$0xFFFFFDB0]  }
0x2ad: {  	[tilespmem:$0x1FA40] =	vst v6;
	v6 =	vmul.f32 v35, v7;
	v35 =	vld [tilespmem:s18+$0xFFFFFD90];
	v3 =	vadd.f32 v3, v23  }
0x2ae: {  	v34 =	vmul.f32 v34, v25;
	v29 =	vadd.f32 v29, v49;
	v49 =	vld [tilespmem:$0x1F990]  }
0x2af: {  	v23 =	vmul.f32 v58, v27;
	v58 =	vmul.f32 v42, v27;
	v42 =	vld [tilespmem:s18+$0xFFFFFEA0];
	v3 =	vadd.f32 v36, v3  }
0x2b0: {  	v18 =	vmul.f32 v18, v26;
	v36 =	vld [tilespmem:s18+$0xFFFFFEB0]  }
0x2b1: {  	v37 =	vmul.f32 v37, v30;
	v20 =	vmul.f32 v20, v22;
	v3 =	vadd.f32 v34, v3;
	v34 =	vld [tilespmem:$0x1FA00]  }
0x2b2: {  	v19 =	vmul.f32 v19, v1;
	v5 =	vmul.f32 v5, v27;
	v18 =	vadd.f32 v18, v29;
	v29 =	vld [tilespmem:s18+$0xFFFFFE30]  }
0x2b3: {  	v3 =	vadd.f32 v20, v3;
	v37 =	vadd.f32 v37, v49;
	v49 =	vld [tilespmem:$0x1F9A0]  }
0x2b4: {  	v35 =	vmul.f32 v35, v25;
	v20 =	vmul.f32 v42, v21;
	v42 =	vmovc v19;
	v19 =	vld [tilespmem:$0x1FA80];
	v5 =	vadd.f32 v5, v18  }
0x2b5: {  	v41 =	vmul.f32 v41, v26;
	v3 =	vadd.f32 v39, v3;
	v39 =	vld [tilespmem:$0x1F9C0]  }
0x2b6: {  	v5 =	vadd.f32 v35, v5;
	v35 =	vld [tilespmem:s18+$0xFFFFFF30]  }
0x2b7: {  	v33 =	vmul.f32 v33, v22;
	v37 =	vadd.f32 v41, v37;
	v41 =	vld [tilespmem:$0x1F9D0]  }
0x2b8: {  	v57 =	vmul.f32 v57, v26;
	v40 =	vadd.f32 v40, v49;
	v49 =	vld [tilespmem:s18+$0xFFFFFE20]  }
0x2b9: {  	v3 =	vadd.f32 v31, v3;
	v31 =	vld [tilespmem:s18+$0xFFFFFF50];
	v5 =	vadd.f32 v33, v5  }
0x2ba: {  	v33 =	vld [tilespmem:$0x1FA30];
	v40 =	vadd.f32 v57, v40  }
0x2bb: {  	v18 =	vmul.f32 v43, v25;
	v23 =	vadd.f32 v23, v37;
	v5 =	vadd.f32 v38, v5;
	v38 =	vmovc v51;
	v51 =	vld [tilespmem:$0x1FA10]  }
0x2bc: {  	v57 =	vmul.f32 v44, v25;
	v37 =	vadd.f32 v58, v40;
	v58 =	vld [tilespmem:s18+$0xFFFFFF20]  }
0x2bd: {  	v43 =	vmovc v53;
	v18 =	vadd.f32 v18, v23;
	v44 =	vmovc v52;
	v52 =	vmov v54;
	v54 =	vld [tilespmem:s18+$0xFFFFFFB0];
	v53 =	vmul.f32 v49, v22  }
0x2be: {  	v29 =	vmul.f32 v29, v22;
	v5 =	vadd.f32 v32, v5;
	v23 =	vadd.f32 v57, v37;
	v37 =	vld [tilespmem:s18+$0xFFFFFFA0]  }
0x2bf: {  	v40 =	vld [tilespmem:$0x1F9B0];
	v18 =	vadd.f32 v53, v18  }
0x2c0: {  	v5 =	vadd.f32 v28, v5;
	v28 =	vld [tilespmem:s18+$0xFFFFFE40];
	v23 =	vadd.f32 v29, v23;
	v29 =	vmul.f32 v36, v21  }
0x2c1: {  	v57 =	vld [tilespmem:s18+$0xFFFFFFC0];
	v58 =	vmul.f32 v58, v16;
	v18 =	vadd.f32 v20, v18  }
0x2c2: {  	v5 =	vadd.f32 v17, v5;
	v53 =	vld [tilespmem:s18+$0xFFFFFFD0];
	v20 =	vadd.f32 v29, v23;
	v23 =	vmul.f32 v35, v16  }
0x2c3: {  	v24 =	vadd.f32 v24, v3;
	v49 =	vmovc v10;
	v36 =	vld [tilespmem:$0x1F9F0];
	v10 =	vmul.f32 v37, v13;
	v18 =	vadd.f32 v58, v18  }
0x2c4: {  	v5 =	vadd.f32 v14, v5;
	v14 =	vld [tilespmem:s18+$0xFFFFFD40];
	v20 =	vadd.f32 v23, v20;
	v23 =	vmul.f32 v54, v13  }
0x2c5: {  	v29 =	vld [tilespmem:s18+$0xFFFFFF40];
	v18 =	vadd.f32 v10, v18  }
0x2c6: {  	v24 =	vadd.f32 v61, v24;
	v35 =	vld [tilespmem:s18+$0xFFFFFEC0];
	v20 =	vadd.f32 v23, v20  }
0x2c7: {  	v37 =	vmov v50;
	v50 =	vld [tilespmem:$0x1F9E0];
	v17 =	vadd.f32 v62, v18  }
0x2c8: {  	v54 =	vld [tilespmem:s18+$0xFFFFFED0];
	v18 =	vadd.f32 v15, v20;
	v20 =	vadd.f32 v63, v24  }
0x2c9: {  	v24 =	vadd.f32 v47, v17;
	v47 =	vmul.f32 v28, v22;
	v28 =	vadd.f32 v45, v5;
	v5 =	vld [tilespmem:$0x1FA40]  }
0x2ca: {  	v23 =	vld [tilespmem:s18+$0xFFFFFE50]  }
0x2cb: {  	v3 =	vmul.f32 v29, v16;
	v29 =	vld [tilespmem:s18+$0xFFFFFDC0]  }
0x2cc: {  	v62 =	vmul.f32 v35, v21;
	v35 =	vld [tilespmem:$0x1FA20]  }
0x2cd: {  	v15 =	vld [tilespmem:s18+$0xFFFFFDD0]  }
0x2ce: {  	p1 =	sne.s32 s19, $0x1C0;
	v61 =	vmul.f32 v31, v16;
	v31 =	vadd.f32 v11, v18;
	v18 =	vadd.f32 v5, v24;
	v5 =	vld [tilespmem:$0x1FA60]  }
.Ltmp3:
0x2cf: {  	v17 =	vld [tilespmem:s18+$0xFFFFFCC0];
	(pc) =	sbr.rel @p1 .LBB2_5-.Ltmp3, $4  }
0x2d0: {  	v59 =	vmul.f32 v59, v8;
	v60 =	vmul.f32 v60, v8;
	v11 =	vld [tilespmem:s18+$0xFFFFFD50]  }
0x2d1: {  	v57 =	vmul.f32 v57, v13;
	v58 =	vmul.f32 v53, v13;
	v20 =	vadd.f32 v46, v20;
	v46 =	vld [tilespmem:s18+$0xFFFFFCD0]  }
0x2d2: {  	v32 =	vmovc v6;
	v63 =	vmul.f32 v54, v21;
	v6 =	vmul.f32 v23, v22;
	v45 =	vadd.f32 v19, v28;
	v24 =	vld [tilespmem:$0x1FA50]  }
0x2d3: {  	s19 =	sadd.s32 $0x40, s19;
	v48 =	vadd.f32 v48, v31;
	v10 =	vmul.f32 v29, v25;
	v5 =	vadd.f32 v5, v20;
	v20 =	vld [tilespmem:$0x1FA70]  }
0x2d4: {  	v54 =	vld [tilespmem:s18+$0xFFFFFC40]  }
0x2d5: {  	v23 =	vadd.f32 v55, v45;
	v55 =	vld [tilespmem:s18+$0xFFFFFC50]  }
0x2d6: {  	v28 =	vld [tilespmem:s18+$0xFFFFFC60]  }
0x2d7: {  	v29 =	vld [tilespmem:s18+$0xFFFFFC70]  }
0x2d8: {  	v31 =	vld [tilespmem:s18+$0xFFFFFCE0];
	v5 =	vadd.f32 v20, v5  }
0x2d9: {  	v45 =	vld [tilespmem:$0x1FBA0]  }
0x2da: {  	v53 =	vld [tilespmem:s18+$0xFFFFFE70];
	v19 =	vadd.f32 v60, v48;
	v5 =	vadd.f32 v49, v5  }
0x2db: {  	v18 =	vadd.f32 v59, v18;
	v48 =	vld [tilespmem:$0x1FBB0];
	v23 =	vadd.f32 v50, v23  }
0x2dc: {  	v50 =	vld [tilespmem:s18+$0xFFFFFDE0];
	v19 =	vadd.f32 v56, v19;
	v5 =	vadd.f32 v39, v5  }
0x2dd: {  	v18 =	vadd.f32 v24, v18;
	v23 =	vadd.f32 v40, v23;
	v40 =	vld [tilespmem:$0x1FB80]  }
0x2de: {  	v19 =	vadd.f32 v52, v19;
	v39 =	vadd.f32 v33, v5;
	v5 =	vld [tilespmem:s18+$0xFFFFFCF0]  }
0x2df: {  	v18 =	vadd.f32 v51, v18;
	v51 =	vld [tilespmem:s18+$0xFFFFFDF0]  }
0x2e0: {  	v17 =	vmul.f32 v17, v26;
	v19 =	vadd.f32 v42, v19;
	v42 =	vld [tilespmem:s18+$0xFFFFFD70]  }
0x2e1: {  	v14 =	vmul.f32 v14, v27;
	v60 =	vmul.f32 v29, v30;
	v18 =	vadd.f32 v41, v18;
	v41 =	vld [tilespmem:$0x1FB90]  }
0x2e2: {  	v15 =	vmul.f32 v15, v25;
	v20 =	vmul.f32 v54, v30;
	v52 =	vld [tilespmem:s18+$0xFFFFFE60]  }
0x2e3: {  	v59 =	vmul.f32 v28, v30;
	v54 =	vld [tilespmem:s18+$0xFFFFFEE0];
	v28 =	vadd.f32 v60, v48;
	v5 =	vmul.f32 v5, v26  }
0x2e4: {  	v56 =	vmul.f32 v55, v30;
	v29 =	vld [tilespmem:s18+$0xFFFFFFF0];
	v35 =	vadd.f32 v35, v23;
	v49 =	vadd.f32 v36, v19  }
0x2e5: {  	v36 =	vld [tilespmem:s18+$0xFFFFFD60];
	v19 =	vadd.f32 v20, v40;
	v23 =	vmul.f32 v42, v27;
	v5 =	vadd.f32 v5, v28  }
0x2e6: {  	v31 =	vmul.f32 v31, v26;
	v24 =	vadd.f32 v59, v45;
	v20 =	vadd.f32 v56, v41;
	v56 =	vld [tilespmem:s18+$0xFFFFFEF0]  }
0x2e7: {  	v59 =	vld [tilespmem:s18+$0xFFFFFF60];
	v17 =	vadd.f32 v17, v19;
	v19 =	vmul.f32 v51, v25;
	v5 =	vadd.f32 v23, v5  }
0x2e8: {  	v46 =	vmul.f32 v46, v26;
	v55 =	vmul.f32 v50, v25;
	v34 =	vadd.f32 v34, v18;
	v25 =	vld [tilespmem:s18+$0xFFFFFF70]  }
0x2e9: {  	v48 =	vld [tilespmem:s18+$0x170];
	v24 =	vadd.f32 v31, v24;
	v26 =	vmul.f32 v53, v22;
	v5 =	vadd.f32 v19, v5  }
0x2ea: {  	v11 =	vmul.f32 v11, v27;
	v31 =	vld [tilespmem:s18+$0x60];
	v14 =	vadd.f32 v14, v17;
	v20 =	vadd.f32 v46, v20  }
0x2eb: {  	v33 =	vld [tilespmem:s18+$0x70];
	v18 =	vmul.f32 v36, v27;
	v30 =	vmul.f32 v56, v21;
	v5 =	vadd.f32 v26, v5  }
0x2ec: {  	v40 =	vld [tilespmem:s18+$0xE0];
	v60 =	vmul.f32 v52, v22;
	v10 =	vadd.f32 v10, v14;
	v11 =	vadd.f32 v11, v20  }
0x2ed: {  	v52 =	vld [tilespmem:s18+$0x1F0];
	v18 =	vadd.f32 v18, v24;
	v36 =	vmul.f32 v25, v16;
	v5 =	vadd.f32 v30, v5  }
0x2ee: {  	v45 =	vmul.f32 v29, v13;
	v42 =	vld [tilespmem:s18+$0xF0];
	v10 =	vadd.f32 v47, v10;
	v11 =	vadd.f32 v15, v11  }
0x2ef: {  	v46 =	vld [tilespmem:s18+$0x160];
	v14 =	vmul.f32 v59, v16;
	v18 =	vadd.f32 v55, v18;
	v5 =	vadd.f32 v36, v5  }
0x2f0: {  	v51 =	vld [tilespmem:s18+$0x1E0];
	v50 =	vmul.f32 v33, v12;
	v10 =	vadd.f32 v62, v10;
	v6 =	vadd.f32 v6, v11  }
0x2f1: {  	v27 =	vld [tilespmem:s18+$0xFFFFFFE0];
	v28 =	vmul.f32 v54, v21;
	v15 =	vadd.f32 v60, v18;
	v5 =	vadd.f32 v45, v5  }
0x2f2: {  	v47 =	vmul.f32 v31, v12;
	v54 =	vld [tilespmem:$0x1FD60];
	v3 =	vadd.f32 v3, v10;
	v6 =	vadd.f32 v63, v6  }
0x2f3: {  	v53 =	vmul.f32 v42, v9;
	v55 =	vld [tilespmem:s18+$0x260];
	v11 =	vadd.f32 v28, v15;
	v5 =	vadd.f32 v50, v5  }
0x2f4: {  	v56 =	vmul.f32 v46, v7;
	v3 =	vadd.f32 v57, v3;
	v57 =	vld [tilespmem:s18+$0x270];
	v6 =	vadd.f32 v61, v6  }
0x2f5: {  	v59 =	vld [tilespmem:s18+$0x2F0];
	v7 =	vmul.f32 v48, v7;
	v11 =	vadd.f32 v14, v11;
	v5 =	vadd.f32 v53, v5  }
0x2f6: {  	v41 =	vmul.f32 v27, v13;
	v3 =	vadd.f32 v43, v3;
	v6 =	vadd.f32 v58, v6;
	v58 =	vld [tilespmem:s18+$0x2E0]  }
0x2f7: {  	v13 =	vmul.f32 v51, v8;
	v5 =	vadd.f32 v7, v5;
	v7 =	vmul.f32 v52, v8;
	v8 =	vld [tilespmem:$0x1FD20]  }
0x2f8: {  	v12 =	vmul.f32 v55, v4;
	v11 =	vadd.f32 v41, v11;
	v3 =	vadd.f32 v54, v3  }
0x2f9: {  	v6 =	vadd.f32 v44, v6;
	v4 =	vmul.f32 v57, v4;
	v5 =	vadd.f32 v7, v5;
	v7 =	vld [tilespmem:$0x1FCC0]  }
0x2fa: {  	v10 =	vmul.f32 v40, v9;
	v11 =	vadd.f32 v47, v11;
	v3 =	vadd.f32 v32, v3  }
0x2fb: {  	v9 =	vmul.f32 v58, v2;
	v2 =	vmul.f32 v59, v2;
	v4 =	vadd.f32 v4, v5;
	v5 =	vld [tilespmem:$0x1FC80]  }
0x2fc: {  	v60 =	vld [tilespmem:$0x1FD30];
	v6 =	vadd.f32 v38, v6;
	v3 =	vadd.f32 v8, v3  }
0x2fd: {  	v10 =	vadd.f32 v10, v11;
	v2 =	vadd.f32 v2, v4;
	v4 =	vld [tilespmem:$0x1FC20]  }
0x2fe: {  	v62 =	vld [tilespmem:$0x1FCE0];
	v3 =	vadd.f32 v7, v3  }
0x2ff: {  	v6 =	vadd.f32 v37, v6;
	v10 =	vadd.f32 v56, v10;
	v8 =	vld [tilespmem:s18+$0x360]  }
0x300: {  	v3 =	vadd.f32 v5, v3;
	v5 =	vld [tilespmem:$0x1FCA0]  }
0x301: {  	v6 =	vadd.f32 v60, v6;
	v10 =	vadd.f32 v13, v10  }
0x302: {  	v3 =	vadd.f32 v4, v3;
	v4 =	vld [tilespmem:$0x1FC30]  }
0x303: {  	v6 =	vadd.f32 v62, v6;
	v10 =	vadd.f32 v12, v10;
	_ =	sdelay $0x1  }
0x304: {  	v8 =	vmul.f32 v8, v1;
	v5 =	vadd.f32 v5, v6;
	v6 =	vadd.f32 v9, v10  }
0x305: {  	v61 =	vld [tilespmem:s18+$0x370]  }
0x306: {  	v4 =	vadd.f32 v4, v5;
	v5 =	vadd.f32 v8, v6;
	v6 =	vld [tilespmem:$0x1FBD0]  }
0x307: {  	v63 =	vld [tilespmem:s18+$0x3F0]  }
0x308: {  	v7 =	vld [tilespmem:s18+$0x3E0];
	_ =	sdelay $0x2  }
0x309: {  	v1 =	vmul.f32 v61, v1;
	v6 =	vadd.f32 v6, v3;
	v3 =	vld [tilespmem:$0x1FBE0]  }
.Ltmp4:
0x30a: {  	_ = 	snop;
	(pc) =	sbr.rel @!p0 .LBB2_8-.Ltmp4, $3  }
0x30b: {  	v1 =	vadd.f32 v1, v2;
	v2 =	vmul.f32 v7, v0;
	v0 =	vmul.f32 v63, v0;
	_ =	sdelay $0x1  }
0x30c: {  	v0 =	vadd.f32 v0, v1  }
0x30d: {  	v2 =	vadd.f32 v2, v5;
	v3 =	vadd.f32 v3, v4  }
.Ltmp5:
0x30e: {  	[tilespmem:$0x1FFF0] =	vst v6;
	(pc) =	sbr.rel .LBB2_2-.Ltmp5, $4  }
0x30f: {  	[tilespmem:$0x1FFC0] =	vst v0  }
0x310: {  	[tilespmem:s11], [sflag:$0x2] =	stream.indirect.gather [hbm4b:s2+s9], $0x80, s15, s9, $0xb8;
	[tilespmem:$0x8480] =	vst v63  }
0x311: {  	[tilespmem:$0x1FFE0] =	vst v3  }
0x312: {  	s19 =	simm.s32 $0x400;
	p0 =	por $0x0, $0x0;
	[tilespmem:$0x1FFD0] =	vst v2  }
.LBB2_9:
0x313: {  	_ =	sfence.sel $0x180000  }
0x314: {  	[bflag:$0x0] =	sbarrier.arrive $0xFFFF  }
0x315: {  	p0 =	sne.s32 s1, $0x0;
	_ =	strace $0x90000047  }
0x316: {  	s0 =	sadd.s32 @!p0 $0x100000, s0;
	[bflag:$0x2] =	sbarrier.arrive $0xFFFF  }
0x317: {  	[sflag:s0] =	ssyncadd.tile.s32 @!p0 $0x1;
	_ =	shalt  }
.Lfunc_end2:
_tile_overlayer_lowered:
.L_overlay_start_2:
0x318: {  	(tag) =	ssettag $0x2  }
0x319: {  	s0 =	rddreg [dreg:$0x0];
	s2 =	stileid.u32  }
0x31a: {  	s1 =	rddreg [dreg:$0x1];
	p0 =	sne.s32 s2, $0x0  }
0x31b: {  	s3 =	rddreg [dreg:$0x2];
	[bflag:$0x3] =	sbarrier.arrive $0xFFFF;
	s2 =	simm.s32 @!p0 $0x1C03  }
0x31c: {  	[timem:s3], [sflag:s2] =	dma.local @!p0 [hbm:s0], s1  }
0x31d: {  	s0 =	simm.s32 @!p0 $0x3  }
0x31e: {  	_ =	swait.ge @!p0 [sflag:s0], s1  }
0x31f: {  	s1 =	ssub.s32 @!p0 $0x0, s1;
	[sflag:s0] =	ssyncset.done @!p0 $0x0  }
0x320: {  	[sflag:s0] =	ssyncadd.s32 @!p0 s1  }
0x321: {  	[bflag:$0x3] =	sbarrier.arrive $0xFFFF  }
0x322: {  	_ =	shalt  }

</sc_bundles>
